<compile_context>
chip_gen: v7x
topology: tpu7x:2x2x1
jax: 0.10.2.dev20260603
libtpu: 0.0.44.dev20260713+nightly
codegen_flags: <defaults>
</compile_context>

<pallas_src>
import functools

import jax
import jax.numpy as jnp
from jax import lax
from jax.experimental import pallas as pl
from jax.experimental.pallas import tpu as pltpu
from jax.experimental.pallas import tpu_sc as plsc

_N = 10000
_E = 160000
_D_IN = 256
_D_H = 512
_D_OUT = 64
_D_E = 16
_Q = 64
_EDW = 32
_NH = _N // 2
_NHP = _NH + 8
_ROWS = 624
_TAIL = 9984
_SLAB = 312
_XK = 40
_XKE = 80
_XK2 = 40
_EPT = _E // 16
_EPT2 = _E // 32

_mesh = plsc.VectorSubcoreMesh(core_axis_name="c", subcore_axis_name="s")
_sc_params = pltpu.CompilerParams(use_tc_tiling_on_sc=False)


def _hbm_to_spmem(hbm, spmem, buf, sid, hoff):
    for c in range(2):
        r0 = sid * _ROWS + c * _SLAB
        pltpu.sync_copy(hbm.at[pl.ds(hoff + r0, _SLAB)], buf)
        pltpu.sync_copy(buf, spmem.at[pl.ds(r0, _SLAB)])

    @pl.when(sid == 15)
    def _():
        pltpu.sync_copy(hbm.at[pl.ds(hoff + _TAIL, 16)], buf.at[pl.ds(0, 16)])
        pltpu.sync_copy(buf.at[pl.ds(0, 16)], spmem.at[pl.ds(_TAIL, 16)])


def _spmem_to_hbm(spmem, hbm, buf, sid, hoff):
    for c in range(2):
        r0 = sid * _ROWS + c * _SLAB
        pltpu.sync_copy(spmem.at[pl.ds(r0, _SLAB)], buf)
        pltpu.sync_copy(buf, hbm.at[pl.ds(hoff + r0, _SLAB)])

    @pl.when(sid == 15)
    def _():
        pltpu.sync_copy(spmem.at[pl.ds(_TAIL, 16)], buf.at[pl.ds(0, 16)])
        pltpu.sync_copy(buf.at[pl.ds(0, 16)], hbm.at[pl.ds(hoff + _TAIL, 16)])


_D = 8
_D1 = 6
_NCH = _EPT // _XK
_NCHE = _EPT // _XKE
_NCH2 = _EPT2 // _XK2


def _pipe_gather_scatter(gather_src, idx2, didx2, acc, slots, gsems, ssems,
                         kk, depth=_D, col=None, cw=0):
    linear = isinstance(gather_src, tuple)
    nch = didx2.shape[0] // kk
    _D = depth

    def slot(b):
        return slots.at[pl.ds(b * kk, kk)]

    def gdesc(j, b):
        if linear:
            base, ref = gather_src
            return pltpu.make_async_copy(ref.at[pl.ds(base + j * kk, kk)],
                                         slot(b), gsems.at[b])
        isl = idx2.at[pl.ds(j * kk, kk)]
        if col is None:
            return pltpu.make_async_copy(gather_src.at[isl], slot(b),
                                         gsems.at[b])
        return pltpu.make_async_copy(gather_src.at[isl, pl.ds(col, cw)],
                                     slot(b), gsems.at[b])

    def sdesc(j, b):
        return pltpu.make_async_copy(slot(b),
                                     acc.at[didx2.at[pl.ds(j * kk, kk)]],
                                     ssems.at[b])

    def prime(b, carry):
        gdesc(b, b).start()
        return carry

    lax.fori_loop(0, _D - 1, prime, 0)

    def step(j, carry):
        b = lax.rem(j, _D)
        gdesc(j, b).wait()
        pltpu.async_copy(slot(b), acc.at[didx2.at[pl.ds(j * kk, kk)]],
                         ssems.at[b], add=True)
        jn = j + _D - 1
        bn = lax.rem(jn, _D)

        @pl.when(jnp.logical_and(j >= 1, jn < nch))
        def _():
            sdesc(j - 1, bn).wait()

        @pl.when(jn < nch)
        def _():
            gdesc(jn, bn).start()
        return carry

    lax.fori_loop(0, nch, step, 0)

    def drain(j, carry):
        sdesc(j, lax.rem(j, _D)).wait()
        return carry

    lax.fori_loop(nch - _D, nch, drain, 0)


@functools.partial(
    pl.kernel,
    out_type=(
        jax.ShapeDtypeStruct((_N, _D_IN), jnp.float32),
        jax.ShapeDtypeStruct((_N, _EDW), jnp.float32),
    ),
    mesh=_mesh,
    scratch_types=[
        pltpu.VMEM((_EPT,), jnp.int32),
        pltpu.VMEM((_EPT,), jnp.int32),
        pltpu.VMEM((_EPT,), jnp.int32),
        pltpu.VMEM((_D1 * _XK, _Q), jnp.float32),
        pltpu.VMEM((2 * _XKE, _EDW), jnp.float32),
        pltpu.VMEM((_SLAB, _Q), jnp.float32),
        pltpu.VMEM((_SLAB, _EDW), jnp.float32),
        pltpu.SemaphoreType.DMA((_D1,)),
        pltpu.SemaphoreType.DMA((_D1,)),
        pltpu.VMEM_SHARED((_N, _Q), jnp.float32),
        pltpu.VMEM_SHARED((_NHP, _EDW), jnp.float32),
    ],
    compiler_params=_sc_params,
)
def _sc_l1(xs_hbm, ea_hbm, ones_hbm, srcx_hbm, dsted_hbm, dst_hbm, zx_hbm,
           zed_hbm, outx_hbm, outed_hbm,
           idx2, didx2, edidx2, slots, edslots, stx, sted, gsems, ssems,
           accx, acced):
    cid = lax.axis_index("c")
    sid = lax.axis_index("s")

    pltpu.sync_copy(zed_hbm.at[pl.ds(sid * _SLAB, _SLAB)], sted)
    pltpu.sync_copy(sted, acced.at[pl.ds(sid * _SLAB, _SLAB)])

    @pl.when(sid == 15)
    def _():
        pltpu.sync_copy(zed_hbm.at[pl.ds(_NHP - 16, 16)], sted.at[pl.ds(0, 16)])
        pltpu.sync_copy(sted.at[pl.ds(0, 16)], acced.at[pl.ds(_NHP - 16, 16)])

    pltpu.sync_copy(dst_hbm.at[pl.ds(sid * _EPT, _EPT)], didx2)
    pltpu.sync_copy(dsted_hbm.at[pl.ds(cid * _E + sid * _EPT, _EPT)], edidx2)
    pltpu.sync_copy(ones_hbm, edslots.at[:, pl.ds(_D_E, _EDW - _D_E)])

    for t in range(2):
        q2 = t * 2
        _hbm_to_spmem(zx_hbm, accx, stx, sid, 0)
        pltpu.sync_copy(
            srcx_hbm.at[pl.ds((q2 + cid) * _E + sid * _EPT, _EPT)], idx2)
        plsc.subcore_barrier()

        if t == 0:
            def ed_g(j, b):
                return pltpu.make_async_copy(
                    ea_hbm.at[pl.ds(sid * _EPT + j * _XKE, _XKE)],
                    edslots.at[pl.ds(b * _XKE, _XKE), pl.ds(0, _D_E)],
                    gsems.at[b])

            def ed_s(j, b):
                return pltpu.make_async_copy(
                    edslots.at[pl.ds(b * _XKE, _XKE)],
                    acced.at[edidx2.at[pl.ds(j * _XKE, _XKE)]],
                    ssems.at[b])

            ed_g(0, 0).start()

            def ed_step(j, carry):
                b = lax.rem(j, 2)
                ed_g(j, b).wait()
                pltpu.async_copy(
                    edslots.at[pl.ds(b * _XKE, _XKE)],
                    acced.at[edidx2.at[pl.ds(j * _XKE, _XKE)]],
                    ssems.at[b], add=True)
                bn = lax.rem(j + 1, 2)

                @pl.when(jnp.logical_and(j >= 1, j + 1 < _NCHE))
                def _():
                    ed_s(j - 1, bn).wait()

                @pl.when(j + 1 < _NCHE)
                def _():
                    ed_g(j + 1, bn).start()
                return carry

            lax.fori_loop(0, _NCHE, ed_step, 0)

            def ed_drain(j, carry):
                ed_s(j, lax.rem(j, 2)).wait()
                return carry

            lax.fori_loop(_NCHE - 2, _NCHE, ed_drain, 0)

        _pipe_gather_scatter(xs_hbm, idx2, didx2, accx, slots, gsems, ssems,
                             _XK, depth=_D1)
        plsc.subcore_barrier()

        qq = (q2 + cid) * _Q
        for c in range(2):
            r0 = sid * _ROWS + c * _SLAB
            pltpu.sync_copy(accx.at[pl.ds(r0, _SLAB)], stx)
            pltpu.sync_copy(stx, outx_hbm.at[pl.ds(r0, _SLAB),
                                             pl.ds(qq, _Q)])

        @pl.when(sid == 15)
        def _():
            pltpu.sync_copy(accx.at[pl.ds(_TAIL, 16)], stx.at[pl.ds(0, 16)])
            pltpu.sync_copy(stx.at[pl.ds(0, 16)],
                            outx_hbm.at[pl.ds(_TAIL, 16), pl.ds(qq, _Q)])

        if t == 0:
            pltpu.sync_copy(acced.at[pl.ds(sid * _SLAB, _SLAB)], sted)
            pltpu.sync_copy(sted, outed_hbm.at[pl.ds(cid * _NH + sid * _SLAB,
                                                     _SLAB)])

            @pl.when(sid == 15)
            def _():
                pltpu.sync_copy(acced.at[pl.ds(_NH - 8, 8)],
                                sted.at[pl.ds(0, 8)])
                pltpu.sync_copy(sted.at[pl.ds(0, 8)],
                                outed_hbm.at[pl.ds(cid * _NH + _NH - 8, 8)])
        plsc.subcore_barrier()


@functools.partial(
    pl.kernel,
    out_type=jax.ShapeDtypeStruct((2 * _N, _D_OUT), jnp.float32),
    mesh=_mesh,
    scratch_types=[
        pltpu.VMEM((_EPT2,), jnp.int32),
        pltpu.VMEM((_EPT2,), jnp.int32),
        pltpu.VMEM((_D * _XK2, _D_OUT), jnp.float32),
        pltpu.VMEM((_SLAB, _D_OUT), jnp.float32),
        pltpu.SemaphoreType.DMA((_D,)),
        pltpu.SemaphoreType.DMA((_D,)),
        pltpu.VMEM_SHARED((_N, _D_OUT), jnp.float32),
    ],
    compiler_params=_sc_params,
)
def _sc_l2(p_hbm, src2_hbm, dst2_hbm, zp_hbm, outp_hbm,
           idx2, didx2, slots, stp, gsems, ssems, accp):
    cid = lax.axis_index("c")
    sid = lax.axis_index("s")

    _hbm_to_spmem(zp_hbm, accp, stp, sid, 0)
    eb = (cid * 16 + sid) * _EPT2
    pltpu.sync_copy(src2_hbm.at[pl.ds(eb, _EPT2)], idx2)
    pltpu.sync_copy(dst2_hbm.at[pl.ds(eb, _EPT2)], didx2)
    plsc.subcore_barrier()

    _pipe_gather_scatter(p_hbm, idx2, didx2, accp, slots, gsems, ssems, _XK2)
    plsc.subcore_barrier()

    _spmem_to_hbm(accp, outp_hbm, stp, sid, cid * _N)


_BN = 1000
_NB = _N // _BN


def _tc1_body(x_ref, ax_ref, ed_ref,
              wa_ref, bl1_ref, w2_ref, b2_ref, p_ref, r_ref):
    ed = ed_ref[...]
    inv = 1.0 / jnp.maximum(ed[:, 16:17], 1.0)
    a = jnp.concatenate([ax_ref[...] * inv, x_ref[...], ed], axis=1)
    h = jnp.dot(a, wa_ref[...], preferred_element_type=jnp.float32)
    h = jnp.maximum(h + bl1_ref[...], 0.0)
    pr = jnp.dot(h, w2_ref[...],
                 preferred_element_type=jnp.float32) + b2_ref[...]
    p_ref[...] = pr[:, 0:_D_OUT]
    r_ref[...] = pr[:, _D_OUT:2 * _D_OUT]


_KA = 2 * _D_IN + _EDW


def _tc1(x, outx, outed, wa, bl1, w2, b2):
    blk = lambda r, c, o: pl.BlockSpec((r, c), lambda i, o=o: (i + o, 0))
    full = lambda r, c: pl.BlockSpec((r, c), lambda i: (0, 0))
    return pl.pallas_call(
        _tc1_body,
        grid=(_NB,),
        in_specs=[
            blk(_BN, _D_IN, 0),
            blk(_BN, _D_IN, 0),
            blk(_BN, _EDW, 0),
            full(_KA, _D_H),
            full(1, _D_H),
            full(_D_H, 2 * _D_OUT),
            full(1, 2 * _D_OUT),
        ],
        out_specs=[blk(_BN, _D_OUT, 0), blk(_BN, _D_OUT, 0)],
        out_shape=[
            jax.ShapeDtypeStruct((_N, _D_OUT), jnp.float32),
            jax.ShapeDtypeStruct((_N, _D_OUT), jnp.float32),
        ],
    )(x, outx, outed, wa, bl1, w2, b2)


def _tc2_body(p0_ref, p1_ref, ed_ref, r_ref, out_ref):
    inv = 1.0 / jnp.maximum(ed_ref[:, 16:17], 1.0)
    out_ref[...] = (p0_ref[...] + p1_ref[...]) * inv + r_ref[...]


def _tc2(outp, outed, r):
    blk = lambda rr, c, o: pl.BlockSpec((rr, c), lambda i, o=o: (i + o, 0))
    return pl.pallas_call(
        _tc2_body,
        grid=(_NB,),
        in_specs=[
            blk(_BN, _D_OUT, 0),
            blk(_BN, _D_OUT, _NB),
            blk(_BN, _EDW, 0),
            blk(_BN, _D_OUT, 0),
        ],
        out_specs=blk(_BN, _D_OUT, 0),
        out_shape=jax.ShapeDtypeStruct((_N, _D_OUT), jnp.float32),
    )(outp, outp, outed, r)


@jax.jit
def kernel(x, edge_index, edge_attr, Wl1, bl1, Wr1, We, be, Wl2, bl2, Wr2):
    src = edge_index[0]
    dst = edge_index[1]

    xs = x.reshape(4 * _N, _Q)
    src4 = 4 * src
    srcx = jnp.concatenate([src4, src4 + 1, src4 + 2, src4 + 3])
    dst_a = jnp.where(dst < _NH, dst, _NH)
    dst_b = jnp.where(dst >= _NH, dst - _NH, _NH)
    dsted = jnp.concatenate([dst_a, dst_b])
    onescol = jnp.concatenate(
        [jnp.ones((2 * _XKE, 1), jnp.float32),
         jnp.zeros((2 * _XKE, _EDW - _D_E - 1), jnp.float32)], axis=1)
    we32 = jnp.concatenate(
        [We, be[None, :], jnp.zeros((_EDW - _D_E - 1, _D_H), jnp.float32)],
        axis=0)
    wa = jnp.concatenate([Wl1, Wr1, we32], axis=0)
    w2 = jnp.concatenate([Wl2, Wr2], axis=1)
    b2 = jnp.concatenate([jnp.zeros((_D_OUT,), jnp.float32),
                          bl2]).reshape(1, 2 * _D_OUT)
    zx = jnp.zeros((_N, _Q), jnp.float32)
    zed = jnp.zeros((_NHP, _EDW), jnp.float32)
    zp = jnp.zeros((_N, _D_OUT), jnp.float32)

    outx, outed = _sc_l1(xs, edge_attr, onescol, srcx, dsted, dst, zx, zed)
    p, r = _tc1(x, outx, outed, wa, bl1.reshape(1, _D_H), w2, b2)
    outp = _sc_l2(p, src, dst, zp)
    return _tc2(outp, outed, r)

# --- scband reference (transcript-rebuilt; emitter-appended) ---
"""Pipeline reference for scband-egraph-sage-17093969838496 (READ-ONLY COPY).

The authoritative reference and input builder live on the scoring server;
editing this copy changes nothing except your own understanding.
"""

import jax, jax.numpy as jnp
import numpy as np

N = 10000
E = 160000
D_IN = 256
D_H = 512
D_OUT = 64
D_E = 16


def setup_inputs(seed: int = 0) -> dict:
    key = jax.random.key(seed)
    ks = jax.random.split(key, 12)
    x = jax.random.normal(ks[0], (N, D_IN), dtype=jnp.float32)
    edge_index = jax.random.randint(ks[1], (2, E), 0, N).astype(jnp.int32)
    edge_attr = jax.random.normal(ks[2], (E, D_E), dtype=jnp.float32)
    # SAGEConv layer 1: lin_l (aggregated neighbors, with bias) + lin_r (root)
    Wl1 = jax.random.normal(ks[3], (D_IN, D_H), dtype=jnp.float32) / np.sqrt(D_IN)
    bl1 = jnp.zeros((D_H,), dtype=jnp.float32)
    Wr1 = jax.random.normal(ks[4], (D_IN, D_H), dtype=jnp.float32) / np.sqrt(D_IN)
    # edge residual transform
    We = jax.random.normal(ks[5], (D_E, D_H), dtype=jnp.float32) / np.sqrt(D_E)
    be = jnp.zeros((D_H,), dtype=jnp.float32)
    # SAGEConv layer 2
    Wl2 = jax.random.normal(ks[6], (D_H, D_OUT), dtype=jnp.float32) / np.sqrt(D_H)
    bl2 = jnp.zeros((D_OUT,), dtype=jnp.float32)
    Wr2 = jax.random.normal(ks[7], (D_H, D_OUT), dtype=jnp.float32) / np.sqrt(D_H)
    return {"x": x, "edge_index": edge_index, "edge_attr": edge_attr,
            "Wl1": Wl1, "bl1": bl1, "Wr1": Wr1,
            "We": We, "be": be,
            "Wl2": Wl2, "bl2": bl2, "Wr2": Wr2}


def _sage_conv(x, edge_index, Wl, bl, Wr):
    # PyG SAGEConv with mean aggregation:
    # out_i = Wl * mean_{j in N(i)} x_j + bl + Wr * x_i
    src = edge_index[0]
    dst = edge_index[1]
    msgs = jnp.take(x, src, axis=0)
    agg = jax.ops.segment_sum(msgs, dst, num_segments=x.shape[0])
    deg = jax.ops.segment_sum(jnp.ones((msgs.shape[0],), dtype=x.dtype), dst,
                              num_segments=x.shape[0])
    mean = agg / jnp.clip(deg, 1.0, None)[:, None]
    return mean @ Wl + bl + x @ Wr


def reference(x, edge_index, edge_attr, Wl1, bl1, Wr1, We, be, Wl2, bl2, Wr2):
    # layer 1
    h = _sage_conv(x, edge_index, Wl1, bl1, Wr1)
    # residual edge-feature injection: x[edge_index[1]] += edge_transform(edge_attr)
    edge_embeds = edge_attr @ We + be
    h = h.at[edge_index[1]].add(edge_embeds)
    h = jax.nn.relu(h)
    # dropout p=0.5 is identity in eval mode
    # layer 2 (final, no activation)
    out = _sage_conv(h, edge_index, Wl2, bl2, Wr2)
    return out

if __name__ == "__main__":
    import jax
    _d = setup_inputs()
    print(jax.jit(kernel)(*tuple(_d.values())))

</pallas_src>

<mosaic_0001>
#map = affine_map<(d0, d1) -> (0, 0)>
#map1 = affine_map<(d0, d1) -> (0)>
module attributes {stable_mosaic.version = 14 : i64} {
  func.func @_sc_l2(%arg0: i32, %arg1: i32, %arg2: memref<10000x64xf32, #tpu.memory_space<hbm>>, %arg3: memref<160000xi32, #tpu.memory_space<hbm>>, %arg4: memref<160000xi32, #tpu.memory_space<hbm>>, %arg5: memref<10000x64xf32, #tpu.memory_space<hbm>>, %arg6: memref<20000x64xf32, #tpu.memory_space<hbm>>, %arg7: memref<5000xi32, #tpu.memory_space<vmem>>, %arg8: memref<5000xi32, #tpu.memory_space<vmem>>, %arg9: memref<320x64xf32, #tpu.memory_space<vmem>>, %arg10: memref<312x64xf32, #tpu.memory_space<vmem>>, %arg11: memref<8x!tpu.dma_semaphore, #tpu.memory_space<semaphore_mem>>, %arg12: memref<8x!tpu.dma_semaphore, #tpu.memory_space<semaphore_mem>>, %arg13: memref<10000x64xf32, #tpu.memory_space<vmem_shared>>) attributes {dimension_semantics = [#tpu.dimension_semantics<core_parallel>, #tpu.dimension_semantics<subcore_parallel>], iteration_bounds = array<i64: 2, 16>, scalar_prefetch = 0 : i64, scratch_operands = 7 : i64, tpu.core_type = #tpu.core_type<sc_vector_subcore>, window_params = [{transform_indices = #map}, {transform_indices = #map1}, {transform_indices = #map1}, {transform_indices = #map}, {transform_indices = #map}]} {
    %mul3A = arith.constant 624 : i32
    %mul3A_0 = arith.muli %arg1, %mul3A : i32
    %add3A = arith.constant 0 : i32
    %add3A_1 = arith.addi %mul3A_0, %add3A : i32
    %add3A_2 = arith.constant 0 : i32
    %add3A_3 = arith.addi %add3A_2, %add3A_1 : i32
    "tpu.region"() ({
      %run_scoped3A = tpu.sem_alloc : memref<!tpu.dma_semaphore, #tpu.memory_space<semaphore_mem>>
      %dma_start3A = arith.constant 0 : i32
      %dma_start3A_52 = tpu.memref_slice %arg5[%add3A_3, %dma_start3A] : memref<10000x64xf32, #tpu.memory_space<hbm>> -> memref<312x64xf32, #tpu.memory_space<hbm>>
      %dma_start3A_53 = arith.constant 0 : i32
      %dma_start3A_54 = tpu.memref_slice %arg5[%add3A_3, %dma_start3A_53] : memref<10000x64xf32, #tpu.memory_space<hbm>> -> memref<312x64xf32, #tpu.memory_space<hbm>>
      tpu.enqueue_dma source(%dma_start3A_54 : memref<312x64xf32, #tpu.memory_space<hbm>>) target(%arg10 : memref<312x64xf32, #tpu.memory_space<vmem>>) target_semaphore(%run_scoped3A : memref<!tpu.dma_semaphore, #tpu.memory_space<semaphore_mem>>)
      %dma_wait3A = arith.constant 0 : i32
      %dma_wait3A_55 = tpu.memref_slice %arg5[%add3A_3, %dma_wait3A] : memref<10000x64xf32, #tpu.memory_space<hbm>> -> memref<312x64xf32, #tpu.memory_space<hbm>>
      %dma_wait3A_56 = arith.constant 0 : i32
      %dma_wait3A_57 = tpu.memref_slice %arg5[%add3A_3, %dma_wait3A_56] : memref<10000x64xf32, #tpu.memory_space<hbm>> -> memref<312x64xf32, #tpu.memory_space<hbm>>
      tpu.wait_dma2 semaphore(%run_scoped3A : memref<!tpu.dma_semaphore, #tpu.memory_space<semaphore_mem>>) src(%dma_wait3A_57 : memref<312x64xf32, #tpu.memory_space<hbm>>) dst(%arg10 : memref<312x64xf32, #tpu.memory_space<vmem>>)
      tpu.yield
    }) : () -> ()
    "tpu.region"() ({
      %run_scoped3A = tpu.sem_alloc : memref<!tpu.dma_semaphore, #tpu.memory_space<semaphore_mem>>
      %dma_start3A = arith.constant 0 : i32
      %dma_start3A_52 = tpu.memref_slice %arg13[%add3A_1, %dma_start3A] : memref<10000x64xf32, #tpu.memory_space<vmem_shared>> -> memref<312x64xf32, #tpu.memory_space<vmem_shared>>
      %dma_start3A_53 = arith.constant 0 : i32
      %dma_start3A_54 = tpu.memref_slice %arg13[%add3A_1, %dma_start3A_53] : memref<10000x64xf32, #tpu.memory_space<vmem_shared>> -> memref<312x64xf32, #tpu.memory_space<vmem_shared>>
      tpu.enqueue_dma source(%arg10 : memref<312x64xf32, #tpu.memory_space<vmem>>) target(%dma_start3A_54 : memref<312x64xf32, #tpu.memory_space<vmem_shared>>) target_semaphore(%run_scoped3A : memref<!tpu.dma_semaphore, #tpu.memory_space<semaphore_mem>>)
      %dma_wait3A = arith.constant 0 : i32
      %dma_wait3A_55 = tpu.memref_slice %arg13[%add3A_1, %dma_wait3A] : memref<10000x64xf32, #tpu.memory_space<vmem_shared>> -> memref<312x64xf32, #tpu.memory_space<vmem_shared>>
      %dma_wait3A_56 = arith.constant 0 : i32
      %dma_wait3A_57 = tpu.memref_slice %arg13[%add3A_1, %dma_wait3A_56] : memref<10000x64xf32, #tpu.memory_space<vmem_shared>> -> memref<312x64xf32, #tpu.memory_space<vmem_shared>>
      tpu.wait_dma2 semaphore(%run_scoped3A : memref<!tpu.dma_semaphore, #tpu.memory_space<semaphore_mem>>) src(%arg10 : memref<312x64xf32, #tpu.memory_space<vmem>>) dst(%dma_wait3A_57 : memref<312x64xf32, #tpu.memory_space<vmem_shared>>)
      tpu.yield
    }) : () -> ()
    %mul3A_4 = arith.constant 624 : i32
    %mul3A_5 = arith.muli %arg1, %mul3A_4 : i32
    %add3A_6 = arith.constant 312 : i32
    %add3A_7 = arith.addi %mul3A_5, %add3A_6 : i32
    %add3A_8 = arith.constant 0 : i32
    %add3A_9 = arith.addi %add3A_8, %add3A_7 : i32
    "tpu.region"() ({
      %run_scoped3A = tpu.sem_alloc : memref<!tpu.dma_semaphore, #tpu.memory_space<semaphore_mem>>
      %dma_start3A = arith.constant 0 : i32
      %dma_start3A_52 = tpu.memref_slice %arg5[%add3A_9, %dma_start3A] : memref<10000x64xf32, #tpu.memory_space<hbm>> -> memref<312x64xf32, #tpu.memory_space<hbm>>
      %dma_start3A_53 = arith.constant 0 : i32
      %dma_start3A_54 = tpu.memref_slice %arg5[%add3A_9, %dma_start3A_53] : memref<10000x64xf32, #tpu.memory_space<hbm>> -> memref<312x64xf32, #tpu.memory_space<hbm>>
      tpu.enqueue_dma source(%dma_start3A_54 : memref<312x64xf32, #tpu.memory_space<hbm>>) target(%arg10 : memref<312x64xf32, #tpu.memory_space<vmem>>) target_semaphore(%run_scoped3A : memref<!tpu.dma_semaphore, #tpu.memory_space<semaphore_mem>>)
      %dma_wait3A = arith.constant 0 : i32
      %dma_wait3A_55 = tpu.memref_slice %arg5[%add3A_9, %dma_wait3A] : memref<10000x64xf32, #tpu.memory_space<hbm>> -> memref<312x64xf32, #tpu.memory_space<hbm>>
      %dma_wait3A_56 = arith.constant 0 : i32
      %dma_wait3A_57 = tpu.memref_slice %arg5[%add3A_9, %dma_wait3A_56] : memref<10000x64xf32, #tpu.memory_space<hbm>> -> memref<312x64xf32, #tpu.memory_space<hbm>>
      tpu.wait_dma2 semaphore(%run_scoped3A : memref<!tpu.dma_semaphore, #tpu.memory_space<semaphore_mem>>) src(%dma_wait3A_57 : memref<312x64xf32, #tpu.memory_space<hbm>>) dst(%arg10 : memref<312x64xf32, #tpu.memory_space<vmem>>)
      tpu.yield
    }) : () -> ()
    "tpu.region"() ({
      %run_scoped3A = tpu.sem_alloc : memref<!tpu.dma_semaphore, #tpu.memory_space<semaphore_mem>>
      %dma_start3A = arith.constant 0 : i32
      %dma_start3A_52 = tpu.memref_slice %arg13[%add3A_7, %dma_start3A] : memref<10000x64xf32, #tpu.memory_space<vmem_shared>> -> memref<312x64xf32, #tpu.memory_space<vmem_shared>>
      %dma_start3A_53 = arith.constant 0 : i32
      %dma_start3A_54 = tpu.memref_slice %arg13[%add3A_7, %dma_start3A_53] : memref<10000x64xf32, #tpu.memory_space<vmem_shared>> -> memref<312x64xf32, #tpu.memory_space<vmem_shared>>
      tpu.enqueue_dma source(%arg10 : memref<312x64xf32, #tpu.memory_space<vmem>>) target(%dma_start3A_54 : memref<312x64xf32, #tpu.memory_space<vmem_shared>>) target_semaphore(%run_scoped3A : memref<!tpu.dma_semaphore, #tpu.memory_space<semaphore_mem>>)
      %dma_wait3A = arith.constant 0 : i32
      %dma_wait3A_55 = tpu.memref_slice %arg13[%add3A_7, %dma_wait3A] : memref<10000x64xf32, #tpu.memory_space<vmem_shared>> -> memref<312x64xf32, #tpu.memory_space<vmem_shared>>
      %dma_wait3A_56 = arith.constant 0 : i32
      %dma_wait3A_57 = tpu.memref_slice %arg13[%add3A_7, %dma_wait3A_56] : memref<10000x64xf32, #tpu.memory_space<vmem_shared>> -> memref<312x64xf32, #tpu.memory_space<vmem_shared>>
      tpu.wait_dma2 semaphore(%run_scoped3A : memref<!tpu.dma_semaphore, #tpu.memory_space<semaphore_mem>>) src(%arg10 : memref<312x64xf32, #tpu.memory_space<vmem>>) dst(%dma_wait3A_57 : memref<312x64xf32, #tpu.memory_space<vmem_shared>>)
      tpu.yield
    }) : () -> ()
    %eq3A = arith.constant 15 : i32
    %eq3A_10 = arith.cmpi eq, %arg1, %eq3A : i32
    %convert_element_type3A = arith.extui %eq3A_10 : i1 to i32
    %cond3A = arith.constant 0 : i32
    %cond3A_11 = arith.cmpi ne, %convert_element_type3A, %cond3A : i32
    scf.if %cond3A_11 {
      "tpu.region"() ({
        %run_scoped3A = tpu.sem_alloc : memref<!tpu.dma_semaphore, #tpu.memory_space<semaphore_mem>>
        %dma_start3A = arith.constant 0 : i32
        %dma_start3A_52 = arith.constant 0 : i32
        %dma_start3A_53 = tpu.memref_slice %arg10[%dma_start3A, %dma_start3A_52] : memref<312x64xf32, #tpu.memory_space<vmem>> -> memref<16x64xf32, #tpu.memory_space<vmem>>
        %dma_start3A_54 = arith.constant 9984 : i32
        %dma_start3A_55 = arith.constant 0 : i32
        %dma_start3A_56 = tpu.memref_slice %arg5[%dma_start3A_54, %dma_start3A_55] : memref<10000x64xf32, #tpu.memory_space<hbm>> -> memref<16x64xf32, #tpu.memory_space<hbm>>
        %dma_start3A_57 = arith.constant 0 : i32
        %dma_start3A_58 = arith.constant 0 : i32
        %dma_start3A_59 = tpu.memref_slice %arg10[%dma_start3A_57, %dma_start3A_58] : memref<312x64xf32, #tpu.memory_space<vmem>> -> memref<16x64xf32, #tpu.memory_space<vmem>>
        %dma_start3A_60 = arith.constant 9984 : i32
        %dma_start3A_61 = arith.constant 0 : i32
        %dma_start3A_62 = tpu.memref_slice %arg5[%dma_start3A_60, %dma_start3A_61] : memref<10000x64xf32, #tpu.memory_space<hbm>> -> memref<16x64xf32, #tpu.memory_space<hbm>>
        tpu.enqueue_dma source(%dma_start3A_62 : memref<16x64xf32, #tpu.memory_space<hbm>>) target(%dma_start3A_59 : memref<16x64xf32, #tpu.memory_space<vmem>>) target_semaphore(%run_scoped3A : memref<!tpu.dma_semaphore, #tpu.memory_space<semaphore_mem>>)
        %dma_wait3A = arith.constant 0 : i32
        %dma_wait3A_63 = arith.constant 0 : i32
        %dma_wait3A_64 = tpu.memref_slice %arg10[%dma_wait3A, %dma_wait3A_63] : memref<312x64xf32, #tpu.memory_space<vmem>> -> memref<16x64xf32, #tpu.memory_space<vmem>>
        %dma_wait3A_65 = arith.constant 9984 : i32
        %dma_wait3A_66 = arith.constant 0 : i32
        %dma_wait3A_67 = tpu.memref_slice %arg5[%dma_wait3A_65, %dma_wait3A_66] : memref<10000x64xf32, #tpu.memory_space<hbm>> -> memref<16x64xf32, #tpu.memory_space<hbm>>
        %dma_wait3A_68 = arith.constant 0 : i32
        %dma_wait3A_69 = arith.constant 0 : i32
        %dma_wait3A_70 = tpu.memref_slice %arg10[%dma_wait3A_68, %dma_wait3A_69] : memref<312x64xf32, #tpu.memory_space<vmem>> -> memref<16x64xf32, #tpu.memory_space<vmem>>
        %dma_wait3A_71 = arith.constant 9984 : i32
        %dma_wait3A_72 = arith.constant 0 : i32
        %dma_wait3A_73 = tpu.memref_slice %arg5[%dma_wait3A_71, %dma_wait3A_72] : memref<10000x64xf32, #tpu.memory_space<hbm>> -> memref<16x64xf32, #tpu.memory_space<hbm>>
        tpu.wait_dma2 semaphore(%run_scoped3A : memref<!tpu.dma_semaphore, #tpu.memory_space<semaphore_mem>>) src(%dma_wait3A_73 : memref<16x64xf32, #tpu.memory_space<hbm>>) dst(%dma_wait3A_70 : memref<16x64xf32, #tpu.memory_space<vmem>>)
        tpu.yield
      }) : () -> ()
      "tpu.region"() ({
        %run_scoped3A = tpu.sem_alloc : memref<!tpu.dma_semaphore, #tpu.memory_space<semaphore_mem>>
        %dma_start3A = arith.constant 0 : i32
        %dma_start3A_52 = arith.constant 0 : i32
        %dma_start3A_53 = tpu.memref_slice %arg10[%dma_start3A, %dma_start3A_52] : memref<312x64xf32, #tpu.memory_space<vmem>> -> memref<16x64xf32, #tpu.memory_space<vmem>>
        %dma_start3A_54 = arith.constant 9984 : i32
        %dma_start3A_55 = arith.constant 0 : i32
        %dma_start3A_56 = tpu.memref_slice %arg13[%dma_start3A_54, %dma_start3A_55] : memref<10000x64xf32, #tpu.memory_space<vmem_shared>> -> memref<16x64xf32, #tpu.memory_space<vmem_shared>>
        %dma_start3A_57 = arith.constant 9984 : i32
        %dma_start3A_58 = arith.constant 0 : i32
        %dma_start3A_59 = tpu.memref_slice %arg13[%dma_start3A_57, %dma_start3A_58] : memref<10000x64xf32, #tpu.memory_space<vmem_shared>> -> memref<16x64xf32, #tpu.memory_space<vmem_shared>>
        %dma_start3A_60 = arith.constant 0 : i32
        %dma_start3A_61 = arith.constant 0 : i32
        %dma_start3A_62 = tpu.memref_slice %arg10[%dma_start3A_60, %dma_start3A_61] : memref<312x64xf32, #tpu.memory_space<vmem>> -> memref<16x64xf32, #tpu.memory_space<vmem>>
        tpu.enqueue_dma source(%dma_start3A_62 : memref<16x64xf32, #tpu.memory_space<vmem>>) target(%dma_start3A_59 : memref<16x64xf32, #tpu.memory_space<vmem_shared>>) target_semaphore(%run_scoped3A : memref<!tpu.dma_semaphore, #tpu.memory_space<semaphore_mem>>)
        %dma_wait3A = arith.constant 0 : i32
        %dma_wait3A_63 = arith.constant 0 : i32
        %dma_wait3A_64 = tpu.memref_slice %arg10[%dma_wait3A, %dma_wait3A_63] : memref<312x64xf32, #tpu.memory_space<vmem>> -> memref<16x64xf32, #tpu.memory_space<vmem>>
        %dma_wait3A_65 = arith.constant 9984 : i32
        %dma_wait3A_66 = arith.constant 0 : i32
        %dma_wait3A_67 = tpu.memref_slice %arg13[%dma_wait3A_65, %dma_wait3A_66] : memref<10000x64xf32, #tpu.memory_space<vmem_shared>> -> memref<16x64xf32, #tpu.memory_space<vmem_shared>>
        %dma_wait3A_68 = arith.constant 9984 : i32
        %dma_wait3A_69 = arith.constant 0 : i32
        %dma_wait3A_70 = tpu.memref_slice %arg13[%dma_wait3A_68, %dma_wait3A_69] : memref<10000x64xf32, #tpu.memory_space<vmem_shared>> -> memref<16x64xf32, #tpu.memory_space<vmem_shared>>
        %dma_wait3A_71 = arith.constant 0 : i32
        %dma_wait3A_72 = arith.constant 0 : i32
        %dma_wait3A_73 = tpu.memref_slice %arg10[%dma_wait3A_71, %dma_wait3A_72] : memref<312x64xf32, #tpu.memory_space<vmem>> -> memref<16x64xf32, #tpu.memory_space<vmem>>
        tpu.wait_dma2 semaphore(%run_scoped3A : memref<!tpu.dma_semaphore, #tpu.memory_space<semaphore_mem>>) src(%dma_wait3A_73 : memref<16x64xf32, #tpu.memory_space<vmem>>) dst(%dma_wait3A_70 : memref<16x64xf32, #tpu.memory_space<vmem_shared>>)
        tpu.yield
      }) : () -> ()
    } else {
    }
    %mul3A_12 = arith.constant 16 : i32
    %mul3A_13 = arith.muli %arg0, %mul3A_12 : i32
    %add3A_14 = arith.addi %mul3A_13, %arg1 : i32
    %mul3A_15 = arith.constant 5000 : i32
    %mul3A_16 = arith.muli %add3A_14, %mul3A_15 : i32
    "tpu.region"() ({
      %run_scoped3A = tpu.sem_alloc : memref<!tpu.dma_semaphore, #tpu.memory_space<semaphore_mem>>
      %dma_start3A = tpu.memref_slice %arg3[%mul3A_16] : memref<160000xi32, #tpu.memory_space<hbm>> -> memref<5000xi32, #tpu.memory_space<hbm>>
      %dma_start3A_52 = tpu.memref_slice %arg3[%mul3A_16] : memref<160000xi32, #tpu.memory_space<hbm>> -> memref<5000xi32, #tpu.memory_space<hbm>>
      tpu.enqueue_dma source(%dma_start3A_52 : memref<5000xi32, #tpu.memory_space<hbm>>) target(%arg7 : memref<5000xi32, #tpu.memory_space<vmem>>) target_semaphore(%run_scoped3A : memref<!tpu.dma_semaphore, #tpu.memory_space<semaphore_mem>>)
      %dma_wait3A = tpu.memref_slice %arg3[%mul3A_16] : memref<160000xi32, #tpu.memory_space<hbm>> -> memref<5000xi32, #tpu.memory_space<hbm>>
      %dma_wait3A_53 = tpu.memref_slice %arg3[%mul3A_16] : memref<160000xi32, #tpu.memory_space<hbm>> -> memref<5000xi32, #tpu.memory_space<hbm>>
      tpu.wait_dma2 semaphore(%run_scoped3A : memref<!tpu.dma_semaphore, #tpu.memory_space<semaphore_mem>>) src(%dma_wait3A_53 : memref<5000xi32, #tpu.memory_space<hbm>>) dst(%arg7 : memref<5000xi32, #tpu.memory_space<vmem>>)
      tpu.yield
    }) : () -> ()
    "tpu.region"() ({
      %run_scoped3A = tpu.sem_alloc : memref<!tpu.dma_semaphore, #tpu.memory_space<semaphore_mem>>
      %dma_start3A = tpu.memref_slice %arg4[%mul3A_16] : memref<160000xi32, #tpu.memory_space<hbm>> -> memref<5000xi32, #tpu.memory_space<hbm>>
      %dma_start3A_52 = tpu.memref_slice %arg4[%mul3A_16] : memref<160000xi32, #tpu.memory_space<hbm>> -> memref<5000xi32, #tpu.memory_space<hbm>>
      tpu.enqueue_dma source(%dma_start3A_52 : memref<5000xi32, #tpu.memory_space<hbm>>) target(%arg8 : memref<5000xi32, #tpu.memory_space<vmem>>) target_semaphore(%run_scoped3A : memref<!tpu.dma_semaphore, #tpu.memory_space<semaphore_mem>>)
      %dma_wait3A = tpu.memref_slice %arg4[%mul3A_16] : memref<160000xi32, #tpu.memory_space<hbm>> -> memref<5000xi32, #tpu.memory_space<hbm>>
      %dma_wait3A_53 = tpu.memref_slice %arg4[%mul3A_16] : memref<160000xi32, #tpu.memory_space<hbm>> -> memref<5000xi32, #tpu.memory_space<hbm>>
      tpu.wait_dma2 semaphore(%run_scoped3A : memref<!tpu.dma_semaphore, #tpu.memory_space<semaphore_mem>>) src(%dma_wait3A_53 : memref<5000xi32, #tpu.memory_space<hbm>>) dst(%arg8 : memref<5000xi32, #tpu.memory_space<vmem>>)
      tpu.yield
    }) : () -> ()
    %barrier3A = arith.constant 0 : index
    tpu.barrier barrier_id(%barrier3A)
    %scan3A = arith.constant 0 : i32
    %scan3A_17 = arith.constant 0 : i32
    %scan3A_18 = arith.constant 7 : i32
    %scan3A_19 = arith.addi %scan3A_17, %scan3A_18 : i32
    %scan3A_20 = arith.constant 1 : i32
    scf.for %scan3A_52 = %scan3A_17 to %scan3A_19 step %scan3A_20  : i32 {
      %mul3A_53 = arith.constant 40 : i32
      %mul3A_54 = arith.muli %scan3A_52, %mul3A_53 : i32
      %mul3A_55 = arith.constant 40 : i32
      %mul3A_56 = arith.muli %scan3A_52, %mul3A_55 : i32
      %dma_start3A = arith.constant 0 : i32
      %dma_start3A_57 = tpu.memref_slice %arg9[%mul3A_56, %dma_start3A] : memref<320x64xf32, #tpu.memory_space<vmem>> -> memref<40x64xf32, #tpu.memory_space<vmem>>
      %dma_start3A_58 = tpu.memref_slice %arg7[%mul3A_54] : memref<5000xi32, #tpu.memory_space<vmem>> -> memref<40xi32, #tpu.memory_space<vmem>>
      %dma_start3A_59 = arith.constant 0 : i32
      %dma_start3A_60 = arith.constant 0 : i32
      %dma_start3A_61 = tpu.memref_slice %arg2[%dma_start3A_59, %dma_start3A_60] : memref<10000x64xf32, #tpu.memory_space<hbm>> -> memref<10000x64xf32, #tpu.memory_space<hbm>>
      %dma_start3A_62 = tpu.memref_slice %arg11[%scan3A_52] : memref<8x!tpu.dma_semaphore, #tpu.memory_space<semaphore_mem>> -> memref<1x!tpu.dma_semaphore, #tpu.memory_space<semaphore_mem>>
      %dma_start3A_63 = tpu.memref_squeeze %dma_start3A_62 : memref<1x!tpu.dma_semaphore, #tpu.memory_space<semaphore_mem>> -> memref<!tpu.dma_semaphore, #tpu.memory_space<semaphore_mem>>
      tpu.enqueue_indirect_dma source(%dma_start3A_61 : memref<10000x64xf32, #tpu.memory_space<hbm>>) target(%dma_start3A_57 : memref<40x64xf32, #tpu.memory_space<vmem>>) offsets(%dma_start3A_58 : memref<40xi32, #tpu.memory_space<vmem>>) semaphore(%dma_start3A_63 : memref<!tpu.dma_semaphore, #tpu.memory_space<semaphore_mem>>)
    }
    %scan3A_21 = arith.constant 7 : i32
    %scan3A_22 = arith.constant 0 : i32
    %scan3A_23 = arith.constant 0 : i32
    %scan3A_24 = arith.constant 125 : i32
    %scan3A_25 = arith.addi %scan3A_23, %scan3A_24 : i32
    %scan3A_26 = arith.constant 1 : i32
    scf.for %scan3A_52 = %scan3A_23 to %scan3A_25 step %scan3A_26  : i32 {
      %rem3A = arith.constant 8 : i32
      %rem3A_53 = arith.remsi %scan3A_52, %rem3A : i32
      %mul3A_54 = arith.constant 40 : i32
      %mul3A_55 = arith.muli %scan3A_52, %mul3A_54 : i32
      %mul3A_56 = arith.constant 40 : i32
      %mul3A_57 = arith.muli %rem3A_53, %mul3A_56 : i32
      %dma_wait3A = arith.constant 0 : i32
      %dma_wait3A_58 = tpu.memref_slice %arg9[%mul3A_57, %dma_wait3A] : memref<320x64xf32, #tpu.memory_space<vmem>> -> memref<40x64xf32, #tpu.memory_space<vmem>>
      %dma_wait3A_59 = tpu.memref_slice %arg7[%mul3A_55] : memref<5000xi32, #tpu.memory_space<vmem>> -> memref<40xi32, #tpu.memory_space<vmem>>
      %dma_wait3A_60 = arith.constant 0 : i32
      %dma_wait3A_61 = arith.constant 0 : i32
      %dma_wait3A_62 = tpu.memref_slice %arg2[%dma_wait3A_60, %dma_wait3A_61] : memref<10000x64xf32, #tpu.memory_space<hbm>> -> memref<10000x64xf32, #tpu.memory_space<hbm>>
      %dma_wait3A_63 = tpu.memref_slice %arg11[%rem3A_53] : memref<8x!tpu.dma_semaphore, #tpu.memory_space<semaphore_mem>> -> memref<1x!tpu.dma_semaphore, #tpu.memory_space<semaphore_mem>>
      %dma_wait3A_64 = tpu.memref_squeeze %dma_wait3A_63 : memref<1x!tpu.dma_semaphore, #tpu.memory_space<semaphore_mem>> -> memref<!tpu.dma_semaphore, #tpu.memory_space<semaphore_mem>>
      tpu.wait_indirect_dma semaphore(%dma_wait3A_64 : memref<!tpu.dma_semaphore, #tpu.memory_space<semaphore_mem>>) src(%dma_wait3A_62 : memref<10000x64xf32, #tpu.memory_space<hbm>>) dst(%dma_wait3A_58 : memref<40x64xf32, #tpu.memory_space<vmem>>)
      %mul3A_65 = arith.constant 40 : i32
      %mul3A_66 = arith.muli %rem3A_53, %mul3A_65 : i32
      %mul3A_67 = arith.constant 40 : i32
      %mul3A_68 = arith.muli %scan3A_52, %mul3A_67 : i32
      %dma_start3A = arith.constant 0 : i32
      %dma_start3A_69 = tpu.memref_slice %arg9[%mul3A_66, %dma_start3A] : memref<320x64xf32, #tpu.memory_space<vmem>> -> memref<40x64xf32, #tpu.memory_space<vmem>>
      %dma_start3A_70 = tpu.memref_slice %arg8[%mul3A_68] : memref<5000xi32, #tpu.memory_space<vmem>> -> memref<40xi32, #tpu.memory_space<vmem>>
      %dma_start3A_71 = arith.constant 0 : i32
      %dma_start3A_72 = arith.constant 0 : i32
      %dma_start3A_73 = tpu.memref_slice %arg13[%dma_start3A_71, %dma_start3A_72] : memref<10000x64xf32, #tpu.memory_space<vmem_shared>> -> memref<10000x64xf32, #tpu.memory_space<vmem_shared>>
      %dma_start3A_74 = tpu.memref_slice %arg12[%rem3A_53] : memref<8x!tpu.dma_semaphore, #tpu.memory_space<semaphore_mem>> -> memref<1x!tpu.dma_semaphore, #tpu.memory_space<semaphore_mem>>
      %dma_start3A_75 = tpu.memref_squeeze %dma_start3A_74 : memref<1x!tpu.dma_semaphore, #tpu.memory_space<semaphore_mem>> -> memref<!tpu.dma_semaphore, #tpu.memory_space<semaphore_mem>>
      tpu.enqueue_indirect_dma source(%dma_start3A_69 : memref<40x64xf32, #tpu.memory_space<vmem>>) target(%dma_start3A_73 : memref<10000x64xf32, #tpu.memory_space<vmem_shared>>) offsets(%dma_start3A_70 : memref<40xi32, #tpu.memory_space<vmem>>) semaphore(%dma_start3A_75 : memref<!tpu.dma_semaphore, #tpu.memory_space<semaphore_mem>>) {add = true}
      %add3A_76 = arith.constant 8 : i32
      %add3A_77 = arith.addi %scan3A_52, %add3A_76 : i32
      %sub3A = arith.constant 1 : i32
      %sub3A_78 = arith.subi %add3A_77, %sub3A : i32
      %rem3A_79 = arith.constant 8 : i32
      %rem3A_80 = arith.remsi %sub3A_78, %rem3A_79 : i32
      %ge3A = arith.constant 1 : i32
      %ge3A_81 = arith.cmpi sge, %scan3A_52, %ge3A : i32
      %lt3A = arith.constant 125 : i32
      %lt3A_82 = arith.cmpi slt, %sub3A_78, %lt3A : i32
      %and3A = arith.andi %ge3A_81, %lt3A_82 : i1
      %convert_element_type3A_83 = arith.extui %and3A : i1 to i32
      %cond3A_84 = arith.constant 0 : i32
      %cond3A_85 = arith.cmpi ne, %convert_element_type3A_83, %cond3A_84 : i32
      scf.if %cond3A_85 {
        %sub3A_91 = arith.constant 1 : i32
        %sub3A_92 = arith.subi %scan3A_52, %sub3A_91 : i32
        %mul3A_93 = arith.constant 40 : i32
        %mul3A_94 = arith.muli %rem3A_80, %mul3A_93 : i32
        %mul3A_95 = arith.constant 40 : i32
        %mul3A_96 = arith.muli %sub3A_92, %mul3A_95 : i32
        %dma_wait3A_97 = arith.constant 0 : i32
        %dma_wait3A_98 = tpu.memref_slice %arg9[%mul3A_94, %dma_wait3A_97] : memref<320x64xf32, #tpu.memory_space<vmem>> -> memref<40x64xf32, #tpu.memory_space<vmem>>
        %dma_wait3A_99 = tpu.memref_slice %arg8[%mul3A_96] : memref<5000xi32, #tpu.memory_space<vmem>> -> memref<40xi32, #tpu.memory_space<vmem>>
        %dma_wait3A_100 = arith.constant 0 : i32
        %dma_wait3A_101 = arith.constant 0 : i32
        %dma_wait3A_102 = tpu.memref_slice %arg13[%dma_wait3A_100, %dma_wait3A_101] : memref<10000x64xf32, #tpu.memory_space<vmem_shared>> -> memref<10000x64xf32, #tpu.memory_space<vmem_shared>>
        %dma_wait3A_103 = tpu.memref_slice %arg12[%rem3A_80] : memref<8x!tpu.dma_semaphore, #tpu.memory_space<semaphore_mem>> -> memref<1x!tpu.dma_semaphore, #tpu.memory_space<semaphore_mem>>
        %dma_wait3A_104 = tpu.memref_squeeze %dma_wait3A_103 : memref<1x!tpu.dma_semaphore, #tpu.memory_space<semaphore_mem>> -> memref<!tpu.dma_semaphore, #tpu.memory_space<semaphore_mem>>
        tpu.wait_indirect_dma semaphore(%dma_wait3A_104 : memref<!tpu.dma_semaphore, #tpu.memory_space<semaphore_mem>>) src(%dma_wait3A_98 : memref<40x64xf32, #tpu.memory_space<vmem>>) dst(%dma_wait3A_102 : memref<10000x64xf32, #tpu.memory_space<vmem_shared>>)
      } else {
      }
      %lt3A_86 = arith.constant 125 : i32
      %lt3A_87 = arith.cmpi slt, %sub3A_78, %lt3A_86 : i32
      %convert_element_type3A_88 = arith.extui %lt3A_87 : i1 to i32
      %cond3A_89 = arith.constant 0 : i32
      %cond3A_90 = arith.cmpi ne, %convert_element_type3A_88, %cond3A_89 : i32
      scf.if %cond3A_90 {
        %mul3A_91 = arith.constant 40 : i32
        %mul3A_92 = arith.muli %sub3A_78, %mul3A_91 : i32
        %mul3A_93 = arith.constant 40 : i32
        %mul3A_94 = arith.muli %rem3A_80, %mul3A_93 : i32
        %dma_start3A_95 = arith.constant 0 : i32
        %dma_start3A_96 = tpu.memref_slice %arg9[%mul3A_94, %dma_start3A_95] : memref<320x64xf32, #tpu.memory_space<vmem>> -> memref<40x64xf32, #tpu.memory_space<vmem>>
        %dma_start3A_97 = tpu.memref_slice %arg7[%mul3A_92] : memref<5000xi32, #tpu.memory_space<vmem>> -> memref<40xi32, #tpu.memory_space<vmem>>
        %dma_start3A_98 = arith.constant 0 : i32
        %dma_start3A_99 = arith.constant 0 : i32
        %dma_start3A_100 = tpu.memref_slice %arg2[%dma_start3A_98, %dma_start3A_99] : memref<10000x64xf32, #tpu.memory_space<hbm>> -> memref<10000x64xf32, #tpu.memory_space<hbm>>
        %dma_start3A_101 = tpu.memref_slice %arg11[%rem3A_80] : memref<8x!tpu.dma_semaphore, #tpu.memory_space<semaphore_mem>> -> memref<1x!tpu.dma_semaphore, #tpu.memory_space<semaphore_mem>>
        %dma_start3A_102 = tpu.memref_squeeze %dma_start3A_101 : memref<1x!tpu.dma_semaphore, #tpu.memory_space<semaphore_mem>> -> memref<!tpu.dma_semaphore, #tpu.memory_space<semaphore_mem>>
        tpu.enqueue_indirect_dma source(%dma_start3A_100 : memref<10000x64xf32, #tpu.memory_space<hbm>>) target(%dma_start3A_96 : memref<40x64xf32, #tpu.memory_space<vmem>>) offsets(%dma_start3A_97 : memref<40xi32, #tpu.memory_space<vmem>>) semaphore(%dma_start3A_102 : memref<!tpu.dma_semaphore, #tpu.memory_space<semaphore_mem>>)
      } else {
      }
    }
    %scan3A_27 = arith.constant 125 : i32
    %scan3A_28 = arith.constant 0 : i32
    %scan3A_29 = arith.constant 117 : i32
    %scan3A_30 = arith.constant 8 : i32
    %scan3A_31 = arith.addi %scan3A_29, %scan3A_30 : i32
    %scan3A_32 = arith.constant 1 : i32
    scf.for %scan3A_52 = %scan3A_29 to %scan3A_31 step %scan3A_32  : i32 {
      %rem3A = arith.constant 8 : i32
      %rem3A_53 = arith.remsi %scan3A_52, %rem3A : i32
      %mul3A_54 = arith.constant 40 : i32
      %mul3A_55 = arith.muli %rem3A_53, %mul3A_54 : i32
      %mul3A_56 = arith.constant 40 : i32
      %mul3A_57 = arith.muli %scan3A_52, %mul3A_56 : i32
      %dma_wait3A = arith.constant 0 : i32
      %dma_wait3A_58 = tpu.memref_slice %arg9[%mul3A_55, %dma_wait3A] : memref<320x64xf32, #tpu.memory_space<vmem>> -> memref<40x64xf32, #tpu.memory_space<vmem>>
      %dma_wait3A_59 = tpu.memref_slice %arg8[%mul3A_57] : memref<5000xi32, #tpu.memory_space<vmem>> -> memref<40xi32, #tpu.memory_space<vmem>>
      %dma_wait3A_60 = arith.constant 0 : i32
      %dma_wait3A_61 = arith.constant 0 : i32
      %dma_wait3A_62 = tpu.memref_slice %arg13[%dma_wait3A_60, %dma_wait3A_61] : memref<10000x64xf32, #tpu.memory_space<vmem_shared>> -> memref<10000x64xf32, #tpu.memory_space<vmem_shared>>
      %dma_wait3A_63 = tpu.memref_slice %arg12[%rem3A_53] : memref<8x!tpu.dma_semaphore, #tpu.memory_space<semaphore_mem>> -> memref<1x!tpu.dma_semaphore, #tpu.memory_space<semaphore_mem>>
      %dma_wait3A_64 = tpu.memref_squeeze %dma_wait3A_63 : memref<1x!tpu.dma_semaphore, #tpu.memory_space<semaphore_mem>> -> memref<!tpu.dma_semaphore, #tpu.memory_space<semaphore_mem>>
      tpu.wait_indirect_dma semaphore(%dma_wait3A_64 : memref<!tpu.dma_semaphore, #tpu.memory_space<semaphore_mem>>) src(%dma_wait3A_58 : memref<40x64xf32, #tpu.memory_space<vmem>>) dst(%dma_wait3A_62 : memref<10000x64xf32, #tpu.memory_space<vmem_shared>>)
    }
    %scan3A_33 = arith.constant 8 : i32
    %barrier3A_34 = arith.constant 0 : index
    tpu.barrier barrier_id(%barrier3A_34)
    %mul3A_35 = arith.constant 10000 : i32
    %mul3A_36 = arith.muli %arg0, %mul3A_35 : i32
    %mul3A_37 = arith.constant 624 : i32
    %mul3A_38 = arith.muli %arg1, %mul3A_37 : i32
    %add3A_39 = arith.constant 0 : i32
    %add3A_40 = arith.addi %mul3A_38, %add3A_39 : i32
    "tpu.region"() ({
      %run_scoped3A = tpu.sem_alloc : memref<!tpu.dma_semaphore, #tpu.memory_space<semaphore_mem>>
      %dma_start3A = arith.constant 0 : i32
      %dma_start3A_52 = tpu.memref_slice %arg13[%add3A_40, %dma_start3A] : memref<10000x64xf32, #tpu.memory_space<vmem_shared>> -> memref<312x64xf32, #tpu.memory_space<vmem_shared>>
      %dma_start3A_53 = arith.constant 0 : i32
      %dma_start3A_54 = tpu.memref_slice %arg13[%add3A_40, %dma_start3A_53] : memref<10000x64xf32, #tpu.memory_space<vmem_shared>> -> memref<312x64xf32, #tpu.memory_space<vmem_shared>>
      tpu.enqueue_dma source(%dma_start3A_54 : memref<312x64xf32, #tpu.memory_space<vmem_shared>>) target(%arg10 : memref<312x64xf32, #tpu.memory_space<vmem>>) target_semaphore(%run_scoped3A : memref<!tpu.dma_semaphore, #tpu.memory_space<semaphore_mem>>)
      %dma_wait3A = arith.constant 0 : i32
      %dma_wait3A_55 = tpu.memref_slice %arg13[%add3A_40, %dma_wait3A] : memref<10000x64xf32, #tpu.memory_space<vmem_shared>> -> memref<312x64xf32, #tpu.memory_space<vmem_shared>>
      %dma_wait3A_56 = arith.constant 0 : i32
      %dma_wait3A_57 = tpu.memref_slice %arg13[%add3A_40, %dma_wait3A_56] : memref<10000x64xf32, #tpu.memory_space<vmem_shared>> -> memref<312x64xf32, #tpu.memory_space<vmem_shared>>
      tpu.wait_dma2 semaphore(%run_scoped3A : memref<!tpu.dma_semaphore, #tpu.memory_space<semaphore_mem>>) src(%dma_wait3A_57 : memref<312x64xf32, #tpu.memory_space<vmem_shared>>) dst(%arg10 : memref<312x64xf32, #tpu.memory_space<vmem>>)
      tpu.yield
    }) : () -> ()
    %add3A_41 = arith.addi %mul3A_36, %add3A_40 : i32
    "tpu.region"() ({
      %run_scoped3A = tpu.sem_alloc : memref<!tpu.dma_semaphore, #tpu.memory_space<semaphore_mem>>
      %dma_start3A = arith.constant 0 : i32
      %dma_start3A_52 = tpu.memref_slice %arg6[%add3A_41, %dma_start3A] : memref<20000x64xf32, #tpu.memory_space<hbm>> -> memref<312x64xf32, #tpu.memory_space<hbm>>
      %dma_start3A_53 = arith.constant 0 : i32
      %dma_start3A_54 = tpu.memref_slice %arg6[%add3A_41, %dma_start3A_53] : memref<20000x64xf32, #tpu.memory_space<hbm>> -> memref<312x64xf32, #tpu.memory_space<hbm>>
      tpu.enqueue_dma source(%arg10 : memref<312x64xf32, #tpu.memory_space<vmem>>) target(%dma_start3A_54 : memref<312x64xf32, #tpu.memory_space<hbm>>) target_semaphore(%run_scoped3A : memref<!tpu.dma_semaphore, #tpu.memory_space<semaphore_mem>>)
      %dma_wait3A = arith.constant 0 : i32
      %dma_wait3A_55 = tpu.memref_slice %arg6[%add3A_41, %dma_wait3A] : memref<20000x64xf32, #tpu.memory_space<hbm>> -> memref<312x64xf32, #tpu.memory_space<hbm>>
      %dma_wait3A_56 = arith.constant 0 : i32
      %dma_wait3A_57 = tpu.memref_slice %arg6[%add3A_41, %dma_wait3A_56] : memref<20000x64xf32, #tpu.memory_space<hbm>> -> memref<312x64xf32, #tpu.memory_space<hbm>>
      tpu.wait_dma2 semaphore(%run_scoped3A : memref<!tpu.dma_semaphore, #tpu.memory_space<semaphore_mem>>) src(%arg10 : memref<312x64xf32, #tpu.memory_space<vmem>>) dst(%dma_wait3A_57 : memref<312x64xf32, #tpu.memory_space<hbm>>)
      tpu.yield
    }) : () -> ()
    %mul3A_42 = arith.constant 624 : i32
    %mul3A_43 = arith.muli %arg1, %mul3A_42 : i32
    %add3A_44 = arith.constant 312 : i32
    %add3A_45 = arith.addi %mul3A_43, %add3A_44 : i32
    "tpu.region"() ({
      %run_scoped3A = tpu.sem_alloc : memref<!tpu.dma_semaphore, #tpu.memory_space<semaphore_mem>>
      %dma_start3A = arith.constant 0 : i32
      %dma_start3A_52 = tpu.memref_slice %arg13[%add3A_45, %dma_start3A] : memref<10000x64xf32, #tpu.memory_space<vmem_shared>> -> memref<312x64xf32, #tpu.memory_space<vmem_shared>>
      %dma_start3A_53 = arith.constant 0 : i32
      %dma_start3A_54 = tpu.memref_slice %arg13[%add3A_45, %dma_start3A_53] : memref<10000x64xf32, #tpu.memory_space<vmem_shared>> -> memref<312x64xf32, #tpu.memory_space<vmem_shared>>
      tpu.enqueue_dma source(%dma_start3A_54 : memref<312x64xf32, #tpu.memory_space<vmem_shared>>) target(%arg10 : memref<312x64xf32, #tpu.memory_space<vmem>>) target_semaphore(%run_scoped3A : memref<!tpu.dma_semaphore, #tpu.memory_space<semaphore_mem>>)
      %dma_wait3A = arith.constant 0 : i32
      %dma_wait3A_55 = tpu.memref_slice %arg13[%add3A_45, %dma_wait3A] : memref<10000x64xf32, #tpu.memory_space<vmem_shared>> -> memref<312x64xf32, #tpu.memory_space<vmem_shared>>
      %dma_wait3A_56 = arith.constant 0 : i32
      %dma_wait3A_57 = tpu.memref_slice %arg13[%add3A_45, %dma_wait3A_56] : memref<10000x64xf32, #tpu.memory_space<vmem_shared>> -> memref<312x64xf32, #tpu.memory_space<vmem_shared>>
      tpu.wait_dma2 semaphore(%run_scoped3A : memref<!tpu.dma_semaphore, #tpu.memory_space<semaphore_mem>>) src(%dma_wait3A_57 : memref<312x64xf32, #tpu.memory_space<vmem_shared>>) dst(%arg10 : memref<312x64xf32, #tpu.memory_space<vmem>>)
      tpu.yield
    }) : () -> ()
    %add3A_46 = arith.addi %mul3A_36, %add3A_45 : i32
    "tpu.region"() ({
      %run_scoped3A = tpu.sem_alloc : memref<!tpu.dma_semaphore, #tpu.memory_space<semaphore_mem>>
      %dma_start3A = arith.constant 0 : i32
      %dma_start3A_52 = tpu.memref_slice %arg6[%add3A_46, %dma_start3A] : memref<20000x64xf32, #tpu.memory_space<hbm>> -> memref<312x64xf32, #tpu.memory_space<hbm>>
      %dma_start3A_53 = arith.constant 0 : i32
      %dma_start3A_54 = tpu.memref_slice %arg6[%add3A_46, %dma_start3A_53] : memref<20000x64xf32, #tpu.memory_space<hbm>> -> memref<312x64xf32, #tpu.memory_space<hbm>>
      tpu.enqueue_dma source(%arg10 : memref<312x64xf32, #tpu.memory_space<vmem>>) target(%dma_start3A_54 : memref<312x64xf32, #tpu.memory_space<hbm>>) target_semaphore(%run_scoped3A : memref<!tpu.dma_semaphore, #tpu.memory_space<semaphore_mem>>)
      %dma_wait3A = arith.constant 0 : i32
      %dma_wait3A_55 = tpu.memref_slice %arg6[%add3A_46, %dma_wait3A] : memref<20000x64xf32, #tpu.memory_space<hbm>> -> memref<312x64xf32, #tpu.memory_space<hbm>>
      %dma_wait3A_56 = arith.constant 0 : i32
      %dma_wait3A_57 = tpu.memref_slice %arg6[%add3A_46, %dma_wait3A_56] : memref<20000x64xf32, #tpu.memory_space<hbm>> -> memref<312x64xf32, #tpu.memory_space<hbm>>
      tpu.wait_dma2 semaphore(%run_scoped3A : memref<!tpu.dma_semaphore, #tpu.memory_space<semaphore_mem>>) src(%arg10 : memref<312x64xf32, #tpu.memory_space<vmem>>) dst(%dma_wait3A_57 : memref<312x64xf32, #tpu.memory_space<hbm>>)
      tpu.yield
    }) : () -> ()
    %eq3A_47 = arith.constant 15 : i32
    %eq3A_48 = arith.cmpi eq, %arg1, %eq3A_47 : i32
    %convert_element_type3A_49 = arith.extui %eq3A_48 : i1 to i32
    %cond3A_50 = arith.constant 0 : i32
    %cond3A_51 = arith.cmpi ne, %convert_element_type3A_49, %cond3A_50 : i32
    scf.if %cond3A_51 {
      "tpu.region"() ({
        %run_scoped3A = tpu.sem_alloc : memref<!tpu.dma_semaphore, #tpu.memory_space<semaphore_mem>>
        %dma_start3A = arith.constant 0 : i32
        %dma_start3A_54 = arith.constant 0 : i32
        %dma_start3A_55 = tpu.memref_slice %arg10[%dma_start3A, %dma_start3A_54] : memref<312x64xf32, #tpu.memory_space<vmem>> -> memref<16x64xf32, #tpu.memory_space<vmem>>
        %dma_start3A_56 = arith.constant 9984 : i32
        %dma_start3A_57 = arith.constant 0 : i32
        %dma_start3A_58 = tpu.memref_slice %arg13[%dma_start3A_56, %dma_start3A_57] : memref<10000x64xf32, #tpu.memory_space<vmem_shared>> -> memref<16x64xf32, #tpu.memory_space<vmem_shared>>
        %dma_start3A_59 = arith.constant 0 : i32
        %dma_start3A_60 = arith.constant 0 : i32
        %dma_start3A_61 = tpu.memref_slice %arg10[%dma_start3A_59, %dma_start3A_60] : memref<312x64xf32, #tpu.memory_space<vmem>> -> memref<16x64xf32, #tpu.memory_space<vmem>>
        %dma_start3A_62 = arith.constant 9984 : i32
        %dma_start3A_63 = arith.constant 0 : i32
        %dma_start3A_64 = tpu.memref_slice %arg13[%dma_start3A_62, %dma_start3A_63] : memref<10000x64xf32, #tpu.memory_space<vmem_shared>> -> memref<16x64xf32, #tpu.memory_space<vmem_shared>>
        tpu.enqueue_dma source(%dma_start3A_64 : memref<16x64xf32, #tpu.memory_space<vmem_shared>>) target(%dma_start3A_61 : memref<16x64xf32, #tpu.memory_space<vmem>>) target_semaphore(%run_scoped3A : memref<!tpu.dma_semaphore, #tpu.memory_space<semaphore_mem>>)
        %dma_wait3A = arith.constant 0 : i32
        %dma_wait3A_65 = arith.constant 0 : i32
        %dma_wait3A_66 = tpu.memref_slice %arg10[%dma_wait3A, %dma_wait3A_65] : memref<312x64xf32, #tpu.memory_space<vmem>> -> memref<16x64xf32, #tpu.memory_space<vmem>>
        %dma_wait3A_67 = arith.constant 9984 : i32
        %dma_wait3A_68 = arith.constant 0 : i32
        %dma_wait3A_69 = tpu.memref_slice %arg13[%dma_wait3A_67, %dma_wait3A_68] : memref<10000x64xf32, #tpu.memory_space<vmem_shared>> -> memref<16x64xf32, #tpu.memory_space<vmem_shared>>
        %dma_wait3A_70 = arith.constant 0 : i32
        %dma_wait3A_71 = arith.constant 0 : i32
        %dma_wait3A_72 = tpu.memref_slice %arg10[%dma_wait3A_70, %dma_wait3A_71] : memref<312x64xf32, #tpu.memory_space<vmem>> -> memref<16x64xf32, #tpu.memory_space<vmem>>
        %dma_wait3A_73 = arith.constant 9984 : i32
        %dma_wait3A_74 = arith.constant 0 : i32
        %dma_wait3A_75 = tpu.memref_slice %arg13[%dma_wait3A_73, %dma_wait3A_74] : memref<10000x64xf32, #tpu.memory_space<vmem_shared>> -> memref<16x64xf32, #tpu.memory_space<vmem_shared>>
        tpu.wait_dma2 semaphore(%run_scoped3A : memref<!tpu.dma_semaphore, #tpu.memory_space<semaphore_mem>>) src(%dma_wait3A_75 : memref<16x64xf32, #tpu.memory_space<vmem_shared>>) dst(%dma_wait3A_72 : memref<16x64xf32, #tpu.memory_space<vmem>>)
        tpu.yield
      }) : () -> ()
      %add3A_52 = arith.constant 9984 : i32
      %add3A_53 = arith.addi %mul3A_36, %add3A_52 : i32
      "tpu.region"() ({
        %run_scoped3A = tpu.sem_alloc : memref<!tpu.dma_semaphore, #tpu.memory_space<semaphore_mem>>
        %dma_start3A = arith.constant 0 : i32
        %dma_start3A_54 = arith.constant 0 : i32
        %dma_start3A_55 = tpu.memref_slice %arg10[%dma_start3A, %dma_start3A_54] : memref<312x64xf32, #tpu.memory_space<vmem>> -> memref<16x64xf32, #tpu.memory_space<vmem>>
        %dma_start3A_56 = arith.constant 0 : i32
        %dma_start3A_57 = tpu.memref_slice %arg6[%add3A_53, %dma_start3A_56] : memref<20000x64xf32, #tpu.memory_space<hbm>> -> memref<16x64xf32, #tpu.memory_space<hbm>>
        %dma_start3A_58 = arith.constant 0 : i32
        %dma_start3A_59 = tpu.memref_slice %arg6[%add3A_53, %dma_start3A_58] : memref<20000x64xf32, #tpu.memory_space<hbm>> -> memref<16x64xf32, #tpu.memory_space<hbm>>
        %dma_start3A_60 = arith.constant 0 : i32
        %dma_start3A_61 = arith.constant 0 : i32
        %dma_start3A_62 = tpu.memref_slice %arg10[%dma_start3A_60, %dma_start3A_61] : memref<312x64xf32, #tpu.memory_space<vmem>> -> memref<16x64xf32, #tpu.memory_space<vmem>>
        tpu.enqueue_dma source(%dma_start3A_62 : memref<16x64xf32, #tpu.memory_space<vmem>>) target(%dma_start3A_59 : memref<16x64xf32, #tpu.memory_space<hbm>>) target_semaphore(%run_scoped3A : memref<!tpu.dma_semaphore, #tpu.memory_space<semaphore_mem>>)
        %dma_wait3A = arith.constant 0 : i32
        %dma_wait3A_63 = arith.constant 0 : i32
        %dma_wait3A_64 = tpu.memref_slice %arg10[%dma_wait3A, %dma_wait3A_63] : memref<312x64xf32, #tpu.memory_space<vmem>> -> memref<16x64xf32, #tpu.memory_space<vmem>>
        %dma_wait3A_65 = arith.constant 0 : i32
        %dma_wait3A_66 = tpu.memref_slice %arg6[%add3A_53, %dma_wait3A_65] : memref<20000x64xf32, #tpu.memory_space<hbm>> -> memref<16x64xf32, #tpu.memory_space<hbm>>
        %dma_wait3A_67 = arith.constant 0 : i32
        %dma_wait3A_68 = tpu.memref_slice %arg6[%add3A_53, %dma_wait3A_67] : memref<20000x64xf32, #tpu.memory_space<hbm>> -> memref<16x64xf32, #tpu.memory_space<hbm>>
        %dma_wait3A_69 = arith.constant 0 : i32
        %dma_wait3A_70 = arith.constant 0 : i32
        %dma_wait3A_71 = tpu.memref_slice %arg10[%dma_wait3A_69, %dma_wait3A_70] : memref<312x64xf32, #tpu.memory_space<vmem>> -> memref<16x64xf32, #tpu.memory_space<vmem>>
        tpu.wait_dma2 semaphore(%run_scoped3A : memref<!tpu.dma_semaphore, #tpu.memory_space<semaphore_mem>>) src(%dma_wait3A_71 : memref<16x64xf32, #tpu.memory_space<vmem>>) dst(%dma_wait3A_68 : memref<16x64xf32, #tpu.memory_space<hbm>>)
        tpu.yield
      }) : () -> ()
    } else {
    }
    return
  }
}

#map = affine_map<(d0, d1) -> (0, 0)>
#map1 = affine_map<(d0, d1) -> (0)>
module attributes {stable_mosaic.version = 14 : i64} {
  func.func @_sc_l1(%arg0: i32, %arg1: i32, %arg2: memref<40000x64xf32, #tpu.memory_space<hbm>>, %arg3: memref<160000x16xf32, #tpu.memory_space<hbm>>, %arg4: memref<160x16xf32, #tpu.memory_space<hbm>>, %arg5: memref<640000xi32, #tpu.memory_space<hbm>>, %arg6: memref<320000xi32, #tpu.memory_space<hbm>>, %arg7: memref<160000xi32, #tpu.memory_space<hbm>>, %arg8: memref<10000x64xf32, #tpu.memory_space<hbm>>, %arg9: memref<5008x32xf32, #tpu.memory_space<hbm>>, %arg10: memref<10000x256xf32, #tpu.memory_space<hbm>>, %arg11: memref<10000x32xf32, #tpu.memory_space<hbm>>, %arg12: memref<10000xi32, #tpu.memory_space<vmem>>, %arg13: memref<10000xi32, #tpu.memory_space<vmem>>, %arg14: memref<10000xi32, #tpu.memory_space<vmem>>, %arg15: memref<240x64xf32, #tpu.memory_space<vmem>>, %arg16: memref<160x32xf32, #tpu.memory_space<vmem>>, %arg17: memref<312x64xf32, #tpu.memory_space<vmem>>, %arg18: memref<312x32xf32, #tpu.memory_space<vmem>>, %arg19: memref<6x!tpu.dma_semaphore, #tpu.memory_space<semaphore_mem>>, %arg20: memref<6x!tpu.dma_semaphore, #tpu.memory_space<semaphore_mem>>, %arg21: memref<10000x64xf32, #tpu.memory_space<vmem_shared>>, %arg22: memref<5008x32xf32, #tpu.memory_space<vmem_shared>>) attributes {dimension_semantics = [#tpu.dimension_semantics<core_parallel>, #tpu.dimension_semantics<subcore_parallel>], iteration_bounds = array<i64: 2, 16>, scalar_prefetch = 0 : i64, scratch_operands = 11 : i64, tpu.core_type = #tpu.core_type<sc_vector_subcore>, window_params = [{transform_indices = #map}, {transform_indices = #map}, {transform_indices = #map}, {transform_indices = #map1}, {transform_indices = #map1}, {transform_indices = #map1}, {transform_indices = #map}, {transform_indices = #map}, {transform_indices = #map}, {transform_indices = #map}]} {
    %mul3A = arith.constant 312 : i32
    %mul3A_0 = arith.muli %arg1, %mul3A : i32
    "tpu.region"() ({
      %run_scoped3A = tpu.sem_alloc : memref<!tpu.dma_semaphore, #tpu.memory_space<semaphore_mem>>
      %dma_start3A_173 = arith.constant 0 : i32
      %dma_start3A_174 = tpu.memref_slice %arg9[%mul3A_0, %dma_start3A_173] : memref<5008x32xf32, #tpu.memory_space<hbm>> -> memref<312x32xf32, #tpu.memory_space<hbm>>
      %dma_start3A_175 = arith.constant 0 : i32
      %dma_start3A_176 = tpu.memref_slice %arg9[%mul3A_0, %dma_start3A_175] : memref<5008x32xf32, #tpu.memory_space<hbm>> -> memref<312x32xf32, #tpu.memory_space<hbm>>
      tpu.enqueue_dma source(%dma_start3A_176 : memref<312x32xf32, #tpu.memory_space<hbm>>) target(%arg18 : memref<312x32xf32, #tpu.memory_space<vmem>>) target_semaphore(%run_scoped3A : memref<!tpu.dma_semaphore, #tpu.memory_space<semaphore_mem>>)
      %dma_wait3A = arith.constant 0 : i32
      %dma_wait3A_177 = tpu.memref_slice %arg9[%mul3A_0, %dma_wait3A] : memref<5008x32xf32, #tpu.memory_space<hbm>> -> memref<312x32xf32, #tpu.memory_space<hbm>>
      %dma_wait3A_178 = arith.constant 0 : i32
      %dma_wait3A_179 = tpu.memref_slice %arg9[%mul3A_0, %dma_wait3A_178] : memref<5008x32xf32, #tpu.memory_space<hbm>> -> memref<312x32xf32, #tpu.memory_space<hbm>>
      tpu.wait_dma2 semaphore(%run_scoped3A : memref<!tpu.dma_semaphore, #tpu.memory_space<semaphore_mem>>) src(%dma_wait3A_179 : memref<312x32xf32, #tpu.memory_space<hbm>>) dst(%arg18 : memref<312x32xf32, #tpu.memory_space<vmem>>)
      tpu.yield
    }) : () -> ()
    %mul3A_1 = arith.constant 312 : i32
    %mul3A_2 = arith.muli %arg1, %mul3A_1 : i32
    "tpu.region"() ({
      %run_scoped3A = tpu.sem_alloc : memref<!tpu.dma_semaphore, #tpu.memory_space<semaphore_mem>>
      %dma_start3A_173 = arith.constant 0 : i32
      %dma_start3A_174 = tpu.memref_slice %arg22[%mul3A_2, %dma_start3A_173] : memref<5008x32xf32, #tpu.memory_space<vmem_shared>> -> memref<312x32xf32, #tpu.memory_space<vmem_shared>>
      %dma_start3A_175 = arith.constant 0 : i32
      %dma_start3A_176 = tpu.memref_slice %arg22[%mul3A_2, %dma_start3A_175] : memref<5008x32xf32, #tpu.memory_space<vmem_shared>> -> memref<312x32xf32, #tpu.memory_space<vmem_shared>>
      tpu.enqueue_dma source(%arg18 : memref<312x32xf32, #tpu.memory_space<vmem>>) target(%dma_start3A_176 : memref<312x32xf32, #tpu.memory_space<vmem_shared>>) target_semaphore(%run_scoped3A : memref<!tpu.dma_semaphore, #tpu.memory_space<semaphore_mem>>)
      %dma_wait3A = arith.constant 0 : i32
      %dma_wait3A_177 = tpu.memref_slice %arg22[%mul3A_2, %dma_wait3A] : memref<5008x32xf32, #tpu.memory_space<vmem_shared>> -> memref<312x32xf32, #tpu.memory_space<vmem_shared>>
      %dma_wait3A_178 = arith.constant 0 : i32
      %dma_wait3A_179 = tpu.memref_slice %arg22[%mul3A_2, %dma_wait3A_178] : memref<5008x32xf32, #tpu.memory_space<vmem_shared>> -> memref<312x32xf32, #tpu.memory_space<vmem_shared>>
      tpu.wait_dma2 semaphore(%run_scoped3A : memref<!tpu.dma_semaphore, #tpu.memory_space<semaphore_mem>>) src(%arg18 : memref<312x32xf32, #tpu.memory_space<vmem>>) dst(%dma_wait3A_179 : memref<312x32xf32, #tpu.memory_space<vmem_shared>>)
      tpu.yield
    }) : () -> ()
    %eq3A = arith.constant 15 : i32
    %eq3A_3 = arith.cmpi eq, %arg1, %eq3A : i32
    %convert_element_type3A = arith.extui %eq3A_3 : i1 to i32
    %cond3A = arith.constant 0 : i32
    %cond3A_4 = arith.cmpi ne, %convert_element_type3A, %cond3A : i32
    scf.if %cond3A_4 {
      "tpu.region"() ({
        %run_scoped3A = tpu.sem_alloc : memref<!tpu.dma_semaphore, #tpu.memory_space<semaphore_mem>>
        %dma_start3A_173 = arith.constant 0 : i32
        %dma_start3A_174 = arith.constant 0 : i32
        %dma_start3A_175 = tpu.memref_slice %arg18[%dma_start3A_173, %dma_start3A_174] : memref<312x32xf32, #tpu.memory_space<vmem>> -> memref<16x32xf32, #tpu.memory_space<vmem>>
        %dma_start3A_176 = arith.constant 4992 : i32
        %dma_start3A_177 = arith.constant 0 : i32
        %dma_start3A_178 = tpu.memref_slice %arg9[%dma_start3A_176, %dma_start3A_177] : memref<5008x32xf32, #tpu.memory_space<hbm>> -> memref<16x32xf32, #tpu.memory_space<hbm>>
        %dma_start3A_179 = arith.constant 0 : i32
        %dma_start3A_180 = arith.constant 0 : i32
        %dma_start3A_181 = tpu.memref_slice %arg18[%dma_start3A_179, %dma_start3A_180] : memref<312x32xf32, #tpu.memory_space<vmem>> -> memref<16x32xf32, #tpu.memory_space<vmem>>
        %dma_start3A_182 = arith.constant 4992 : i32
        %dma_start3A_183 = arith.constant 0 : i32
        %dma_start3A_184 = tpu.memref_slice %arg9[%dma_start3A_182, %dma_start3A_183] : memref<5008x32xf32, #tpu.memory_space<hbm>> -> memref<16x32xf32, #tpu.memory_space<hbm>>
        tpu.enqueue_dma source(%dma_start3A_184 : memref<16x32xf32, #tpu.memory_space<hbm>>) target(%dma_start3A_181 : memref<16x32xf32, #tpu.memory_space<vmem>>) target_semaphore(%run_scoped3A : memref<!tpu.dma_semaphore, #tpu.memory_space<semaphore_mem>>)
        %dma_wait3A = arith.constant 0 : i32
        %dma_wait3A_185 = arith.constant 0 : i32
        %dma_wait3A_186 = tpu.memref_slice %arg18[%dma_wait3A, %dma_wait3A_185] : memref<312x32xf32, #tpu.memory_space<vmem>> -> memref<16x32xf32, #tpu.memory_space<vmem>>
        %dma_wait3A_187 = arith.constant 4992 : i32
        %dma_wait3A_188 = arith.constant 0 : i32
        %dma_wait3A_189 = tpu.memref_slice %arg9[%dma_wait3A_187, %dma_wait3A_188] : memref<5008x32xf32, #tpu.memory_space<hbm>> -> memref<16x32xf32, #tpu.memory_space<hbm>>
        %dma_wait3A_190 = arith.constant 0 : i32
        %dma_wait3A_191 = arith.constant 0 : i32
        %dma_wait3A_192 = tpu.memref_slice %arg18[%dma_wait3A_190, %dma_wait3A_191] : memref<312x32xf32, #tpu.memory_space<vmem>> -> memref<16x32xf32, #tpu.memory_space<vmem>>
        %dma_wait3A_193 = arith.constant 4992 : i32
        %dma_wait3A_194 = arith.constant 0 : i32
        %dma_wait3A_195 = tpu.memref_slice %arg9[%dma_wait3A_193, %dma_wait3A_194] : memref<5008x32xf32, #tpu.memory_space<hbm>> -> memref<16x32xf32, #tpu.memory_space<hbm>>
        tpu.wait_dma2 semaphore(%run_scoped3A : memref<!tpu.dma_semaphore, #tpu.memory_space<semaphore_mem>>) src(%dma_wait3A_195 : memref<16x32xf32, #tpu.memory_space<hbm>>) dst(%dma_wait3A_192 : memref<16x32xf32, #tpu.memory_space<vmem>>)
        tpu.yield
      }) : () -> ()
      "tpu.region"() ({
        %run_scoped3A = tpu.sem_alloc : memref<!tpu.dma_semaphore, #tpu.memory_space<semaphore_mem>>
        %dma_start3A_173 = arith.constant 0 : i32
        %dma_start3A_174 = arith.constant 0 : i32
        %dma_start3A_175 = tpu.memref_slice %arg18[%dma_start3A_173, %dma_start3A_174] : memref<312x32xf32, #tpu.memory_space<vmem>> -> memref<16x32xf32, #tpu.memory_space<vmem>>
        %dma_start3A_176 = arith.constant 4992 : i32
        %dma_start3A_177 = arith.constant 0 : i32
        %dma_start3A_178 = tpu.memref_slice %arg22[%dma_start3A_176, %dma_start3A_177] : memref<5008x32xf32, #tpu.memory_space<vmem_shared>> -> memref<16x32xf32, #tpu.memory_space<vmem_shared>>
        %dma_start3A_179 = arith.constant 4992 : i32
        %dma_start3A_180 = arith.constant 0 : i32
        %dma_start3A_181 = tpu.memref_slice %arg22[%dma_start3A_179, %dma_start3A_180] : memref<5008x32xf32, #tpu.memory_space<vmem_shared>> -> memref<16x32xf32, #tpu.memory_space<vmem_shared>>
        %dma_start3A_182 = arith.constant 0 : i32
        %dma_start3A_183 = arith.constant 0 : i32
        %dma_start3A_184 = tpu.memref_slice %arg18[%dma_start3A_182, %dma_start3A_183] : memref<312x32xf32, #tpu.memory_space<vmem>> -> memref<16x32xf32, #tpu.memory_space<vmem>>
        tpu.enqueue_dma source(%dma_start3A_184 : memref<16x32xf32, #tpu.memory_space<vmem>>) target(%dma_start3A_181 : memref<16x32xf32, #tpu.memory_space<vmem_shared>>) target_semaphore(%run_scoped3A : memref<!tpu.dma_semaphore, #tpu.memory_space<semaphore_mem>>)
        %dma_wait3A = arith.constant 0 : i32
        %dma_wait3A_185 = arith.constant 0 : i32
        %dma_wait3A_186 = tpu.memref_slice %arg18[%dma_wait3A, %dma_wait3A_185] : memref<312x32xf32, #tpu.memory_space<vmem>> -> memref<16x32xf32, #tpu.memory_space<vmem>>
        %dma_wait3A_187 = arith.constant 4992 : i32
        %dma_wait3A_188 = arith.constant 0 : i32
        %dma_wait3A_189 = tpu.memref_slice %arg22[%dma_wait3A_187, %dma_wait3A_188] : memref<5008x32xf32, #tpu.memory_space<vmem_shared>> -> memref<16x32xf32, #tpu.memory_space<vmem_shared>>
        %dma_wait3A_190 = arith.constant 4992 : i32
        %dma_wait3A_191 = arith.constant 0 : i32
        %dma_wait3A_192 = tpu.memref_slice %arg22[%dma_wait3A_190, %dma_wait3A_191] : memref<5008x32xf32, #tpu.memory_space<vmem_shared>> -> memref<16x32xf32, #tpu.memory_space<vmem_shared>>
        %dma_wait3A_193 = arith.constant 0 : i32
        %dma_wait3A_194 = arith.constant 0 : i32
        %dma_wait3A_195 = tpu.memref_slice %arg18[%dma_wait3A_193, %dma_wait3A_194] : memref<312x32xf32, #tpu.memory_space<vmem>> -> memref<16x32xf32, #tpu.memory_space<vmem>>
        tpu.wait_dma2 semaphore(%run_scoped3A : memref<!tpu.dma_semaphore, #tpu.memory_space<semaphore_mem>>) src(%dma_wait3A_195 : memref<16x32xf32, #tpu.memory_space<vmem>>) dst(%dma_wait3A_192 : memref<16x32xf32, #tpu.memory_space<vmem_shared>>)
        tpu.yield
      }) : () -> ()
    } else {
    }
    %mul3A_5 = arith.constant 10000 : i32
    %mul3A_6 = arith.muli %arg1, %mul3A_5 : i32
    "tpu.region"() ({
      %run_scoped3A = tpu.sem_alloc : memref<!tpu.dma_semaphore, #tpu.memory_space<semaphore_mem>>
      %dma_start3A_173 = tpu.memref_slice %arg7[%mul3A_6] : memref<160000xi32, #tpu.memory_space<hbm>> -> memref<10000xi32, #tpu.memory_space<hbm>>
      %dma_start3A_174 = tpu.memref_slice %arg7[%mul3A_6] : memref<160000xi32, #tpu.memory_space<hbm>> -> memref<10000xi32, #tpu.memory_space<hbm>>
      tpu.enqueue_dma source(%dma_start3A_174 : memref<10000xi32, #tpu.memory_space<hbm>>) target(%arg13 : memref<10000xi32, #tpu.memory_space<vmem>>) target_semaphore(%run_scoped3A : memref<!tpu.dma_semaphore, #tpu.memory_space<semaphore_mem>>)
      %dma_wait3A = tpu.memref_slice %arg7[%mul3A_6] : memref<160000xi32, #tpu.memory_space<hbm>> -> memref<10000xi32, #tpu.memory_space<hbm>>
      %dma_wait3A_175 = tpu.memref_slice %arg7[%mul3A_6] : memref<160000xi32, #tpu.memory_space<hbm>> -> memref<10000xi32, #tpu.memory_space<hbm>>
      tpu.wait_dma2 semaphore(%run_scoped3A : memref<!tpu.dma_semaphore, #tpu.memory_space<semaphore_mem>>) src(%dma_wait3A_175 : memref<10000xi32, #tpu.memory_space<hbm>>) dst(%arg13 : memref<10000xi32, #tpu.memory_space<vmem>>)
      tpu.yield
    }) : () -> ()
    %mul3A_7 = arith.constant 160000 : i32
    %mul3A_8 = arith.muli %arg0, %mul3A_7 : i32
    %mul3A_9 = arith.constant 10000 : i32
    %mul3A_10 = arith.muli %arg1, %mul3A_9 : i32
    %add3A = arith.addi %mul3A_8, %mul3A_10 : i32
    "tpu.region"() ({
      %run_scoped3A = tpu.sem_alloc : memref<!tpu.dma_semaphore, #tpu.memory_space<semaphore_mem>>
      %dma_start3A_173 = tpu.memref_slice %arg6[%add3A] : memref<320000xi32, #tpu.memory_space<hbm>> -> memref<10000xi32, #tpu.memory_space<hbm>>
      %dma_start3A_174 = tpu.memref_slice %arg6[%add3A] : memref<320000xi32, #tpu.memory_space<hbm>> -> memref<10000xi32, #tpu.memory_space<hbm>>
      tpu.enqueue_dma source(%dma_start3A_174 : memref<10000xi32, #tpu.memory_space<hbm>>) target(%arg14 : memref<10000xi32, #tpu.memory_space<vmem>>) target_semaphore(%run_scoped3A : memref<!tpu.dma_semaphore, #tpu.memory_space<semaphore_mem>>)
      %dma_wait3A = tpu.memref_slice %arg6[%add3A] : memref<320000xi32, #tpu.memory_space<hbm>> -> memref<10000xi32, #tpu.memory_space<hbm>>
      %dma_wait3A_175 = tpu.memref_slice %arg6[%add3A] : memref<320000xi32, #tpu.memory_space<hbm>> -> memref<10000xi32, #tpu.memory_space<hbm>>
      tpu.wait_dma2 semaphore(%run_scoped3A : memref<!tpu.dma_semaphore, #tpu.memory_space<semaphore_mem>>) src(%dma_wait3A_175 : memref<10000xi32, #tpu.memory_space<hbm>>) dst(%arg14 : memref<10000xi32, #tpu.memory_space<vmem>>)
      tpu.yield
    }) : () -> ()
    "tpu.region"() ({
      %run_scoped3A = tpu.sem_alloc : memref<!tpu.dma_semaphore, #tpu.memory_space<semaphore_mem>>
      %dma_start3A_173 = arith.constant 0 : i32
      %dma_start3A_174 = arith.constant 16 : i32
      %dma_start3A_175 = tpu.memref_slice %arg16[%dma_start3A_173, %dma_start3A_174] : memref<160x32xf32, #tpu.memory_space<vmem>> -> memref<160x16xf32, #tpu.memory_space<vmem>>
      %dma_start3A_176 = arith.constant 0 : i32
      %dma_start3A_177 = arith.constant 16 : i32
      %dma_start3A_178 = tpu.memref_slice %arg16[%dma_start3A_176, %dma_start3A_177] : memref<160x32xf32, #tpu.memory_space<vmem>> -> memref<160x16xf32, #tpu.memory_space<vmem>>
      tpu.enqueue_dma source(%arg4 : memref<160x16xf32, #tpu.memory_space<hbm>>) target(%dma_start3A_178 : memref<160x16xf32, #tpu.memory_space<vmem>>) target_semaphore(%run_scoped3A : memref<!tpu.dma_semaphore, #tpu.memory_space<semaphore_mem>>)
      %dma_wait3A = arith.constant 0 : i32
      %dma_wait3A_179 = arith.constant 16 : i32
      %dma_wait3A_180 = tpu.memref_slice %arg16[%dma_wait3A, %dma_wait3A_179] : memref<160x32xf32, #tpu.memory_space<vmem>> -> memref<160x16xf32, #tpu.memory_space<vmem>>
      %dma_wait3A_181 = arith.constant 0 : i32
      %dma_wait3A_182 = arith.constant 16 : i32
      %dma_wait3A_183 = tpu.memref_slice %arg16[%dma_wait3A_181, %dma_wait3A_182] : memref<160x32xf32, #tpu.memory_space<vmem>> -> memref<160x16xf32, #tpu.memory_space<vmem>>
      tpu.wait_dma2 semaphore(%run_scoped3A : memref<!tpu.dma_semaphore, #tpu.memory_space<semaphore_mem>>) src(%arg4 : memref<160x16xf32, #tpu.memory_space<hbm>>) dst(%dma_wait3A_183 : memref<160x16xf32, #tpu.memory_space<vmem>>)
      tpu.yield
    }) : () -> ()
    %mul3A_11 = arith.constant 624 : i32
    %mul3A_12 = arith.muli %arg1, %mul3A_11 : i32
    %add3A_13 = arith.constant 0 : i32
    %add3A_14 = arith.addi %mul3A_12, %add3A_13 : i32
    %add3A_15 = arith.constant 0 : i32
    %add3A_16 = arith.addi %add3A_15, %add3A_14 : i32
    "tpu.region"() ({
      %run_scoped3A = tpu.sem_alloc : memref<!tpu.dma_semaphore, #tpu.memory_space<semaphore_mem>>
      %dma_start3A_173 = arith.constant 0 : i32
      %dma_start3A_174 = tpu.memref_slice %arg8[%add3A_16, %dma_start3A_173] : memref<10000x64xf32, #tpu.memory_space<hbm>> -> memref<312x64xf32, #tpu.memory_space<hbm>>
      %dma_start3A_175 = arith.constant 0 : i32
      %dma_start3A_176 = tpu.memref_slice %arg8[%add3A_16, %dma_start3A_175] : memref<10000x64xf32, #tpu.memory_space<hbm>> -> memref<312x64xf32, #tpu.memory_space<hbm>>
      tpu.enqueue_dma source(%dma_start3A_176 : memref<312x64xf32, #tpu.memory_space<hbm>>) target(%arg17 : memref<312x64xf32, #tpu.memory_space<vmem>>) target_semaphore(%run_scoped3A : memref<!tpu.dma_semaphore, #tpu.memory_space<semaphore_mem>>)
      %dma_wait3A = arith.constant 0 : i32
      %dma_wait3A_177 = tpu.memref_slice %arg8[%add3A_16, %dma_wait3A] : memref<10000x64xf32, #tpu.memory_space<hbm>> -> memref<312x64xf32, #tpu.memory_space<hbm>>
      %dma_wait3A_178 = arith.constant 0 : i32
      %dma_wait3A_179 = tpu.memref_slice %arg8[%add3A_16, %dma_wait3A_178] : memref<10000x64xf32, #tpu.memory_space<hbm>> -> memref<312x64xf32, #tpu.memory_space<hbm>>
      tpu.wait_dma2 semaphore(%run_scoped3A : memref<!tpu.dma_semaphore, #tpu.memory_space<semaphore_mem>>) src(%dma_wait3A_179 : memref<312x64xf32, #tpu.memory_space<hbm>>) dst(%arg17 : memref<312x64xf32, #tpu.memory_space<vmem>>)
      tpu.yield
    }) : () -> ()
    "tpu.region"() ({
      %run_scoped3A = tpu.sem_alloc : memref<!tpu.dma_semaphore, #tpu.memory_space<semaphore_mem>>
      %dma_start3A_173 = arith.constant 0 : i32
      %dma_start3A_174 = tpu.memref_slice %arg21[%add3A_14, %dma_start3A_173] : memref<10000x64xf32, #tpu.memory_space<vmem_shared>> -> memref<312x64xf32, #tpu.memory_space<vmem_shared>>
      %dma_start3A_175 = arith.constant 0 : i32
      %dma_start3A_176 = tpu.memref_slice %arg21[%add3A_14, %dma_start3A_175] : memref<10000x64xf32, #tpu.memory_space<vmem_shared>> -> memref<312x64xf32, #tpu.memory_space<vmem_shared>>
      tpu.enqueue_dma source(%arg17 : memref<312x64xf32, #tpu.memory_space<vmem>>) target(%dma_start3A_176 : memref<312x64xf32, #tpu.memory_space<vmem_shared>>) target_semaphore(%run_scoped3A : memref<!tpu.dma_semaphore, #tpu.memory_space<semaphore_mem>>)
      %dma_wait3A = arith.constant 0 : i32
      %dma_wait3A_177 = tpu.memref_slice %arg21[%add3A_14, %dma_wait3A] : memref<10000x64xf32, #tpu.memory_space<vmem_shared>> -> memref<312x64xf32, #tpu.memory_space<vmem_shared>>
      %dma_wait3A_178 = arith.constant 0 : i32
      %dma_wait3A_179 = tpu.memref_slice %arg21[%add3A_14, %dma_wait3A_178] : memref<10000x64xf32, #tpu.memory_space<vmem_shared>> -> memref<312x64xf32, #tpu.memory_space<vmem_shared>>
      tpu.wait_dma2 semaphore(%run_scoped3A : memref<!tpu.dma_semaphore, #tpu.memory_space<semaphore_mem>>) src(%arg17 : memref<312x64xf32, #tpu.memory_space<vmem>>) dst(%dma_wait3A_179 : memref<312x64xf32, #tpu.memory_space<vmem_shared>>)
      tpu.yield
    }) : () -> ()
    %mul3A_17 = arith.constant 624 : i32
    %mul3A_18 = arith.muli %arg1, %mul3A_17 : i32
    %add3A_19 = arith.constant 312 : i32
    %add3A_20 = arith.addi %mul3A_18, %add3A_19 : i32
    %add3A_21 = arith.constant 0 : i32
    %add3A_22 = arith.addi %add3A_21, %add3A_20 : i32
    "tpu.region"() ({
      %run_scoped3A = tpu.sem_alloc : memref<!tpu.dma_semaphore, #tpu.memory_space<semaphore_mem>>
      %dma_start3A_173 = arith.constant 0 : i32
      %dma_start3A_174 = tpu.memref_slice %arg8[%add3A_22, %dma_start3A_173] : memref<10000x64xf32, #tpu.memory_space<hbm>> -> memref<312x64xf32, #tpu.memory_space<hbm>>
      %dma_start3A_175 = arith.constant 0 : i32
      %dma_start3A_176 = tpu.memref_slice %arg8[%add3A_22, %dma_start3A_175] : memref<10000x64xf32, #tpu.memory_space<hbm>> -> memref<312x64xf32, #tpu.memory_space<hbm>>
      tpu.enqueue_dma source(%dma_start3A_176 : memref<312x64xf32, #tpu.memory_space<hbm>>) target(%arg17 : memref<312x64xf32, #tpu.memory_space<vmem>>) target_semaphore(%run_scoped3A : memref<!tpu.dma_semaphore, #tpu.memory_space<semaphore_mem>>)
      %dma_wait3A = arith.constant 0 : i32
      %dma_wait3A_177 = tpu.memref_slice %arg8[%add3A_22, %dma_wait3A] : memref<10000x64xf32, #tpu.memory_space<hbm>> -> memref<312x64xf32, #tpu.memory_space<hbm>>
      %dma_wait3A_178 = arith.constant 0 : i32
      %dma_wait3A_179 = tpu.memref_slice %arg8[%add3A_22, %dma_wait3A_178] : memref<10000x64xf32, #tpu.memory_space<hbm>> -> memref<312x64xf32, #tpu.memory_space<hbm>>
      tpu.wait_dma2 semaphore(%run_scoped3A : memref<!tpu.dma_semaphore, #tpu.memory_space<semaphore_mem>>) src(%dma_wait3A_179 : memref<312x64xf32, #tpu.memory_space<hbm>>) dst(%arg17 : memref<312x64xf32, #tpu.memory_space<vmem>>)
      tpu.yield
    }) : () -> ()
    "tpu.region"() ({
      %run_scoped3A = tpu.sem_alloc : memref<!tpu.dma_semaphore, #tpu.memory_space<semaphore_mem>>
      %dma_start3A_173 = arith.constant 0 : i32
      %dma_start3A_174 = tpu.memref_slice %arg21[%add3A_20, %dma_start3A_173] : memref<10000x64xf32, #tpu.memory_space<vmem_shared>> -> memref<312x64xf32, #tpu.memory_space<vmem_shared>>
      %dma_start3A_175 = arith.constant 0 : i32
      %dma_start3A_176 = tpu.memref_slice %arg21[%add3A_20, %dma_start3A_175] : memref<10000x64xf32, #tpu.memory_space<vmem_shared>> -> memref<312x64xf32, #tpu.memory_space<vmem_shared>>
      tpu.enqueue_dma source(%arg17 : memref<312x64xf32, #tpu.memory_space<vmem>>) target(%dma_start3A_176 : memref<312x64xf32, #tpu.memory_space<vmem_shared>>) target_semaphore(%run_scoped3A : memref<!tpu.dma_semaphore, #tpu.memory_space<semaphore_mem>>)
      %dma_wait3A = arith.constant 0 : i32
      %dma_wait3A_177 = tpu.memref_slice %arg21[%add3A_20, %dma_wait3A] : memref<10000x64xf32, #tpu.memory_space<vmem_shared>> -> memref<312x64xf32, #tpu.memory_space<vmem_shared>>
      %dma_wait3A_178 = arith.constant 0 : i32
      %dma_wait3A_179 = tpu.memref_slice %arg21[%add3A_20, %dma_wait3A_178] : memref<10000x64xf32, #tpu.memory_space<vmem_shared>> -> memref<312x64xf32, #tpu.memory_space<vmem_shared>>
      tpu.wait_dma2 semaphore(%run_scoped3A : memref<!tpu.dma_semaphore, #tpu.memory_space<semaphore_mem>>) src(%arg17 : memref<312x64xf32, #tpu.memory_space<vmem>>) dst(%dma_wait3A_179 : memref<312x64xf32, #tpu.memory_space<vmem_shared>>)
      tpu.yield
    }) : () -> ()
    %eq3A_23 = arith.constant 15 : i32
    %eq3A_24 = arith.cmpi eq, %arg1, %eq3A_23 : i32
    %convert_element_type3A_25 = arith.extui %eq3A_24 : i1 to i32
    %cond3A_26 = arith.constant 0 : i32
    %cond3A_27 = arith.cmpi ne, %convert_element_type3A_25, %cond3A_26 : i32
    scf.if %cond3A_27 {
      "tpu.region"() ({
        %run_scoped3A = tpu.sem_alloc : memref<!tpu.dma_semaphore, #tpu.memory_space<semaphore_mem>>
        %dma_start3A_173 = arith.constant 0 : i32
        %dma_start3A_174 = arith.constant 0 : i32
        %dma_start3A_175 = tpu.memref_slice %arg17[%dma_start3A_173, %dma_start3A_174] : memref<312x64xf32, #tpu.memory_space<vmem>> -> memref<16x64xf32, #tpu.memory_space<vmem>>
        %dma_start3A_176 = arith.constant 9984 : i32
        %dma_start3A_177 = arith.constant 0 : i32
        %dma_start3A_178 = tpu.memref_slice %arg8[%dma_start3A_176, %dma_start3A_177] : memref<10000x64xf32, #tpu.memory_space<hbm>> -> memref<16x64xf32, #tpu.memory_space<hbm>>
        %dma_start3A_179 = arith.constant 0 : i32
        %dma_start3A_180 = arith.constant 0 : i32
        %dma_start3A_181 = tpu.memref_slice %arg17[%dma_start3A_179, %dma_start3A_180] : memref<312x64xf32, #tpu.memory_space<vmem>> -> memref<16x64xf32, #tpu.memory_space<vmem>>
        %dma_start3A_182 = arith.constant 9984 : i32
        %dma_start3A_183 = arith.constant 0 : i32
        %dma_start3A_184 = tpu.memref_slice %arg8[%dma_start3A_182, %dma_start3A_183] : memref<10000x64xf32, #tpu.memory_space<hbm>> -> memref<16x64xf32, #tpu.memory_space<hbm>>
        tpu.enqueue_dma source(%dma_start3A_184 : memref<16x64xf32, #tpu.memory_space<hbm>>) target(%dma_start3A_181 : memref<16x64xf32, #tpu.memory_space<vmem>>) target_semaphore(%run_scoped3A : memref<!tpu.dma_semaphore, #tpu.memory_space<semaphore_mem>>)
        %dma_wait3A = arith.constant 0 : i32
        %dma_wait3A_185 = arith.constant 0 : i32
        %dma_wait3A_186 = tpu.memref_slice %arg17[%dma_wait3A, %dma_wait3A_185] : memref<312x64xf32, #tpu.memory_space<vmem>> -> memref<16x64xf32, #tpu.memory_space<vmem>>
        %dma_wait3A_187 = arith.constant 9984 : i32
        %dma_wait3A_188 = arith.constant 0 : i32
        %dma_wait3A_189 = tpu.memref_slice %arg8[%dma_wait3A_187, %dma_wait3A_188] : memref<10000x64xf32, #tpu.memory_space<hbm>> -> memref<16x64xf32, #tpu.memory_space<hbm>>
        %dma_wait3A_190 = arith.constant 0 : i32
        %dma_wait3A_191 = arith.constant 0 : i32
        %dma_wait3A_192 = tpu.memref_slice %arg17[%dma_wait3A_190, %dma_wait3A_191] : memref<312x64xf32, #tpu.memory_space<vmem>> -> memref<16x64xf32, #tpu.memory_space<vmem>>
        %dma_wait3A_193 = arith.constant 9984 : i32
        %dma_wait3A_194 = arith.constant 0 : i32
        %dma_wait3A_195 = tpu.memref_slice %arg8[%dma_wait3A_193, %dma_wait3A_194] : memref<10000x64xf32, #tpu.memory_space<hbm>> -> memref<16x64xf32, #tpu.memory_space<hbm>>
        tpu.wait_dma2 semaphore(%run_scoped3A : memref<!tpu.dma_semaphore, #tpu.memory_space<semaphore_mem>>) src(%dma_wait3A_195 : memref<16x64xf32, #tpu.memory_space<hbm>>) dst(%dma_wait3A_192 : memref<16x64xf32, #tpu.memory_space<vmem>>)
        tpu.yield
      }) : () -> ()
      "tpu.region"() ({
        %run_scoped3A = tpu.sem_alloc : memref<!tpu.dma_semaphore, #tpu.memory_space<semaphore_mem>>
        %dma_start3A_173 = arith.constant 0 : i32
        %dma_start3A_174 = arith.constant 0 : i32
        %dma_start3A_175 = tpu.memref_slice %arg17[%dma_start3A_173, %dma_start3A_174] : memref<312x64xf32, #tpu.memory_space<vmem>> -> memref<16x64xf32, #tpu.memory_space<vmem>>
        %dma_start3A_176 = arith.constant 9984 : i32
        %dma_start3A_177 = arith.constant 0 : i32
        %dma_start3A_178 = tpu.memref_slice %arg21[%dma_start3A_176, %dma_start3A_177] : memref<10000x64xf32, #tpu.memory_space<vmem_shared>> -> memref<16x64xf32, #tpu.memory_space<vmem_shared>>
        %dma_start3A_179 = arith.constant 9984 : i32
        %dma_start3A_180 = arith.constant 0 : i32
        %dma_start3A_181 = tpu.memref_slice %arg21[%dma_start3A_179, %dma_start3A_180] : memref<10000x64xf32, #tpu.memory_space<vmem_shared>> -> memref<16x64xf32, #tpu.memory_space<vmem_shared>>
        %dma_start3A_182 = arith.constant 0 : i32
        %dma_start3A_183 = arith.constant 0 : i32
        %dma_start3A_184 = tpu.memref_slice %arg17[%dma_start3A_182, %dma_start3A_183] : memref<312x64xf32, #tpu.memory_space<vmem>> -> memref<16x64xf32, #tpu.memory_space<vmem>>
        tpu.enqueue_dma source(%dma_start3A_184 : memref<16x64xf32, #tpu.memory_space<vmem>>) target(%dma_start3A_181 : memref<16x64xf32, #tpu.memory_space<vmem_shared>>) target_semaphore(%run_scoped3A : memref<!tpu.dma_semaphore, #tpu.memory_space<semaphore_mem>>)
        %dma_wait3A = arith.constant 0 : i32
        %dma_wait3A_185 = arith.constant 0 : i32
        %dma_wait3A_186 = tpu.memref_slice %arg17[%dma_wait3A, %dma_wait3A_185] : memref<312x64xf32, #tpu.memory_space<vmem>> -> memref<16x64xf32, #tpu.memory_space<vmem>>
        %dma_wait3A_187 = arith.constant 9984 : i32
        %dma_wait3A_188 = arith.constant 0 : i32
        %dma_wait3A_189 = tpu.memref_slice %arg21[%dma_wait3A_187, %dma_wait3A_188] : memref<10000x64xf32, #tpu.memory_space<vmem_shared>> -> memref<16x64xf32, #tpu.memory_space<vmem_shared>>
        %dma_wait3A_190 = arith.constant 9984 : i32
        %dma_wait3A_191 = arith.constant 0 : i32
        %dma_wait3A_192 = tpu.memref_slice %arg21[%dma_wait3A_190, %dma_wait3A_191] : memref<10000x64xf32, #tpu.memory_space<vmem_shared>> -> memref<16x64xf32, #tpu.memory_space<vmem_shared>>
        %dma_wait3A_193 = arith.constant 0 : i32
        %dma_wait3A_194 = arith.constant 0 : i32
        %dma_wait3A_195 = tpu.memref_slice %arg17[%dma_wait3A_193, %dma_wait3A_194] : memref<312x64xf32, #tpu.memory_space<vmem>> -> memref<16x64xf32, #tpu.memory_space<vmem>>
        tpu.wait_dma2 semaphore(%run_scoped3A : memref<!tpu.dma_semaphore, #tpu.memory_space<semaphore_mem>>) src(%dma_wait3A_195 : memref<16x64xf32, #tpu.memory_space<vmem>>) dst(%dma_wait3A_192 : memref<16x64xf32, #tpu.memory_space<vmem_shared>>)
        tpu.yield
      }) : () -> ()
    } else {
    }
    %add3A_28 = arith.constant 0 : i32
    %add3A_29 = arith.addi %add3A_28, %arg0 : i32
    %mul3A_30 = arith.constant 160000 : i32
    %mul3A_31 = arith.muli %add3A_29, %mul3A_30 : i32
    %mul3A_32 = arith.constant 10000 : i32
    %mul3A_33 = arith.muli %arg1, %mul3A_32 : i32
    %add3A_34 = arith.addi %mul3A_31, %mul3A_33 : i32
    "tpu.region"() ({
      %run_scoped3A = tpu.sem_alloc : memref<!tpu.dma_semaphore, #tpu.memory_space<semaphore_mem>>
      %dma_start3A_173 = tpu.memref_slice %arg5[%add3A_34] : memref<640000xi32, #tpu.memory_space<hbm>> -> memref<10000xi32, #tpu.memory_space<hbm>>
      %dma_start3A_174 = tpu.memref_slice %arg5[%add3A_34] : memref<640000xi32, #tpu.memory_space<hbm>> -> memref<10000xi32, #tpu.memory_space<hbm>>
      tpu.enqueue_dma source(%dma_start3A_174 : memref<10000xi32, #tpu.memory_space<hbm>>) target(%arg12 : memref<10000xi32, #tpu.memory_space<vmem>>) target_semaphore(%run_scoped3A : memref<!tpu.dma_semaphore, #tpu.memory_space<semaphore_mem>>)
      %dma_wait3A = tpu.memref_slice %arg5[%add3A_34] : memref<640000xi32, #tpu.memory_space<hbm>> -> memref<10000xi32, #tpu.memory_space<hbm>>
      %dma_wait3A_175 = tpu.memref_slice %arg5[%add3A_34] : memref<640000xi32, #tpu.memory_space<hbm>> -> memref<10000xi32, #tpu.memory_space<hbm>>
      tpu.wait_dma2 semaphore(%run_scoped3A : memref<!tpu.dma_semaphore, #tpu.memory_space<semaphore_mem>>) src(%dma_wait3A_175 : memref<10000xi32, #tpu.memory_space<hbm>>) dst(%arg12 : memref<10000xi32, #tpu.memory_space<vmem>>)
      tpu.yield
    }) : () -> ()
    %barrier3A = arith.constant 0 : index
    tpu.barrier barrier_id(%barrier3A)
    %mul3A_35 = arith.constant 10000 : i32
    %mul3A_36 = arith.muli %arg1, %mul3A_35 : i32
    %add3A_37 = arith.constant 0 : i32
    %add3A_38 = arith.addi %mul3A_36, %add3A_37 : i32
    %dma_start3A = arith.constant 0 : i32
    %dma_start3A_39 = arith.constant 0 : i32
    %dma_start3A_40 = arith.constant 0 : i32
    %dma_start3A_41 = tpu.memref_slice %arg16[%dma_start3A_39, %dma_start3A_40] : memref<160x32xf32, #tpu.memory_space<vmem>> -> memref<80x16xf32, #tpu.memory_space<vmem>>
    %dma_start3A_42 = arith.constant 0 : i32
    %dma_start3A_43 = tpu.memref_slice %arg3[%add3A_38, %dma_start3A_42] : memref<160000x16xf32, #tpu.memory_space<hbm>> -> memref<80x16xf32, #tpu.memory_space<hbm>>
    %dma_start3A_44 = tpu.memref_slice %arg19[%dma_start3A] : memref<6x!tpu.dma_semaphore, #tpu.memory_space<semaphore_mem>> -> memref<1x!tpu.dma_semaphore, #tpu.memory_space<semaphore_mem>>
    %dma_start3A_45 = tpu.memref_squeeze %dma_start3A_44 : memref<1x!tpu.dma_semaphore, #tpu.memory_space<semaphore_mem>> -> memref<!tpu.dma_semaphore, #tpu.memory_space<semaphore_mem>>
    %dma_start3A_46 = arith.constant 0 : i32
    %dma_start3A_47 = arith.constant 0 : i32
    %dma_start3A_48 = tpu.memref_slice %arg16[%dma_start3A_46, %dma_start3A_47] : memref<160x32xf32, #tpu.memory_space<vmem>> -> memref<80x16xf32, #tpu.memory_space<vmem>>
    %dma_start3A_49 = arith.constant 0 : i32
    %dma_start3A_50 = tpu.memref_slice %arg3[%add3A_38, %dma_start3A_49] : memref<160000x16xf32, #tpu.memory_space<hbm>> -> memref<80x16xf32, #tpu.memory_space<hbm>>
    tpu.enqueue_dma source(%dma_start3A_50 : memref<80x16xf32, #tpu.memory_space<hbm>>) target(%dma_start3A_48 : memref<80x16xf32, #tpu.memory_space<vmem>>) target_semaphore(%dma_start3A_45 : memref<!tpu.dma_semaphore, #tpu.memory_space<semaphore_mem>>)
    %scan3A = arith.constant 0 : i32
    %scan3A_51 = arith.constant 0 : i32
    %scan3A_52 = arith.constant 125 : i32
    %scan3A_53 = arith.addi %scan3A_51, %scan3A_52 : i32
    %scan3A_54 = arith.constant 1 : i32
    scf.for %scan3A_173 = %scan3A_51 to %scan3A_53 step %scan3A_54  : i32 {
      %rem3A = arith.constant 2 : i32
      %rem3A_174 = arith.remsi %scan3A_173, %rem3A : i32
      %mul3A_175 = arith.constant 10000 : i32
      %mul3A_176 = arith.muli %arg1, %mul3A_175 : i32
      %mul3A_177 = arith.constant 80 : i32
      %mul3A_178 = arith.muli %scan3A_173, %mul3A_177 : i32
      %add3A_179 = arith.addi %mul3A_176, %mul3A_178 : i32
      %mul3A_180 = arith.constant 80 : i32
      %mul3A_181 = arith.muli %rem3A_174, %mul3A_180 : i32
      %dma_wait3A = arith.constant 0 : i32
      %dma_wait3A_182 = tpu.memref_slice %arg16[%mul3A_181, %dma_wait3A] : memref<160x32xf32, #tpu.memory_space<vmem>> -> memref<80x16xf32, #tpu.memory_space<vmem>>
      %dma_wait3A_183 = arith.constant 0 : i32
      %dma_wait3A_184 = tpu.memref_slice %arg3[%add3A_179, %dma_wait3A_183] : memref<160000x16xf32, #tpu.memory_space<hbm>> -> memref<80x16xf32, #tpu.memory_space<hbm>>
      %dma_wait3A_185 = tpu.memref_slice %arg19[%rem3A_174] : memref<6x!tpu.dma_semaphore, #tpu.memory_space<semaphore_mem>> -> memref<1x!tpu.dma_semaphore, #tpu.memory_space<semaphore_mem>>
      %dma_wait3A_186 = tpu.memref_squeeze %dma_wait3A_185 : memref<1x!tpu.dma_semaphore, #tpu.memory_space<semaphore_mem>> -> memref<!tpu.dma_semaphore, #tpu.memory_space<semaphore_mem>>
      %dma_wait3A_187 = arith.constant 0 : i32
      %dma_wait3A_188 = tpu.memref_slice %arg16[%mul3A_181, %dma_wait3A_187] : memref<160x32xf32, #tpu.memory_space<vmem>> -> memref<80x16xf32, #tpu.memory_space<vmem>>
      %dma_wait3A_189 = arith.constant 0 : i32
      %dma_wait3A_190 = tpu.memref_slice %arg3[%add3A_179, %dma_wait3A_189] : memref<160000x16xf32, #tpu.memory_space<hbm>> -> memref<80x16xf32, #tpu.memory_space<hbm>>
      tpu.wait_dma2 semaphore(%dma_wait3A_186 : memref<!tpu.dma_semaphore, #tpu.memory_space<semaphore_mem>>) src(%dma_wait3A_190 : memref<80x16xf32, #tpu.memory_space<hbm>>) dst(%dma_wait3A_188 : memref<80x16xf32, #tpu.memory_space<vmem>>)
      %mul3A_191 = arith.constant 80 : i32
      %mul3A_192 = arith.muli %rem3A_174, %mul3A_191 : i32
      %mul3A_193 = arith.constant 80 : i32
      %mul3A_194 = arith.muli %scan3A_173, %mul3A_193 : i32
      %dma_start3A_195 = arith.constant 0 : i32
      %dma_start3A_196 = tpu.memref_slice %arg16[%mul3A_192, %dma_start3A_195] : memref<160x32xf32, #tpu.memory_space<vmem>> -> memref<80x32xf32, #tpu.memory_space<vmem>>
      %dma_start3A_197 = tpu.memref_slice %arg14[%mul3A_194] : memref<10000xi32, #tpu.memory_space<vmem>> -> memref<80xi32, #tpu.memory_space<vmem>>
      %dma_start3A_198 = arith.constant 0 : i32
      %dma_start3A_199 = arith.constant 0 : i32
      %dma_start3A_200 = tpu.memref_slice %arg22[%dma_start3A_198, %dma_start3A_199] : memref<5008x32xf32, #tpu.memory_space<vmem_shared>> -> memref<5008x32xf32, #tpu.memory_space<vmem_shared>>
      %dma_start3A_201 = tpu.memref_slice %arg20[%rem3A_174] : memref<6x!tpu.dma_semaphore, #tpu.memory_space<semaphore_mem>> -> memref<1x!tpu.dma_semaphore, #tpu.memory_space<semaphore_mem>>
      %dma_start3A_202 = tpu.memref_squeeze %dma_start3A_201 : memref<1x!tpu.dma_semaphore, #tpu.memory_space<semaphore_mem>> -> memref<!tpu.dma_semaphore, #tpu.memory_space<semaphore_mem>>
      tpu.enqueue_indirect_dma source(%dma_start3A_196 : memref<80x32xf32, #tpu.memory_space<vmem>>) target(%dma_start3A_200 : memref<5008x32xf32, #tpu.memory_space<vmem_shared>>) offsets(%dma_start3A_197 : memref<80xi32, #tpu.memory_space<vmem>>) semaphore(%dma_start3A_202 : memref<!tpu.dma_semaphore, #tpu.memory_space<semaphore_mem>>) {add = true}
      %add3A_203 = arith.constant 1 : i32
      %add3A_204 = arith.addi %scan3A_173, %add3A_203 : i32
      %rem3A_205 = arith.constant 2 : i32
      %rem3A_206 = arith.remsi %add3A_204, %rem3A_205 : i32
      %ge3A = arith.constant 1 : i32
      %ge3A_207 = arith.cmpi sge, %scan3A_173, %ge3A : i32
      %add3A_208 = arith.constant 1 : i32
      %add3A_209 = arith.addi %scan3A_173, %add3A_208 : i32
      %lt3A = arith.constant 125 : i32
      %lt3A_210 = arith.cmpi slt, %add3A_209, %lt3A : i32
      %and3A = arith.andi %ge3A_207, %lt3A_210 : i1
      %convert_element_type3A_211 = arith.extui %and3A : i1 to i32
      %cond3A_212 = arith.constant 0 : i32
      %cond3A_213 = arith.cmpi ne, %convert_element_type3A_211, %cond3A_212 : i32
      scf.if %cond3A_213 {
        %sub3A = arith.constant 1 : i32
        %sub3A_221 = arith.subi %scan3A_173, %sub3A : i32
        %mul3A_222 = arith.constant 80 : i32
        %mul3A_223 = arith.muli %rem3A_206, %mul3A_222 : i32
        %mul3A_224 = arith.constant 80 : i32
        %mul3A_225 = arith.muli %sub3A_221, %mul3A_224 : i32
        %dma_wait3A_226 = arith.constant 0 : i32
        %dma_wait3A_227 = tpu.memref_slice %arg16[%mul3A_223, %dma_wait3A_226] : memref<160x32xf32, #tpu.memory_space<vmem>> -> memref<80x32xf32, #tpu.memory_space<vmem>>
        %dma_wait3A_228 = tpu.memref_slice %arg14[%mul3A_225] : memref<10000xi32, #tpu.memory_space<vmem>> -> memref<80xi32, #tpu.memory_space<vmem>>
        %dma_wait3A_229 = arith.constant 0 : i32
        %dma_wait3A_230 = arith.constant 0 : i32
        %dma_wait3A_231 = tpu.memref_slice %arg22[%dma_wait3A_229, %dma_wait3A_230] : memref<5008x32xf32, #tpu.memory_space<vmem_shared>> -> memref<5008x32xf32, #tpu.memory_space<vmem_shared>>
        %dma_wait3A_232 = tpu.memref_slice %arg20[%rem3A_206] : memref<6x!tpu.dma_semaphore, #tpu.memory_space<semaphore_mem>> -> memref<1x!tpu.dma_semaphore, #tpu.memory_space<semaphore_mem>>
        %dma_wait3A_233 = tpu.memref_squeeze %dma_wait3A_232 : memref<1x!tpu.dma_semaphore, #tpu.memory_space<semaphore_mem>> -> memref<!tpu.dma_semaphore, #tpu.memory_space<semaphore_mem>>
        tpu.wait_indirect_dma semaphore(%dma_wait3A_233 : memref<!tpu.dma_semaphore, #tpu.memory_space<semaphore_mem>>) src(%dma_wait3A_227 : memref<80x32xf32, #tpu.memory_space<vmem>>) dst(%dma_wait3A_231 : memref<5008x32xf32, #tpu.memory_space<vmem_shared>>)
      } else {
      }
      %add3A_214 = arith.constant 1 : i32
      %add3A_215 = arith.addi %scan3A_173, %add3A_214 : i32
      %lt3A_216 = arith.constant 125 : i32
      %lt3A_217 = arith.cmpi slt, %add3A_215, %lt3A_216 : i32
      %convert_element_type3A_218 = arith.extui %lt3A_217 : i1 to i32
      %cond3A_219 = arith.constant 0 : i32
      %cond3A_220 = arith.cmpi ne, %convert_element_type3A_218, %cond3A_219 : i32
      scf.if %cond3A_220 {
        %add3A_221 = arith.constant 1 : i32
        %add3A_222 = arith.addi %scan3A_173, %add3A_221 : i32
        %mul3A_223 = arith.constant 10000 : i32
        %mul3A_224 = arith.muli %arg1, %mul3A_223 : i32
        %mul3A_225 = arith.constant 80 : i32
        %mul3A_226 = arith.muli %add3A_222, %mul3A_225 : i32
        %add3A_227 = arith.addi %mul3A_224, %mul3A_226 : i32
        %mul3A_228 = arith.constant 80 : i32
        %mul3A_229 = arith.muli %rem3A_206, %mul3A_228 : i32
        %dma_start3A_230 = arith.constant 0 : i32
        %dma_start3A_231 = tpu.memref_slice %arg16[%mul3A_229, %dma_start3A_230] : memref<160x32xf32, #tpu.memory_space<vmem>> -> memref<80x16xf32, #tpu.memory_space<vmem>>
        %dma_start3A_232 = arith.constant 0 : i32
        %dma_start3A_233 = tpu.memref_slice %arg3[%add3A_227, %dma_start3A_232] : memref<160000x16xf32, #tpu.memory_space<hbm>> -> memref<80x16xf32, #tpu.memory_space<hbm>>
        %dma_start3A_234 = tpu.memref_slice %arg19[%rem3A_206] : memref<6x!tpu.dma_semaphore, #tpu.memory_space<semaphore_mem>> -> memref<1x!tpu.dma_semaphore, #tpu.memory_space<semaphore_mem>>
        %dma_start3A_235 = tpu.memref_squeeze %dma_start3A_234 : memref<1x!tpu.dma_semaphore, #tpu.memory_space<semaphore_mem>> -> memref<!tpu.dma_semaphore, #tpu.memory_space<semaphore_mem>>
        %dma_start3A_236 = arith.constant 0 : i32
        %dma_start3A_237 = tpu.memref_slice %arg16[%mul3A_229, %dma_start3A_236] : memref<160x32xf32, #tpu.memory_space<vmem>> -> memref<80x16xf32, #tpu.memory_space<vmem>>
        %dma_start3A_238 = arith.constant 0 : i32
        %dma_start3A_239 = tpu.memref_slice %arg3[%add3A_227, %dma_start3A_238] : memref<160000x16xf32, #tpu.memory_space<hbm>> -> memref<80x16xf32, #tpu.memory_space<hbm>>
        tpu.enqueue_dma source(%dma_start3A_239 : memref<80x16xf32, #tpu.memory_space<hbm>>) target(%dma_start3A_237 : memref<80x16xf32, #tpu.memory_space<vmem>>) target_semaphore(%dma_start3A_235 : memref<!tpu.dma_semaphore, #tpu.memory_space<semaphore_mem>>)
      } else {
      }
    }
    %scan3A_55 = arith.constant 125 : i32
    %scan3A_56 = arith.constant 0 : i32
    %scan3A_57 = arith.constant 123 : i32
    %scan3A_58 = arith.constant 2 : i32
    %scan3A_59 = arith.addi %scan3A_57, %scan3A_58 : i32
    %scan3A_60 = arith.constant 1 : i32
    scf.for %scan3A_173 = %scan3A_57 to %scan3A_59 step %scan3A_60  : i32 {
      %rem3A = arith.constant 2 : i32
      %rem3A_174 = arith.remsi %scan3A_173, %rem3A : i32
      %mul3A_175 = arith.constant 80 : i32
      %mul3A_176 = arith.muli %rem3A_174, %mul3A_175 : i32
      %mul3A_177 = arith.constant 80 : i32
      %mul3A_178 = arith.muli %scan3A_173, %mul3A_177 : i32
      %dma_wait3A = arith.constant 0 : i32
      %dma_wait3A_179 = tpu.memref_slice %arg16[%mul3A_176, %dma_wait3A] : memref<160x32xf32, #tpu.memory_space<vmem>> -> memref<80x32xf32, #tpu.memory_space<vmem>>
      %dma_wait3A_180 = tpu.memref_slice %arg14[%mul3A_178] : memref<10000xi32, #tpu.memory_space<vmem>> -> memref<80xi32, #tpu.memory_space<vmem>>
      %dma_wait3A_181 = arith.constant 0 : i32
      %dma_wait3A_182 = arith.constant 0 : i32
      %dma_wait3A_183 = tpu.memref_slice %arg22[%dma_wait3A_181, %dma_wait3A_182] : memref<5008x32xf32, #tpu.memory_space<vmem_shared>> -> memref<5008x32xf32, #tpu.memory_space<vmem_shared>>
      %dma_wait3A_184 = tpu.memref_slice %arg20[%rem3A_174] : memref<6x!tpu.dma_semaphore, #tpu.memory_space<semaphore_mem>> -> memref<1x!tpu.dma_semaphore, #tpu.memory_space<semaphore_mem>>
      %dma_wait3A_185 = tpu.memref_squeeze %dma_wait3A_184 : memref<1x!tpu.dma_semaphore, #tpu.memory_space<semaphore_mem>> -> memref<!tpu.dma_semaphore, #tpu.memory_space<semaphore_mem>>
      tpu.wait_indirect_dma semaphore(%dma_wait3A_185 : memref<!tpu.dma_semaphore, #tpu.memory_space<semaphore_mem>>) src(%dma_wait3A_179 : memref<80x32xf32, #tpu.memory_space<vmem>>) dst(%dma_wait3A_183 : memref<5008x32xf32, #tpu.memory_space<vmem_shared>>)
    }
    %scan3A_61 = arith.constant 2 : i32
    %scan3A_62 = arith.constant 0 : i32
    %scan3A_63 = arith.constant 0 : i32
    %scan3A_64 = arith.constant 5 : i32
    %scan3A_65 = arith.addi %scan3A_63, %scan3A_64 : i32
    %scan3A_66 = arith.constant 1 : i32
    scf.for %scan3A_173 = %scan3A_63 to %scan3A_65 step %scan3A_66  : i32 {
      %mul3A_174 = arith.constant 40 : i32
      %mul3A_175 = arith.muli %scan3A_173, %mul3A_174 : i32
      %mul3A_176 = arith.constant 40 : i32
      %mul3A_177 = arith.muli %scan3A_173, %mul3A_176 : i32
      %dma_start3A_178 = arith.constant 0 : i32
      %dma_start3A_179 = tpu.memref_slice %arg15[%mul3A_177, %dma_start3A_178] : memref<240x64xf32, #tpu.memory_space<vmem>> -> memref<40x64xf32, #tpu.memory_space<vmem>>
      %dma_start3A_180 = tpu.memref_slice %arg12[%mul3A_175] : memref<10000xi32, #tpu.memory_space<vmem>> -> memref<40xi32, #tpu.memory_space<vmem>>
      %dma_start3A_181 = arith.constant 0 : i32
      %dma_start3A_182 = arith.constant 0 : i32
      %dma_start3A_183 = tpu.memref_slice %arg2[%dma_start3A_181, %dma_start3A_182] : memref<40000x64xf32, #tpu.memory_space<hbm>> -> memref<40000x64xf32, #tpu.memory_space<hbm>>
      %dma_start3A_184 = tpu.memref_slice %arg19[%scan3A_173] : memref<6x!tpu.dma_semaphore, #tpu.memory_space<semaphore_mem>> -> memref<1x!tpu.dma_semaphore, #tpu.memory_space<semaphore_mem>>
      %dma_start3A_185 = tpu.memref_squeeze %dma_start3A_184 : memref<1x!tpu.dma_semaphore, #tpu.memory_space<semaphore_mem>> -> memref<!tpu.dma_semaphore, #tpu.memory_space<semaphore_mem>>
      tpu.enqueue_indirect_dma source(%dma_start3A_183 : memref<40000x64xf32, #tpu.memory_space<hbm>>) target(%dma_start3A_179 : memref<40x64xf32, #tpu.memory_space<vmem>>) offsets(%dma_start3A_180 : memref<40xi32, #tpu.memory_space<vmem>>) semaphore(%dma_start3A_185 : memref<!tpu.dma_semaphore, #tpu.memory_space<semaphore_mem>>)
    }
    %scan3A_67 = arith.constant 5 : i32
    %scan3A_68 = arith.constant 0 : i32
    %scan3A_69 = arith.constant 0 : i32
    %scan3A_70 = arith.constant 250 : i32
    %scan3A_71 = arith.addi %scan3A_69, %scan3A_70 : i32
    %scan3A_72 = arith.constant 1 : i32
    scf.for %scan3A_173 = %scan3A_69 to %scan3A_71 step %scan3A_72  : i32 {
      %rem3A = arith.constant 6 : i32
      %rem3A_174 = arith.remsi %scan3A_173, %rem3A : i32
      %mul3A_175 = arith.constant 40 : i32
      %mul3A_176 = arith.muli %scan3A_173, %mul3A_175 : i32
      %mul3A_177 = arith.constant 40 : i32
      %mul3A_178 = arith.muli %rem3A_174, %mul3A_177 : i32
      %dma_wait3A = arith.constant 0 : i32
      %dma_wait3A_179 = tpu.memref_slice %arg15[%mul3A_178, %dma_wait3A] : memref<240x64xf32, #tpu.memory_space<vmem>> -> memref<40x64xf32, #tpu.memory_space<vmem>>
      %dma_wait3A_180 = tpu.memref_slice %arg12[%mul3A_176] : memref<10000xi32, #tpu.memory_space<vmem>> -> memref<40xi32, #tpu.memory_space<vmem>>
      %dma_wait3A_181 = arith.constant 0 : i32
      %dma_wait3A_182 = arith.constant 0 : i32
      %dma_wait3A_183 = tpu.memref_slice %arg2[%dma_wait3A_181, %dma_wait3A_182] : memref<40000x64xf32, #tpu.memory_space<hbm>> -> memref<40000x64xf32, #tpu.memory_space<hbm>>
      %dma_wait3A_184 = tpu.memref_slice %arg19[%rem3A_174] : memref<6x!tpu.dma_semaphore, #tpu.memory_space<semaphore_mem>> -> memref<1x!tpu.dma_semaphore, #tpu.memory_space<semaphore_mem>>
      %dma_wait3A_185 = tpu.memref_squeeze %dma_wait3A_184 : memref<1x!tpu.dma_semaphore, #tpu.memory_space<semaphore_mem>> -> memref<!tpu.dma_semaphore, #tpu.memory_space<semaphore_mem>>
      tpu.wait_indirect_dma semaphore(%dma_wait3A_185 : memref<!tpu.dma_semaphore, #tpu.memory_space<semaphore_mem>>) src(%dma_wait3A_183 : memref<40000x64xf32, #tpu.memory_space<hbm>>) dst(%dma_wait3A_179 : memref<40x64xf32, #tpu.memory_space<vmem>>)
      %mul3A_186 = arith.constant 40 : i32
      %mul3A_187 = arith.muli %rem3A_174, %mul3A_186 : i32
      %mul3A_188 = arith.constant 40 : i32
      %mul3A_189 = arith.muli %scan3A_173, %mul3A_188 : i32
      %dma_start3A_190 = arith.constant 0 : i32
      %dma_start3A_191 = tpu.memref_slice %arg15[%mul3A_187, %dma_start3A_190] : memref<240x64xf32, #tpu.memory_space<vmem>> -> memref<40x64xf32, #tpu.memory_space<vmem>>
      %dma_start3A_192 = tpu.memref_slice %arg13[%mul3A_189] : memref<10000xi32, #tpu.memory_space<vmem>> -> memref<40xi32, #tpu.memory_space<vmem>>
      %dma_start3A_193 = arith.constant 0 : i32
      %dma_start3A_194 = arith.constant 0 : i32
      %dma_start3A_195 = tpu.memref_slice %arg21[%dma_start3A_193, %dma_start3A_194] : memref<10000x64xf32, #tpu.memory_space<vmem_shared>> -> memref<10000x64xf32, #tpu.memory_space<vmem_shared>>
      %dma_start3A_196 = tpu.memref_slice %arg20[%rem3A_174] : memref<6x!tpu.dma_semaphore, #tpu.memory_space<semaphore_mem>> -> memref<1x!tpu.dma_semaphore, #tpu.memory_space<semaphore_mem>>
      %dma_start3A_197 = tpu.memref_squeeze %dma_start3A_196 : memref<1x!tpu.dma_semaphore, #tpu.memory_space<semaphore_mem>> -> memref<!tpu.dma_semaphore, #tpu.memory_space<semaphore_mem>>
      tpu.enqueue_indirect_dma source(%dma_start3A_191 : memref<40x64xf32, #tpu.memory_space<vmem>>) target(%dma_start3A_195 : memref<10000x64xf32, #tpu.memory_space<vmem_shared>>) offsets(%dma_start3A_192 : memref<40xi32, #tpu.memory_space<vmem>>) semaphore(%dma_start3A_197 : memref<!tpu.dma_semaphore, #tpu.memory_space<semaphore_mem>>) {add = true}
      %add3A_198 = arith.constant 6 : i32
      %add3A_199 = arith.addi %scan3A_173, %add3A_198 : i32
      %sub3A = arith.constant 1 : i32
      %sub3A_200 = arith.subi %add3A_199, %sub3A : i32
      %rem3A_201 = arith.constant 6 : i32
      %rem3A_202 = arith.remsi %sub3A_200, %rem3A_201 : i32
      %ge3A = arith.constant 1 : i32
      %ge3A_203 = arith.cmpi sge, %scan3A_173, %ge3A : i32
      %lt3A = arith.constant 250 : i32
      %lt3A_204 = arith.cmpi slt, %sub3A_200, %lt3A : i32
      %and3A = arith.andi %ge3A_203, %lt3A_204 : i1
      %convert_element_type3A_205 = arith.extui %and3A : i1 to i32
      %cond3A_206 = arith.constant 0 : i32
      %cond3A_207 = arith.cmpi ne, %convert_element_type3A_205, %cond3A_206 : i32
      scf.if %cond3A_207 {
        %sub3A_213 = arith.constant 1 : i32
        %sub3A_214 = arith.subi %scan3A_173, %sub3A_213 : i32
        %mul3A_215 = arith.constant 40 : i32
        %mul3A_216 = arith.muli %rem3A_202, %mul3A_215 : i32
        %mul3A_217 = arith.constant 40 : i32
        %mul3A_218 = arith.muli %sub3A_214, %mul3A_217 : i32
        %dma_wait3A_219 = arith.constant 0 : i32
        %dma_wait3A_220 = tpu.memref_slice %arg15[%mul3A_216, %dma_wait3A_219] : memref<240x64xf32, #tpu.memory_space<vmem>> -> memref<40x64xf32, #tpu.memory_space<vmem>>
        %dma_wait3A_221 = tpu.memref_slice %arg13[%mul3A_218] : memref<10000xi32, #tpu.memory_space<vmem>> -> memref<40xi32, #tpu.memory_space<vmem>>
        %dma_wait3A_222 = arith.constant 0 : i32
        %dma_wait3A_223 = arith.constant 0 : i32
        %dma_wait3A_224 = tpu.memref_slice %arg21[%dma_wait3A_222, %dma_wait3A_223] : memref<10000x64xf32, #tpu.memory_space<vmem_shared>> -> memref<10000x64xf32, #tpu.memory_space<vmem_shared>>
        %dma_wait3A_225 = tpu.memref_slice %arg20[%rem3A_202] : memref<6x!tpu.dma_semaphore, #tpu.memory_space<semaphore_mem>> -> memref<1x!tpu.dma_semaphore, #tpu.memory_space<semaphore_mem>>
        %dma_wait3A_226 = tpu.memref_squeeze %dma_wait3A_225 : memref<1x!tpu.dma_semaphore, #tpu.memory_space<semaphore_mem>> -> memref<!tpu.dma_semaphore, #tpu.memory_space<semaphore_mem>>
        tpu.wait_indirect_dma semaphore(%dma_wait3A_226 : memref<!tpu.dma_semaphore, #tpu.memory_space<semaphore_mem>>) src(%dma_wait3A_220 : memref<40x64xf32, #tpu.memory_space<vmem>>) dst(%dma_wait3A_224 : memref<10000x64xf32, #tpu.memory_space<vmem_shared>>)
      } else {
      }
      %lt3A_208 = arith.constant 250 : i32
      %lt3A_209 = arith.cmpi slt, %sub3A_200, %lt3A_208 : i32
      %convert_element_type3A_210 = arith.extui %lt3A_209 : i1 to i32
      %cond3A_211 = arith.constant 0 : i32
      %cond3A_212 = arith.cmpi ne, %convert_element_type3A_210, %cond3A_211 : i32
      scf.if %cond3A_212 {
        %mul3A_213 = arith.constant 40 : i32
        %mul3A_214 = arith.muli %sub3A_200, %mul3A_213 : i32
        %mul3A_215 = arith.constant 40 : i32
        %mul3A_216 = arith.muli %rem3A_202, %mul3A_215 : i32
        %dma_start3A_217 = arith.constant 0 : i32
        %dma_start3A_218 = tpu.memref_slice %arg15[%mul3A_216, %dma_start3A_217] : memref<240x64xf32, #tpu.memory_space<vmem>> -> memref<40x64xf32, #tpu.memory_space<vmem>>
        %dma_start3A_219 = tpu.memref_slice %arg12[%mul3A_214] : memref<10000xi32, #tpu.memory_space<vmem>> -> memref<40xi32, #tpu.memory_space<vmem>>
        %dma_start3A_220 = arith.constant 0 : i32
        %dma_start3A_221 = arith.constant 0 : i32
        %dma_start3A_222 = tpu.memref_slice %arg2[%dma_start3A_220, %dma_start3A_221] : memref<40000x64xf32, #tpu.memory_space<hbm>> -> memref<40000x64xf32, #tpu.memory_space<hbm>>
        %dma_start3A_223 = tpu.memref_slice %arg19[%rem3A_202] : memref<6x!tpu.dma_semaphore, #tpu.memory_space<semaphore_mem>> -> memref<1x!tpu.dma_semaphore, #tpu.memory_space<semaphore_mem>>
        %dma_start3A_224 = tpu.memref_squeeze %dma_start3A_223 : memref<1x!tpu.dma_semaphore, #tpu.memory_space<semaphore_mem>> -> memref<!tpu.dma_semaphore, #tpu.memory_space<semaphore_mem>>
        tpu.enqueue_indirect_dma source(%dma_start3A_222 : memref<40000x64xf32, #tpu.memory_space<hbm>>) target(%dma_start3A_218 : memref<40x64xf32, #tpu.memory_space<vmem>>) offsets(%dma_start3A_219 : memref<40xi32, #tpu.memory_space<vmem>>) semaphore(%dma_start3A_224 : memref<!tpu.dma_semaphore, #tpu.memory_space<semaphore_mem>>)
      } else {
      }
    }
    %scan3A_73 = arith.constant 250 : i32
    %scan3A_74 = arith.constant 0 : i32
    %scan3A_75 = arith.constant 244 : i32
    %scan3A_76 = arith.constant 6 : i32
    %scan3A_77 = arith.addi %scan3A_75, %scan3A_76 : i32
    %scan3A_78 = arith.constant 1 : i32
    scf.for %scan3A_173 = %scan3A_75 to %scan3A_77 step %scan3A_78  : i32 {
      %rem3A = arith.constant 6 : i32
      %rem3A_174 = arith.remsi %scan3A_173, %rem3A : i32
      %mul3A_175 = arith.constant 40 : i32
      %mul3A_176 = arith.muli %rem3A_174, %mul3A_175 : i32
      %mul3A_177 = arith.constant 40 : i32
      %mul3A_178 = arith.muli %scan3A_173, %mul3A_177 : i32
      %dma_wait3A = arith.constant 0 : i32
      %dma_wait3A_179 = tpu.memref_slice %arg15[%mul3A_176, %dma_wait3A] : memref<240x64xf32, #tpu.memory_space<vmem>> -> memref<40x64xf32, #tpu.memory_space<vmem>>
      %dma_wait3A_180 = tpu.memref_slice %arg13[%mul3A_178] : memref<10000xi32, #tpu.memory_space<vmem>> -> memref<40xi32, #tpu.memory_space<vmem>>
      %dma_wait3A_181 = arith.constant 0 : i32
      %dma_wait3A_182 = arith.constant 0 : i32
      %dma_wait3A_183 = tpu.memref_slice %arg21[%dma_wait3A_181, %dma_wait3A_182] : memref<10000x64xf32, #tpu.memory_space<vmem_shared>> -> memref<10000x64xf32, #tpu.memory_space<vmem_shared>>
      %dma_wait3A_184 = tpu.memref_slice %arg20[%rem3A_174] : memref<6x!tpu.dma_semaphore, #tpu.memory_space<semaphore_mem>> -> memref<1x!tpu.dma_semaphore, #tpu.memory_space<semaphore_mem>>
      %dma_wait3A_185 = tpu.memref_squeeze %dma_wait3A_184 : memref<1x!tpu.dma_semaphore, #tpu.memory_space<semaphore_mem>> -> memref<!tpu.dma_semaphore, #tpu.memory_space<semaphore_mem>>
      tpu.wait_indirect_dma semaphore(%dma_wait3A_185 : memref<!tpu.dma_semaphore, #tpu.memory_space<semaphore_mem>>) src(%dma_wait3A_179 : memref<40x64xf32, #tpu.memory_space<vmem>>) dst(%dma_wait3A_183 : memref<10000x64xf32, #tpu.memory_space<vmem_shared>>)
    }
    %scan3A_79 = arith.constant 6 : i32
    %barrier3A_80 = arith.constant 0 : index
    tpu.barrier barrier_id(%barrier3A_80)
    %add3A_81 = arith.constant 0 : i32
    %add3A_82 = arith.addi %add3A_81, %arg0 : i32
    %mul3A_83 = arith.constant 64 : i32
    %mul3A_84 = arith.muli %add3A_82, %mul3A_83 : i32
    %mul3A_85 = arith.constant 624 : i32
    %mul3A_86 = arith.muli %arg1, %mul3A_85 : i32
    %add3A_87 = arith.constant 0 : i32
    %add3A_88 = arith.addi %mul3A_86, %add3A_87 : i32
    "tpu.region"() ({
      %run_scoped3A = tpu.sem_alloc : memref<!tpu.dma_semaphore, #tpu.memory_space<semaphore_mem>>
      %dma_start3A_173 = arith.constant 0 : i32
      %dma_start3A_174 = tpu.memref_slice %arg21[%add3A_88, %dma_start3A_173] : memref<10000x64xf32, #tpu.memory_space<vmem_shared>> -> memref<312x64xf32, #tpu.memory_space<vmem_shared>>
      %dma_start3A_175 = arith.constant 0 : i32
      %dma_start3A_176 = tpu.memref_slice %arg21[%add3A_88, %dma_start3A_175] : memref<10000x64xf32, #tpu.memory_space<vmem_shared>> -> memref<312x64xf32, #tpu.memory_space<vmem_shared>>
      tpu.enqueue_dma source(%dma_start3A_176 : memref<312x64xf32, #tpu.memory_space<vmem_shared>>) target(%arg17 : memref<312x64xf32, #tpu.memory_space<vmem>>) target_semaphore(%run_scoped3A : memref<!tpu.dma_semaphore, #tpu.memory_space<semaphore_mem>>)
      %dma_wait3A = arith.constant 0 : i32
      %dma_wait3A_177 = tpu.memref_slice %arg21[%add3A_88, %dma_wait3A] : memref<10000x64xf32, #tpu.memory_space<vmem_shared>> -> memref<312x64xf32, #tpu.memory_space<vmem_shared>>
      %dma_wait3A_178 = arith.constant 0 : i32
      %dma_wait3A_179 = tpu.memref_slice %arg21[%add3A_88, %dma_wait3A_178] : memref<10000x64xf32, #tpu.memory_space<vmem_shared>> -> memref<312x64xf32, #tpu.memory_space<vmem_shared>>
      tpu.wait_dma2 semaphore(%run_scoped3A : memref<!tpu.dma_semaphore, #tpu.memory_space<semaphore_mem>>) src(%dma_wait3A_179 : memref<312x64xf32, #tpu.memory_space<vmem_shared>>) dst(%arg17 : memref<312x64xf32, #tpu.memory_space<vmem>>)
      tpu.yield
    }) : () -> ()
    "tpu.region"() ({
      %run_scoped3A = tpu.sem_alloc : memref<!tpu.dma_semaphore, #tpu.memory_space<semaphore_mem>>
      %dma_start3A_173 = tpu.memref_slice %arg10[%add3A_88, %mul3A_84] : memref<10000x256xf32, #tpu.memory_space<hbm>> -> memref<312x64xf32, #tpu.memory_space<hbm>>
      %dma_start3A_174 = tpu.memref_slice %arg10[%add3A_88, %mul3A_84] : memref<10000x256xf32, #tpu.memory_space<hbm>> -> memref<312x64xf32, #tpu.memory_space<hbm>>
      tpu.enqueue_dma source(%arg17 : memref<312x64xf32, #tpu.memory_space<vmem>>) target(%dma_start3A_174 : memref<312x64xf32, #tpu.memory_space<hbm>>) target_semaphore(%run_scoped3A : memref<!tpu.dma_semaphore, #tpu.memory_space<semaphore_mem>>)
      %dma_wait3A = tpu.memref_slice %arg10[%add3A_88, %mul3A_84] : memref<10000x256xf32, #tpu.memory_space<hbm>> -> memref<312x64xf32, #tpu.memory_space<hbm>>
      %dma_wait3A_175 = tpu.memref_slice %arg10[%add3A_88, %mul3A_84] : memref<10000x256xf32, #tpu.memory_space<hbm>> -> memref<312x64xf32, #tpu.memory_space<hbm>>
      tpu.wait_dma2 semaphore(%run_scoped3A : memref<!tpu.dma_semaphore, #tpu.memory_space<semaphore_mem>>) src(%arg17 : memref<312x64xf32, #tpu.memory_space<vmem>>) dst(%dma_wait3A_175 : memref<312x64xf32, #tpu.memory_space<hbm>>)
      tpu.yield
    }) : () -> ()
    %mul3A_89 = arith.constant 624 : i32
    %mul3A_90 = arith.muli %arg1, %mul3A_89 : i32
    %add3A_91 = arith.constant 312 : i32
    %add3A_92 = arith.addi %mul3A_90, %add3A_91 : i32
    "tpu.region"() ({
      %run_scoped3A = tpu.sem_alloc : memref<!tpu.dma_semaphore, #tpu.memory_space<semaphore_mem>>
      %dma_start3A_173 = arith.constant 0 : i32
      %dma_start3A_174 = tpu.memref_slice %arg21[%add3A_92, %dma_start3A_173] : memref<10000x64xf32, #tpu.memory_space<vmem_shared>> -> memref<312x64xf32, #tpu.memory_space<vmem_shared>>
      %dma_start3A_175 = arith.constant 0 : i32
      %dma_start3A_176 = tpu.memref_slice %arg21[%add3A_92, %dma_start3A_175] : memref<10000x64xf32, #tpu.memory_space<vmem_shared>> -> memref<312x64xf32, #tpu.memory_space<vmem_shared>>
      tpu.enqueue_dma source(%dma_start3A_176 : memref<312x64xf32, #tpu.memory_space<vmem_shared>>) target(%arg17 : memref<312x64xf32, #tpu.memory_space<vmem>>) target_semaphore(%run_scoped3A : memref<!tpu.dma_semaphore, #tpu.memory_space<semaphore_mem>>)
      %dma_wait3A = arith.constant 0 : i32
      %dma_wait3A_177 = tpu.memref_slice %arg21[%add3A_92, %dma_wait3A] : memref<10000x64xf32, #tpu.memory_space<vmem_shared>> -> memref<312x64xf32, #tpu.memory_space<vmem_shared>>
      %dma_wait3A_178 = arith.constant 0 : i32
      %dma_wait3A_179 = tpu.memref_slice %arg21[%add3A_92, %dma_wait3A_178] : memref<10000x64xf32, #tpu.memory_space<vmem_shared>> -> memref<312x64xf32, #tpu.memory_space<vmem_shared>>
      tpu.wait_dma2 semaphore(%run_scoped3A : memref<!tpu.dma_semaphore, #tpu.memory_space<semaphore_mem>>) src(%dma_wait3A_179 : memref<312x64xf32, #tpu.memory_space<vmem_shared>>) dst(%arg17 : memref<312x64xf32, #tpu.memory_space<vmem>>)
      tpu.yield
    }) : () -> ()
    "tpu.region"() ({
      %run_scoped3A = tpu.sem_alloc : memref<!tpu.dma_semaphore, #tpu.memory_space<semaphore_mem>>
      %dma_start3A_173 = tpu.memref_slice %arg10[%add3A_92, %mul3A_84] : memref<10000x256xf32, #tpu.memory_space<hbm>> -> memref<312x64xf32, #tpu.memory_space<hbm>>
      %dma_start3A_174 = tpu.memref_slice %arg10[%add3A_92, %mul3A_84] : memref<10000x256xf32, #tpu.memory_space<hbm>> -> memref<312x64xf32, #tpu.memory_space<hbm>>
      tpu.enqueue_dma source(%arg17 : memref<312x64xf32, #tpu.memory_space<vmem>>) target(%dma_start3A_174 : memref<312x64xf32, #tpu.memory_space<hbm>>) target_semaphore(%run_scoped3A : memref<!tpu.dma_semaphore, #tpu.memory_space<semaphore_mem>>)
      %dma_wait3A = tpu.memref_slice %arg10[%add3A_92, %mul3A_84] : memref<10000x256xf32, #tpu.memory_space<hbm>> -> memref<312x64xf32, #tpu.memory_space<hbm>>
      %dma_wait3A_175 = tpu.memref_slice %arg10[%add3A_92, %mul3A_84] : memref<10000x256xf32, #tpu.memory_space<hbm>> -> memref<312x64xf32, #tpu.memory_space<hbm>>
      tpu.wait_dma2 semaphore(%run_scoped3A : memref<!tpu.dma_semaphore, #tpu.memory_space<semaphore_mem>>) src(%arg17 : memref<312x64xf32, #tpu.memory_space<vmem>>) dst(%dma_wait3A_175 : memref<312x64xf32, #tpu.memory_space<hbm>>)
      tpu.yield
    }) : () -> ()
    %eq3A_93 = arith.constant 15 : i32
    %eq3A_94 = arith.cmpi eq, %arg1, %eq3A_93 : i32
    %convert_element_type3A_95 = arith.extui %eq3A_94 : i1 to i32
    %cond3A_96 = arith.constant 0 : i32
    %cond3A_97 = arith.cmpi ne, %convert_element_type3A_95, %cond3A_96 : i32
    scf.if %cond3A_97 {
      "tpu.region"() ({
        %run_scoped3A = tpu.sem_alloc : memref<!tpu.dma_semaphore, #tpu.memory_space<semaphore_mem>>
        %dma_start3A_173 = arith.constant 0 : i32
        %dma_start3A_174 = arith.constant 0 : i32
        %dma_start3A_175 = tpu.memref_slice %arg17[%dma_start3A_173, %dma_start3A_174] : memref<312x64xf32, #tpu.memory_space<vmem>> -> memref<16x64xf32, #tpu.memory_space<vmem>>
        %dma_start3A_176 = arith.constant 9984 : i32
        %dma_start3A_177 = arith.constant 0 : i32
        %dma_start3A_178 = tpu.memref_slice %arg21[%dma_start3A_176, %dma_start3A_177] : memref<10000x64xf32, #tpu.memory_space<vmem_shared>> -> memref<16x64xf32, #tpu.memory_space<vmem_shared>>
        %dma_start3A_179 = arith.constant 0 : i32
        %dma_start3A_180 = arith.constant 0 : i32
        %dma_start3A_181 = tpu.memref_slice %arg17[%dma_start3A_179, %dma_start3A_180] : memref<312x64xf32, #tpu.memory_space<vmem>> -> memref<16x64xf32, #tpu.memory_space<vmem>>
        %dma_start3A_182 = arith.constant 9984 : i32
        %dma_start3A_183 = arith.constant 0 : i32
        %dma_start3A_184 = tpu.memref_slice %arg21[%dma_start3A_182, %dma_start3A_183] : memref<10000x64xf32, #tpu.memory_space<vmem_shared>> -> memref<16x64xf32, #tpu.memory_space<vmem_shared>>
        tpu.enqueue_dma source(%dma_start3A_184 : memref<16x64xf32, #tpu.memory_space<vmem_shared>>) target(%dma_start3A_181 : memref<16x64xf32, #tpu.memory_space<vmem>>) target_semaphore(%run_scoped3A : memref<!tpu.dma_semaphore, #tpu.memory_space<semaphore_mem>>)
        %dma_wait3A = arith.constant 0 : i32
        %dma_wait3A_185 = arith.constant 0 : i32
        %dma_wait3A_186 = tpu.memref_slice %arg17[%dma_wait3A, %dma_wait3A_185] : memref<312x64xf32, #tpu.memory_space<vmem>> -> memref<16x64xf32, #tpu.memory_space<vmem>>
        %dma_wait3A_187 = arith.constant 9984 : i32
        %dma_wait3A_188 = arith.constant 0 : i32
        %dma_wait3A_189 = tpu.memref_slice %arg21[%dma_wait3A_187, %dma_wait3A_188] : memref<10000x64xf32, #tpu.memory_space<vmem_shared>> -> memref<16x64xf32, #tpu.memory_space<vmem_shared>>
        %dma_wait3A_190 = arith.constant 0 : i32
        %dma_wait3A_191 = arith.constant 0 : i32
        %dma_wait3A_192 = tpu.memref_slice %arg17[%dma_wait3A_190, %dma_wait3A_191] : memref<312x64xf32, #tpu.memory_space<vmem>> -> memref<16x64xf32, #tpu.memory_space<vmem>>
        %dma_wait3A_193 = arith.constant 9984 : i32
        %dma_wait3A_194 = arith.constant 0 : i32
        %dma_wait3A_195 = tpu.memref_slice %arg21[%dma_wait3A_193, %dma_wait3A_194] : memref<10000x64xf32, #tpu.memory_space<vmem_shared>> -> memref<16x64xf32, #tpu.memory_space<vmem_shared>>
        tpu.wait_dma2 semaphore(%run_scoped3A : memref<!tpu.dma_semaphore, #tpu.memory_space<semaphore_mem>>) src(%dma_wait3A_195 : memref<16x64xf32, #tpu.memory_space<vmem_shared>>) dst(%dma_wait3A_192 : memref<16x64xf32, #tpu.memory_space<vmem>>)
        tpu.yield
      }) : () -> ()
      "tpu.region"() ({
        %run_scoped3A = tpu.sem_alloc : memref<!tpu.dma_semaphore, #tpu.memory_space<semaphore_mem>>
        %dma_start3A_173 = arith.constant 0 : i32
        %dma_start3A_174 = arith.constant 0 : i32
        %dma_start3A_175 = tpu.memref_slice %arg17[%dma_start3A_173, %dma_start3A_174] : memref<312x64xf32, #tpu.memory_space<vmem>> -> memref<16x64xf32, #tpu.memory_space<vmem>>
        %dma_start3A_176 = arith.constant 9984 : i32
        %dma_start3A_177 = tpu.memref_slice %arg10[%dma_start3A_176, %mul3A_84] : memref<10000x256xf32, #tpu.memory_space<hbm>> -> memref<16x64xf32, #tpu.memory_space<hbm>>
        %dma_start3A_178 = arith.constant 9984 : i32
        %dma_start3A_179 = tpu.memref_slice %arg10[%dma_start3A_178, %mul3A_84] : memref<10000x256xf32, #tpu.memory_space<hbm>> -> memref<16x64xf32, #tpu.memory_space<hbm>>
        %dma_start3A_180 = arith.constant 0 : i32
        %dma_start3A_181 = arith.constant 0 : i32
        %dma_start3A_182 = tpu.memref_slice %arg17[%dma_start3A_180, %dma_start3A_181] : memref<312x64xf32, #tpu.memory_space<vmem>> -> memref<16x64xf32, #tpu.memory_space<vmem>>
        tpu.enqueue_dma source(%dma_start3A_182 : memref<16x64xf32, #tpu.memory_space<vmem>>) target(%dma_start3A_179 : memref<16x64xf32, #tpu.memory_space<hbm>>) target_semaphore(%run_scoped3A : memref<!tpu.dma_semaphore, #tpu.memory_space<semaphore_mem>>)
        %dma_wait3A = arith.constant 0 : i32
        %dma_wait3A_183 = arith.constant 0 : i32
        %dma_wait3A_184 = tpu.memref_slice %arg17[%dma_wait3A, %dma_wait3A_183] : memref<312x64xf32, #tpu.memory_space<vmem>> -> memref<16x64xf32, #tpu.memory_space<vmem>>
        %dma_wait3A_185 = arith.constant 9984 : i32
        %dma_wait3A_186 = tpu.memref_slice %arg10[%dma_wait3A_185, %mul3A_84] : memref<10000x256xf32, #tpu.memory_space<hbm>> -> memref<16x64xf32, #tpu.memory_space<hbm>>
        %dma_wait3A_187 = arith.constant 9984 : i32
        %dma_wait3A_188 = tpu.memref_slice %arg10[%dma_wait3A_187, %mul3A_84] : memref<10000x256xf32, #tpu.memory_space<hbm>> -> memref<16x64xf32, #tpu.memory_space<hbm>>
        %dma_wait3A_189 = arith.constant 0 : i32
        %dma_wait3A_190 = arith.constant 0 : i32
        %dma_wait3A_191 = tpu.memref_slice %arg17[%dma_wait3A_189, %dma_wait3A_190] : memref<312x64xf32, #tpu.memory_space<vmem>> -> memref<16x64xf32, #tpu.memory_space<vmem>>
        tpu.wait_dma2 semaphore(%run_scoped3A : memref<!tpu.dma_semaphore, #tpu.memory_space<semaphore_mem>>) src(%dma_wait3A_191 : memref<16x64xf32, #tpu.memory_space<vmem>>) dst(%dma_wait3A_188 : memref<16x64xf32, #tpu.memory_space<hbm>>)
        tpu.yield
      }) : () -> ()
    } else {
    }
    %mul3A_98 = arith.constant 312 : i32
    %mul3A_99 = arith.muli %arg1, %mul3A_98 : i32
    "tpu.region"() ({
      %run_scoped3A = tpu.sem_alloc : memref<!tpu.dma_semaphore, #tpu.memory_space<semaphore_mem>>
      %dma_start3A_173 = arith.constant 0 : i32
      %dma_start3A_174 = tpu.memref_slice %arg22[%mul3A_99, %dma_start3A_173] : memref<5008x32xf32, #tpu.memory_space<vmem_shared>> -> memref<312x32xf32, #tpu.memory_space<vmem_shared>>
      %dma_start3A_175 = arith.constant 0 : i32
      %dma_start3A_176 = tpu.memref_slice %arg22[%mul3A_99, %dma_start3A_175] : memref<5008x32xf32, #tpu.memory_space<vmem_shared>> -> memref<312x32xf32, #tpu.memory_space<vmem_shared>>
      tpu.enqueue_dma source(%dma_start3A_176 : memref<312x32xf32, #tpu.memory_space<vmem_shared>>) target(%arg18 : memref<312x32xf32, #tpu.memory_space<vmem>>) target_semaphore(%run_scoped3A : memref<!tpu.dma_semaphore, #tpu.memory_space<semaphore_mem>>)
      %dma_wait3A = arith.constant 0 : i32
      %dma_wait3A_177 = tpu.memref_slice %arg22[%mul3A_99, %dma_wait3A] : memref<5008x32xf32, #tpu.memory_space<vmem_shared>> -> memref<312x32xf32, #tpu.memory_space<vmem_shared>>
      %dma_wait3A_178 = arith.constant 0 : i32
      %dma_wait3A_179 = tpu.memref_slice %arg22[%mul3A_99, %dma_wait3A_178] : memref<5008x32xf32, #tpu.memory_space<vmem_shared>> -> memref<312x32xf32, #tpu.memory_space<vmem_shared>>
      tpu.wait_dma2 semaphore(%run_scoped3A : memref<!tpu.dma_semaphore, #tpu.memory_space<semaphore_mem>>) src(%dma_wait3A_179 : memref<312x32xf32, #tpu.memory_space<vmem_shared>>) dst(%arg18 : memref<312x32xf32, #tpu.memory_space<vmem>>)
      tpu.yield
    }) : () -> ()
    %mul3A_100 = arith.constant 5000 : i32
    %mul3A_101 = arith.muli %arg0, %mul3A_100 : i32
    %mul3A_102 = arith.constant 312 : i32
    %mul3A_103 = arith.muli %arg1, %mul3A_102 : i32
    %add3A_104 = arith.addi %mul3A_101, %mul3A_103 : i32
    "tpu.region"() ({
      %run_scoped3A = tpu.sem_alloc : memref<!tpu.dma_semaphore, #tpu.memory_space<semaphore_mem>>
      %dma_start3A_173 = arith.constant 0 : i32
      %dma_start3A_174 = tpu.memref_slice %arg11[%add3A_104, %dma_start3A_173] : memref<10000x32xf32, #tpu.memory_space<hbm>> -> memref<312x32xf32, #tpu.memory_space<hbm>>
      %dma_start3A_175 = arith.constant 0 : i32
      %dma_start3A_176 = tpu.memref_slice %arg11[%add3A_104, %dma_start3A_175] : memref<10000x32xf32, #tpu.memory_space<hbm>> -> memref<312x32xf32, #tpu.memory_space<hbm>>
      tpu.enqueue_dma source(%arg18 : memref<312x32xf32, #tpu.memory_space<vmem>>) target(%dma_start3A_176 : memref<312x32xf32, #tpu.memory_space<hbm>>) target_semaphore(%run_scoped3A : memref<!tpu.dma_semaphore, #tpu.memory_space<semaphore_mem>>)
      %dma_wait3A = arith.constant 0 : i32
      %dma_wait3A_177 = tpu.memref_slice %arg11[%add3A_104, %dma_wait3A] : memref<10000x32xf32, #tpu.memory_space<hbm>> -> memref<312x32xf32, #tpu.memory_space<hbm>>
      %dma_wait3A_178 = arith.constant 0 : i32
      %dma_wait3A_179 = tpu.memref_slice %arg11[%add3A_104, %dma_wait3A_178] : memref<10000x32xf32, #tpu.memory_space<hbm>> -> memref<312x32xf32, #tpu.memory_space<hbm>>
      tpu.wait_dma2 semaphore(%run_scoped3A : memref<!tpu.dma_semaphore, #tpu.memory_space<semaphore_mem>>) src(%arg18 : memref<312x32xf32, #tpu.memory_space<vmem>>) dst(%dma_wait3A_179 : memref<312x32xf32, #tpu.memory_space<hbm>>)
      tpu.yield
    }) : () -> ()
    %eq3A_105 = arith.constant 15 : i32
    %eq3A_106 = arith.cmpi eq, %arg1, %eq3A_105 : i32
    %convert_element_type3A_107 = arith.extui %eq3A_106 : i1 to i32
    %cond3A_108 = arith.constant 0 : i32
    %cond3A_109 = arith.cmpi ne, %convert_element_type3A_107, %cond3A_108 : i32
    scf.if %cond3A_109 {
      "tpu.region"() ({
        %run_scoped3A = tpu.sem_alloc : memref<!tpu.dma_semaphore, #tpu.memory_space<semaphore_mem>>
        %dma_start3A_178 = arith.constant 0 : i32
        %dma_start3A_179 = arith.constant 0 : i32
        %dma_start3A_180 = tpu.memref_slice %arg18[%dma_start3A_178, %dma_start3A_179] : memref<312x32xf32, #tpu.memory_space<vmem>> -> memref<8x32xf32, #tpu.memory_space<vmem>>
        %dma_start3A_181 = arith.constant 4992 : i32
        %dma_start3A_182 = arith.constant 0 : i32
        %dma_start3A_183 = tpu.memref_slice %arg22[%dma_start3A_181, %dma_start3A_182] : memref<5008x32xf32, #tpu.memory_space<vmem_shared>> -> memref<8x32xf32, #tpu.memory_space<vmem_shared>>
        %dma_start3A_184 = arith.constant 0 : i32
        %dma_start3A_185 = arith.constant 0 : i32
        %dma_start3A_186 = tpu.memref_slice %arg18[%dma_start3A_184, %dma_start3A_185] : memref<312x32xf32, #tpu.memory_space<vmem>> -> memref<8x32xf32, #tpu.memory_space<vmem>>
        %dma_start3A_187 = arith.constant 4992 : i32
        %dma_start3A_188 = arith.constant 0 : i32
        %dma_start3A_189 = tpu.memref_slice %arg22[%dma_start3A_187, %dma_start3A_188] : memref<5008x32xf32, #tpu.memory_space<vmem_shared>> -> memref<8x32xf32, #tpu.memory_space<vmem_shared>>
        tpu.enqueue_dma source(%dma_start3A_189 : memref<8x32xf32, #tpu.memory_space<vmem_shared>>) target(%dma_start3A_186 : memref<8x32xf32, #tpu.memory_space<vmem>>) target_semaphore(%run_scoped3A : memref<!tpu.dma_semaphore, #tpu.memory_space<semaphore_mem>>)
        %dma_wait3A = arith.constant 0 : i32
        %dma_wait3A_190 = arith.constant 0 : i32
        %dma_wait3A_191 = tpu.memref_slice %arg18[%dma_wait3A, %dma_wait3A_190] : memref<312x32xf32, #tpu.memory_space<vmem>> -> memref<8x32xf32, #tpu.memory_space<vmem>>
        %dma_wait3A_192 = arith.constant 4992 : i32
        %dma_wait3A_193 = arith.constant 0 : i32
        %dma_wait3A_194 = tpu.memref_slice %arg22[%dma_wait3A_192, %dma_wait3A_193] : memref<5008x32xf32, #tpu.memory_space<vmem_shared>> -> memref<8x32xf32, #tpu.memory_space<vmem_shared>>
        %dma_wait3A_195 = arith.constant 0 : i32
        %dma_wait3A_196 = arith.constant 0 : i32
        %dma_wait3A_197 = tpu.memref_slice %arg18[%dma_wait3A_195, %dma_wait3A_196] : memref<312x32xf32, #tpu.memory_space<vmem>> -> memref<8x32xf32, #tpu.memory_space<vmem>>
        %dma_wait3A_198 = arith.constant 4992 : i32
        %dma_wait3A_199 = arith.constant 0 : i32
        %dma_wait3A_200 = tpu.memref_slice %arg22[%dma_wait3A_198, %dma_wait3A_199] : memref<5008x32xf32, #tpu.memory_space<vmem_shared>> -> memref<8x32xf32, #tpu.memory_space<vmem_shared>>
        tpu.wait_dma2 semaphore(%run_scoped3A : memref<!tpu.dma_semaphore, #tpu.memory_space<semaphore_mem>>) src(%dma_wait3A_200 : memref<8x32xf32, #tpu.memory_space<vmem_shared>>) dst(%dma_wait3A_197 : memref<8x32xf32, #tpu.memory_space<vmem>>)
        tpu.yield
      }) : () -> ()
      %mul3A_173 = arith.constant 5000 : i32
      %mul3A_174 = arith.muli %arg0, %mul3A_173 : i32
      %add3A_175 = arith.constant 5000 : i32
      %add3A_176 = arith.addi %mul3A_174, %add3A_175 : i32
      %sub3A = arith.constant 8 : i32
      %sub3A_177 = arith.subi %add3A_176, %sub3A : i32
      "tpu.region"() ({
        %run_scoped3A = tpu.sem_alloc : memref<!tpu.dma_semaphore, #tpu.memory_space<semaphore_mem>>
        %dma_start3A_178 = arith.constant 0 : i32
        %dma_start3A_179 = arith.constant 0 : i32
        %dma_start3A_180 = tpu.memref_slice %arg18[%dma_start3A_178, %dma_start3A_179] : memref<312x32xf32, #tpu.memory_space<vmem>> -> memref<8x32xf32, #tpu.memory_space<vmem>>
        %dma_start3A_181 = arith.constant 0 : i32
        %dma_start3A_182 = tpu.memref_slice %arg11[%sub3A_177, %dma_start3A_181] : memref<10000x32xf32, #tpu.memory_space<hbm>> -> memref<8x32xf32, #tpu.memory_space<hbm>>
        %dma_start3A_183 = arith.constant 0 : i32
        %dma_start3A_184 = tpu.memref_slice %arg11[%sub3A_177, %dma_start3A_183] : memref<10000x32xf32, #tpu.memory_space<hbm>> -> memref<8x32xf32, #tpu.memory_space<hbm>>
        %dma_start3A_185 = arith.constant 0 : i32
        %dma_start3A_186 = arith.constant 0 : i32
        %dma_start3A_187 = tpu.memref_slice %arg18[%dma_start3A_185, %dma_start3A_186] : memref<312x32xf32, #tpu.memory_space<vmem>> -> memref<8x32xf32, #tpu.memory_space<vmem>>
        tpu.enqueue_dma source(%dma_start3A_187 : memref<8x32xf32, #tpu.memory_space<vmem>>) target(%dma_start3A_184 : memref<8x32xf32, #tpu.memory_space<hbm>>) target_semaphore(%run_scoped3A : memref<!tpu.dma_semaphore, #tpu.memory_space<semaphore_mem>>)
        %dma_wait3A = arith.constant 0 : i32
        %dma_wait3A_188 = arith.constant 0 : i32
        %dma_wait3A_189 = tpu.memref_slice %arg18[%dma_wait3A, %dma_wait3A_188] : memref<312x32xf32, #tpu.memory_space<vmem>> -> memref<8x32xf32, #tpu.memory_space<vmem>>
        %dma_wait3A_190 = arith.constant 0 : i32
        %dma_wait3A_191 = tpu.memref_slice %arg11[%sub3A_177, %dma_wait3A_190] : memref<10000x32xf32, #tpu.memory_space<hbm>> -> memref<8x32xf32, #tpu.memory_space<hbm>>
        %dma_wait3A_192 = arith.constant 0 : i32
        %dma_wait3A_193 = tpu.memref_slice %arg11[%sub3A_177, %dma_wait3A_192] : memref<10000x32xf32, #tpu.memory_space<hbm>> -> memref<8x32xf32, #tpu.memory_space<hbm>>
        %dma_wait3A_194 = arith.constant 0 : i32
        %dma_wait3A_195 = arith.constant 0 : i32
        %dma_wait3A_196 = tpu.memref_slice %arg18[%dma_wait3A_194, %dma_wait3A_195] : memref<312x32xf32, #tpu.memory_space<vmem>> -> memref<8x32xf32, #tpu.memory_space<vmem>>
        tpu.wait_dma2 semaphore(%run_scoped3A : memref<!tpu.dma_semaphore, #tpu.memory_space<semaphore_mem>>) src(%dma_wait3A_196 : memref<8x32xf32, #tpu.memory_space<vmem>>) dst(%dma_wait3A_193 : memref<8x32xf32, #tpu.memory_space<hbm>>)
        tpu.yield
      }) : () -> ()
    } else {
    }
    %barrier3A_110 = arith.constant 0 : index
    tpu.barrier barrier_id(%barrier3A_110)
    %mul3A_111 = arith.constant 624 : i32
    %mul3A_112 = arith.muli %arg1, %mul3A_111 : i32
    %add3A_113 = arith.constant 0 : i32
    %add3A_114 = arith.addi %mul3A_112, %add3A_113 : i32
    %add3A_115 = arith.constant 0 : i32
    %add3A_116 = arith.addi %add3A_115, %add3A_114 : i32
    "tpu.region"() ({
      %run_scoped3A = tpu.sem_alloc : memref<!tpu.dma_semaphore, #tpu.memory_space<semaphore_mem>>
      %dma_start3A_173 = arith.constant 0 : i32
      %dma_start3A_174 = tpu.memref_slice %arg8[%add3A_116, %dma_start3A_173] : memref<10000x64xf32, #tpu.memory_space<hbm>> -> memref<312x64xf32, #tpu.memory_space<hbm>>
      %dma_start3A_175 = arith.constant 0 : i32
      %dma_start3A_176 = tpu.memref_slice %arg8[%add3A_116, %dma_start3A_175] : memref<10000x64xf32, #tpu.memory_space<hbm>> -> memref<312x64xf32, #tpu.memory_space<hbm>>
      tpu.enqueue_dma source(%dma_start3A_176 : memref<312x64xf32, #tpu.memory_space<hbm>>) target(%arg17 : memref<312x64xf32, #tpu.memory_space<vmem>>) target_semaphore(%run_scoped3A : memref<!tpu.dma_semaphore, #tpu.memory_space<semaphore_mem>>)
      %dma_wait3A = arith.constant 0 : i32
      %dma_wait3A_177 = tpu.memref_slice %arg8[%add3A_116, %dma_wait3A] : memref<10000x64xf32, #tpu.memory_space<hbm>> -> memref<312x64xf32, #tpu.memory_space<hbm>>
      %dma_wait3A_178 = arith.constant 0 : i32
      %dma_wait3A_179 = tpu.memref_slice %arg8[%add3A_116, %dma_wait3A_178] : memref<10000x64xf32, #tpu.memory_space<hbm>> -> memref<312x64xf32, #tpu.memory_space<hbm>>
      tpu.wait_dma2 semaphore(%run_scoped3A : memref<!tpu.dma_semaphore, #tpu.memory_space<semaphore_mem>>) src(%dma_wait3A_179 : memref<312x64xf32, #tpu.memory_space<hbm>>) dst(%arg17 : memref<312x64xf32, #tpu.memory_space<vmem>>)
      tpu.yield
    }) : () -> ()
    "tpu.region"() ({
      %run_scoped3A = tpu.sem_alloc : memref<!tpu.dma_semaphore, #tpu.memory_space<semaphore_mem>>
      %dma_start3A_173 = arith.constant 0 : i32
      %dma_start3A_174 = tpu.memref_slice %arg21[%add3A_114, %dma_start3A_173] : memref<10000x64xf32, #tpu.memory_space<vmem_shared>> -> memref<312x64xf32, #tpu.memory_space<vmem_shared>>
      %dma_start3A_175 = arith.constant 0 : i32
      %dma_start3A_176 = tpu.memref_slice %arg21[%add3A_114, %dma_start3A_175] : memref<10000x64xf32, #tpu.memory_space<vmem_shared>> -> memref<312x64xf32, #tpu.memory_space<vmem_shared>>
      tpu.enqueue_dma source(%arg17 : memref<312x64xf32, #tpu.memory_space<vmem>>) target(%dma_start3A_176 : memref<312x64xf32, #tpu.memory_space<vmem_shared>>) target_semaphore(%run_scoped3A : memref<!tpu.dma_semaphore, #tpu.memory_space<semaphore_mem>>)
      %dma_wait3A = arith.constant 0 : i32
      %dma_wait3A_177 = tpu.memref_slice %arg21[%add3A_114, %dma_wait3A] : memref<10000x64xf32, #tpu.memory_space<vmem_shared>> -> memref<312x64xf32, #tpu.memory_space<vmem_shared>>
      %dma_wait3A_178 = arith.constant 0 : i32
      %dma_wait3A_179 = tpu.memref_slice %arg21[%add3A_114, %dma_wait3A_178] : memref<10000x64xf32, #tpu.memory_space<vmem_shared>> -> memref<312x64xf32, #tpu.memory_space<vmem_shared>>
      tpu.wait_dma2 semaphore(%run_scoped3A : memref<!tpu.dma_semaphore, #tpu.memory_space<semaphore_mem>>) src(%arg17 : memref<312x64xf32, #tpu.memory_space<vmem>>) dst(%dma_wait3A_179 : memref<312x64xf32, #tpu.memory_space<vmem_shared>>)
      tpu.yield
    }) : () -> ()
    %mul3A_117 = arith.constant 624 : i32
    %mul3A_118 = arith.muli %arg1, %mul3A_117 : i32
    %add3A_119 = arith.constant 312 : i32
    %add3A_120 = arith.addi %mul3A_118, %add3A_119 : i32
    %add3A_121 = arith.constant 0 : i32
    %add3A_122 = arith.addi %add3A_121, %add3A_120 : i32
    "tpu.region"() ({
      %run_scoped3A = tpu.sem_alloc : memref<!tpu.dma_semaphore, #tpu.memory_space<semaphore_mem>>
      %dma_start3A_173 = arith.constant 0 : i32
      %dma_start3A_174 = tpu.memref_slice %arg8[%add3A_122, %dma_start3A_173] : memref<10000x64xf32, #tpu.memory_space<hbm>> -> memref<312x64xf32, #tpu.memory_space<hbm>>
      %dma_start3A_175 = arith.constant 0 : i32
      %dma_start3A_176 = tpu.memref_slice %arg8[%add3A_122, %dma_start3A_175] : memref<10000x64xf32, #tpu.memory_space<hbm>> -> memref<312x64xf32, #tpu.memory_space<hbm>>
      tpu.enqueue_dma source(%dma_start3A_176 : memref<312x64xf32, #tpu.memory_space<hbm>>) target(%arg17 : memref<312x64xf32, #tpu.memory_space<vmem>>) target_semaphore(%run_scoped3A : memref<!tpu.dma_semaphore, #tpu.memory_space<semaphore_mem>>)
      %dma_wait3A = arith.constant 0 : i32
      %dma_wait3A_177 = tpu.memref_slice %arg8[%add3A_122, %dma_wait3A] : memref<10000x64xf32, #tpu.memory_space<hbm>> -> memref<312x64xf32, #tpu.memory_space<hbm>>
      %dma_wait3A_178 = arith.constant 0 : i32
      %dma_wait3A_179 = tpu.memref_slice %arg8[%add3A_122, %dma_wait3A_178] : memref<10000x64xf32, #tpu.memory_space<hbm>> -> memref<312x64xf32, #tpu.memory_space<hbm>>
      tpu.wait_dma2 semaphore(%run_scoped3A : memref<!tpu.dma_semaphore, #tpu.memory_space<semaphore_mem>>) src(%dma_wait3A_179 : memref<312x64xf32, #tpu.memory_space<hbm>>) dst(%arg17 : memref<312x64xf32, #tpu.memory_space<vmem>>)
      tpu.yield
    }) : () -> ()
    "tpu.region"() ({
      %run_scoped3A = tpu.sem_alloc : memref<!tpu.dma_semaphore, #tpu.memory_space<semaphore_mem>>
      %dma_start3A_173 = arith.constant 0 : i32
      %dma_start3A_174 = tpu.memref_slice %arg21[%add3A_120, %dma_start3A_173] : memref<10000x64xf32, #tpu.memory_space<vmem_shared>> -> memref<312x64xf32, #tpu.memory_space<vmem_shared>>
      %dma_start3A_175 = arith.constant 0 : i32
      %dma_start3A_176 = tpu.memref_slice %arg21[%add3A_120, %dma_start3A_175] : memref<10000x64xf32, #tpu.memory_space<vmem_shared>> -> memref<312x64xf32, #tpu.memory_space<vmem_shared>>
      tpu.enqueue_dma source(%arg17 : memref<312x64xf32, #tpu.memory_space<vmem>>) target(%dma_start3A_176 : memref<312x64xf32, #tpu.memory_space<vmem_shared>>) target_semaphore(%run_scoped3A : memref<!tpu.dma_semaphore, #tpu.memory_space<semaphore_mem>>)
      %dma_wait3A = arith.constant 0 : i32
      %dma_wait3A_177 = tpu.memref_slice %arg21[%add3A_120, %dma_wait3A] : memref<10000x64xf32, #tpu.memory_space<vmem_shared>> -> memref<312x64xf32, #tpu.memory_space<vmem_shared>>
      %dma_wait3A_178 = arith.constant 0 : i32
      %dma_wait3A_179 = tpu.memref_slice %arg21[%add3A_120, %dma_wait3A_178] : memref<10000x64xf32, #tpu.memory_space<vmem_shared>> -> memref<312x64xf32, #tpu.memory_space<vmem_shared>>
      tpu.wait_dma2 semaphore(%run_scoped3A : memref<!tpu.dma_semaphore, #tpu.memory_space<semaphore_mem>>) src(%arg17 : memref<312x64xf32, #tpu.memory_space<vmem>>) dst(%dma_wait3A_179 : memref<312x64xf32, #tpu.memory_space<vmem_shared>>)
      tpu.yield
    }) : () -> ()
    %eq3A_123 = arith.constant 15 : i32
    %eq3A_124 = arith.cmpi eq, %arg1, %eq3A_123 : i32
    %convert_element_type3A_125 = arith.extui %eq3A_124 : i1 to i32
    %cond3A_126 = arith.constant 0 : i32
    %cond3A_127 = arith.cmpi ne, %convert_element_type3A_125, %cond3A_126 : i32
    scf.if %cond3A_127 {
      "tpu.region"() ({
        %run_scoped3A = tpu.sem_alloc : memref<!tpu.dma_semaphore, #tpu.memory_space<semaphore_mem>>
        %dma_start3A_173 = arith.constant 0 : i32
        %dma_start3A_174 = arith.constant 0 : i32
        %dma_start3A_175 = tpu.memref_slice %arg17[%dma_start3A_173, %dma_start3A_174] : memref<312x64xf32, #tpu.memory_space<vmem>> -> memref<16x64xf32, #tpu.memory_space<vmem>>
        %dma_start3A_176 = arith.constant 9984 : i32
        %dma_start3A_177 = arith.constant 0 : i32
        %dma_start3A_178 = tpu.memref_slice %arg8[%dma_start3A_176, %dma_start3A_177] : memref<10000x64xf32, #tpu.memory_space<hbm>> -> memref<16x64xf32, #tpu.memory_space<hbm>>
        %dma_start3A_179 = arith.constant 0 : i32
        %dma_start3A_180 = arith.constant 0 : i32
        %dma_start3A_181 = tpu.memref_slice %arg17[%dma_start3A_179, %dma_start3A_180] : memref<312x64xf32, #tpu.memory_space<vmem>> -> memref<16x64xf32, #tpu.memory_space<vmem>>
        %dma_start3A_182 = arith.constant 9984 : i32
        %dma_start3A_183 = arith.constant 0 : i32
        %dma_start3A_184 = tpu.memref_slice %arg8[%dma_start3A_182, %dma_start3A_183] : memref<10000x64xf32, #tpu.memory_space<hbm>> -> memref<16x64xf32, #tpu.memory_space<hbm>>
        tpu.enqueue_dma source(%dma_start3A_184 : memref<16x64xf32, #tpu.memory_space<hbm>>) target(%dma_start3A_181 : memref<16x64xf32, #tpu.memory_space<vmem>>) target_semaphore(%run_scoped3A : memref<!tpu.dma_semaphore, #tpu.memory_space<semaphore_mem>>)
        %dma_wait3A = arith.constant 0 : i32
        %dma_wait3A_185 = arith.constant 0 : i32
        %dma_wait3A_186 = tpu.memref_slice %arg17[%dma_wait3A, %dma_wait3A_185] : memref<312x64xf32, #tpu.memory_space<vmem>> -> memref<16x64xf32, #tpu.memory_space<vmem>>
        %dma_wait3A_187 = arith.constant 9984 : i32
        %dma_wait3A_188 = arith.constant 0 : i32
        %dma_wait3A_189 = tpu.memref_slice %arg8[%dma_wait3A_187, %dma_wait3A_188] : memref<10000x64xf32, #tpu.memory_space<hbm>> -> memref<16x64xf32, #tpu.memory_space<hbm>>
        %dma_wait3A_190 = arith.constant 0 : i32
        %dma_wait3A_191 = arith.constant 0 : i32
        %dma_wait3A_192 = tpu.memref_slice %arg17[%dma_wait3A_190, %dma_wait3A_191] : memref<312x64xf32, #tpu.memory_space<vmem>> -> memref<16x64xf32, #tpu.memory_space<vmem>>
        %dma_wait3A_193 = arith.constant 9984 : i32
        %dma_wait3A_194 = arith.constant 0 : i32
        %dma_wait3A_195 = tpu.memref_slice %arg8[%dma_wait3A_193, %dma_wait3A_194] : memref<10000x64xf32, #tpu.memory_space<hbm>> -> memref<16x64xf32, #tpu.memory_space<hbm>>
        tpu.wait_dma2 semaphore(%run_scoped3A : memref<!tpu.dma_semaphore, #tpu.memory_space<semaphore_mem>>) src(%dma_wait3A_195 : memref<16x64xf32, #tpu.memory_space<hbm>>) dst(%dma_wait3A_192 : memref<16x64xf32, #tpu.memory_space<vmem>>)
        tpu.yield
      }) : () -> ()
      "tpu.region"() ({
        %run_scoped3A = tpu.sem_alloc : memref<!tpu.dma_semaphore, #tpu.memory_space<semaphore_mem>>
        %dma_start3A_173 = arith.constant 0 : i32
        %dma_start3A_174 = arith.constant 0 : i32
        %dma_start3A_175 = tpu.memref_slice %arg17[%dma_start3A_173, %dma_start3A_174] : memref<312x64xf32, #tpu.memory_space<vmem>> -> memref<16x64xf32, #tpu.memory_space<vmem>>
        %dma_start3A_176 = arith.constant 9984 : i32
        %dma_start3A_177 = arith.constant 0 : i32
        %dma_start3A_178 = tpu.memref_slice %arg21[%dma_start3A_176, %dma_start3A_177] : memref<10000x64xf32, #tpu.memory_space<vmem_shared>> -> memref<16x64xf32, #tpu.memory_space<vmem_shared>>
        %dma_start3A_179 = arith.constant 9984 : i32
        %dma_start3A_180 = arith.constant 0 : i32
        %dma_start3A_181 = tpu.memref_slice %arg21[%dma_start3A_179, %dma_start3A_180] : memref<10000x64xf32, #tpu.memory_space<vmem_shared>> -> memref<16x64xf32, #tpu.memory_space<vmem_shared>>
        %dma_start3A_182 = arith.constant 0 : i32
        %dma_start3A_183 = arith.constant 0 : i32
        %dma_start3A_184 = tpu.memref_slice %arg17[%dma_start3A_182, %dma_start3A_183] : memref<312x64xf32, #tpu.memory_space<vmem>> -> memref<16x64xf32, #tpu.memory_space<vmem>>
        tpu.enqueue_dma source(%dma_start3A_184 : memref<16x64xf32, #tpu.memory_space<vmem>>) target(%dma_start3A_181 : memref<16x64xf32, #tpu.memory_space<vmem_shared>>) target_semaphore(%run_scoped3A : memref<!tpu.dma_semaphore, #tpu.memory_space<semaphore_mem>>)
        %dma_wait3A = arith.constant 0 : i32
        %dma_wait3A_185 = arith.constant 0 : i32
        %dma_wait3A_186 = tpu.memref_slice %arg17[%dma_wait3A, %dma_wait3A_185] : memref<312x64xf32, #tpu.memory_space<vmem>> -> memref<16x64xf32, #tpu.memory_space<vmem>>
        %dma_wait3A_187 = arith.constant 9984 : i32
        %dma_wait3A_188 = arith.constant 0 : i32
        %dma_wait3A_189 = tpu.memref_slice %arg21[%dma_wait3A_187, %dma_wait3A_188] : memref<10000x64xf32, #tpu.memory_space<vmem_shared>> -> memref<16x64xf32, #tpu.memory_space<vmem_shared>>
        %dma_wait3A_190 = arith.constant 9984 : i32
        %dma_wait3A_191 = arith.constant 0 : i32
        %dma_wait3A_192 = tpu.memref_slice %arg21[%dma_wait3A_190, %dma_wait3A_191] : memref<10000x64xf32, #tpu.memory_space<vmem_shared>> -> memref<16x64xf32, #tpu.memory_space<vmem_shared>>
        %dma_wait3A_193 = arith.constant 0 : i32
        %dma_wait3A_194 = arith.constant 0 : i32
        %dma_wait3A_195 = tpu.memref_slice %arg17[%dma_wait3A_193, %dma_wait3A_194] : memref<312x64xf32, #tpu.memory_space<vmem>> -> memref<16x64xf32, #tpu.memory_space<vmem>>
        tpu.wait_dma2 semaphore(%run_scoped3A : memref<!tpu.dma_semaphore, #tpu.memory_space<semaphore_mem>>) src(%dma_wait3A_195 : memref<16x64xf32, #tpu.memory_space<vmem>>) dst(%dma_wait3A_192 : memref<16x64xf32, #tpu.memory_space<vmem_shared>>)
        tpu.yield
      }) : () -> ()
    } else {
    }
    %add3A_128 = arith.constant 2 : i32
    %add3A_129 = arith.addi %add3A_128, %arg0 : i32
    %mul3A_130 = arith.constant 160000 : i32
    %mul3A_131 = arith.muli %add3A_129, %mul3A_130 : i32
    %mul3A_132 = arith.constant 10000 : i32
    %mul3A_133 = arith.muli %arg1, %mul3A_132 : i32
    %add3A_134 = arith.addi %mul3A_131, %mul3A_133 : i32
    "tpu.region"() ({
      %run_scoped3A = tpu.sem_alloc : memref<!tpu.dma_semaphore, #tpu.memory_space<semaphore_mem>>
      %dma_start3A_173 = tpu.memref_slice %arg5[%add3A_134] : memref<640000xi32, #tpu.memory_space<hbm>> -> memref<10000xi32, #tpu.memory_space<hbm>>
      %dma_start3A_174 = tpu.memref_slice %arg5[%add3A_134] : memref<640000xi32, #tpu.memory_space<hbm>> -> memref<10000xi32, #tpu.memory_space<hbm>>
      tpu.enqueue_dma source(%dma_start3A_174 : memref<10000xi32, #tpu.memory_space<hbm>>) target(%arg12 : memref<10000xi32, #tpu.memory_space<vmem>>) target_semaphore(%run_scoped3A : memref<!tpu.dma_semaphore, #tpu.memory_space<semaphore_mem>>)
      %dma_wait3A = tpu.memref_slice %arg5[%add3A_134] : memref<640000xi32, #tpu.memory_space<hbm>> -> memref<10000xi32, #tpu.memory_space<hbm>>
      %dma_wait3A_175 = tpu.memref_slice %arg5[%add3A_134] : memref<640000xi32, #tpu.memory_space<hbm>> -> memref<10000xi32, #tpu.memory_space<hbm>>
      tpu.wait_dma2 semaphore(%run_scoped3A : memref<!tpu.dma_semaphore, #tpu.memory_space<semaphore_mem>>) src(%dma_wait3A_175 : memref<10000xi32, #tpu.memory_space<hbm>>) dst(%arg12 : memref<10000xi32, #tpu.memory_space<vmem>>)
      tpu.yield
    }) : () -> ()
    %barrier3A_135 = arith.constant 0 : index
    tpu.barrier barrier_id(%barrier3A_135)
    %scan3A_136 = arith.constant 0 : i32
    %scan3A_137 = arith.constant 0 : i32
    %scan3A_138 = arith.constant 5 : i32
    %scan3A_139 = arith.addi %scan3A_137, %scan3A_138 : i32
    %scan3A_140 = arith.constant 1 : i32
    scf.for %scan3A_173 = %scan3A_137 to %scan3A_139 step %scan3A_140  : i32 {
      %mul3A_174 = arith.constant 40 : i32
      %mul3A_175 = arith.muli %scan3A_173, %mul3A_174 : i32
      %mul3A_176 = arith.constant 40 : i32
      %mul3A_177 = arith.muli %scan3A_173, %mul3A_176 : i32
      %dma_start3A_178 = arith.constant 0 : i32
      %dma_start3A_179 = tpu.memref_slice %arg15[%mul3A_177, %dma_start3A_178] : memref<240x64xf32, #tpu.memory_space<vmem>> -> memref<40x64xf32, #tpu.memory_space<vmem>>
      %dma_start3A_180 = tpu.memref_slice %arg12[%mul3A_175] : memref<10000xi32, #tpu.memory_space<vmem>> -> memref<40xi32, #tpu.memory_space<vmem>>
      %dma_start3A_181 = arith.constant 0 : i32
      %dma_start3A_182 = arith.constant 0 : i32
      %dma_start3A_183 = tpu.memref_slice %arg2[%dma_start3A_181, %dma_start3A_182] : memref<40000x64xf32, #tpu.memory_space<hbm>> -> memref<40000x64xf32, #tpu.memory_space<hbm>>
      %dma_start3A_184 = tpu.memref_slice %arg19[%scan3A_173] : memref<6x!tpu.dma_semaphore, #tpu.memory_space<semaphore_mem>> -> memref<1x!tpu.dma_semaphore, #tpu.memory_space<semaphore_mem>>
      %dma_start3A_185 = tpu.memref_squeeze %dma_start3A_184 : memref<1x!tpu.dma_semaphore, #tpu.memory_space<semaphore_mem>> -> memref<!tpu.dma_semaphore, #tpu.memory_space<semaphore_mem>>
      tpu.enqueue_indirect_dma source(%dma_start3A_183 : memref<40000x64xf32, #tpu.memory_space<hbm>>) target(%dma_start3A_179 : memref<40x64xf32, #tpu.memory_space<vmem>>) offsets(%dma_start3A_180 : memref<40xi32, #tpu.memory_space<vmem>>) semaphore(%dma_start3A_185 : memref<!tpu.dma_semaphore, #tpu.memory_space<semaphore_mem>>)
    }
    %scan3A_141 = arith.constant 5 : i32
    %scan3A_142 = arith.constant 0 : i32
    %scan3A_143 = arith.constant 0 : i32
    %scan3A_144 = arith.constant 250 : i32
    %scan3A_145 = arith.addi %scan3A_143, %scan3A_144 : i32
    %scan3A_146 = arith.constant 1 : i32
    scf.for %scan3A_173 = %scan3A_143 to %scan3A_145 step %scan3A_146  : i32 {
      %rem3A = arith.constant 6 : i32
      %rem3A_174 = arith.remsi %scan3A_173, %rem3A : i32
      %mul3A_175 = arith.constant 40 : i32
      %mul3A_176 = arith.muli %scan3A_173, %mul3A_175 : i32
      %mul3A_177 = arith.constant 40 : i32
      %mul3A_178 = arith.muli %rem3A_174, %mul3A_177 : i32
      %dma_wait3A = arith.constant 0 : i32
      %dma_wait3A_179 = tpu.memref_slice %arg15[%mul3A_178, %dma_wait3A] : memref<240x64xf32, #tpu.memory_space<vmem>> -> memref<40x64xf32, #tpu.memory_space<vmem>>
      %dma_wait3A_180 = tpu.memref_slice %arg12[%mul3A_176] : memref<10000xi32, #tpu.memory_space<vmem>> -> memref<40xi32, #tpu.memory_space<vmem>>
      %dma_wait3A_181 = arith.constant 0 : i32
      %dma_wait3A_182 = arith.constant 0 : i32
      %dma_wait3A_183 = tpu.memref_slice %arg2[%dma_wait3A_181, %dma_wait3A_182] : memref<40000x64xf32, #tpu.memory_space<hbm>> -> memref<40000x64xf32, #tpu.memory_space<hbm>>
      %dma_wait3A_184 = tpu.memref_slice %arg19[%rem3A_174] : memref<6x!tpu.dma_semaphore, #tpu.memory_space<semaphore_mem>> -> memref<1x!tpu.dma_semaphore, #tpu.memory_space<semaphore_mem>>
      %dma_wait3A_185 = tpu.memref_squeeze %dma_wait3A_184 : memref<1x!tpu.dma_semaphore, #tpu.memory_space<semaphore_mem>> -> memref<!tpu.dma_semaphore, #tpu.memory_space<semaphore_mem>>
      tpu.wait_indirect_dma semaphore(%dma_wait3A_185 : memref<!tpu.dma_semaphore, #tpu.memory_space<semaphore_mem>>) src(%dma_wait3A_183 : memref<40000x64xf32, #tpu.memory_space<hbm>>) dst(%dma_wait3A_179 : memref<40x64xf32, #tpu.memory_space<vmem>>)
      %mul3A_186 = arith.constant 40 : i32
      %mul3A_187 = arith.muli %rem3A_174, %mul3A_186 : i32
      %mul3A_188 = arith.constant 40 : i32
      %mul3A_189 = arith.muli %scan3A_173, %mul3A_188 : i32
      %dma_start3A_190 = arith.constant 0 : i32
      %dma_start3A_191 = tpu.memref_slice %arg15[%mul3A_187, %dma_start3A_190] : memref<240x64xf32, #tpu.memory_space<vmem>> -> memref<40x64xf32, #tpu.memory_space<vmem>>
      %dma_start3A_192 = tpu.memref_slice %arg13[%mul3A_189] : memref<10000xi32, #tpu.memory_space<vmem>> -> memref<40xi32, #tpu.memory_space<vmem>>
      %dma_start3A_193 = arith.constant 0 : i32
      %dma_start3A_194 = arith.constant 0 : i32
      %dma_start3A_195 = tpu.memref_slice %arg21[%dma_start3A_193, %dma_start3A_194] : memref<10000x64xf32, #tpu.memory_space<vmem_shared>> -> memref<10000x64xf32, #tpu.memory_space<vmem_shared>>
      %dma_start3A_196 = tpu.memref_slice %arg20[%rem3A_174] : memref<6x!tpu.dma_semaphore, #tpu.memory_space<semaphore_mem>> -> memref<1x!tpu.dma_semaphore, #tpu.memory_space<semaphore_mem>>
      %dma_start3A_197 = tpu.memref_squeeze %dma_start3A_196 : memref<1x!tpu.dma_semaphore, #tpu.memory_space<semaphore_mem>> -> memref<!tpu.dma_semaphore, #tpu.memory_space<semaphore_mem>>
      tpu.enqueue_indirect_dma source(%dma_start3A_191 : memref<40x64xf32, #tpu.memory_space<vmem>>) target(%dma_start3A_195 : memref<10000x64xf32, #tpu.memory_space<vmem_shared>>) offsets(%dma_start3A_192 : memref<40xi32, #tpu.memory_space<vmem>>) semaphore(%dma_start3A_197 : memref<!tpu.dma_semaphore, #tpu.memory_space<semaphore_mem>>) {add = true}
      %add3A_198 = arith.constant 6 : i32
      %add3A_199 = arith.addi %scan3A_173, %add3A_198 : i32
      %sub3A = arith.constant 1 : i32
      %sub3A_200 = arith.subi %add3A_199, %sub3A : i32
      %rem3A_201 = arith.constant 6 : i32
      %rem3A_202 = arith.remsi %sub3A_200, %rem3A_201 : i32
      %ge3A = arith.constant 1 : i32
      %ge3A_203 = arith.cmpi sge, %scan3A_173, %ge3A : i32
      %lt3A = arith.constant 250 : i32
      %lt3A_204 = arith.cmpi slt, %sub3A_200, %lt3A : i32
      %and3A = arith.andi %ge3A_203, %lt3A_204 : i1
      %convert_element_type3A_205 = arith.extui %and3A : i1 to i32
      %cond3A_206 = arith.constant 0 : i32
      %cond3A_207 = arith.cmpi ne, %convert_element_type3A_205, %cond3A_206 : i32
      scf.if %cond3A_207 {
        %sub3A_213 = arith.constant 1 : i32
        %sub3A_214 = arith.subi %scan3A_173, %sub3A_213 : i32
        %mul3A_215 = arith.constant 40 : i32
        %mul3A_216 = arith.muli %rem3A_202, %mul3A_215 : i32
        %mul3A_217 = arith.constant 40 : i32
        %mul3A_218 = arith.muli %sub3A_214, %mul3A_217 : i32
        %dma_wait3A_219 = arith.constant 0 : i32
        %dma_wait3A_220 = tpu.memref_slice %arg15[%mul3A_216, %dma_wait3A_219] : memref<240x64xf32, #tpu.memory_space<vmem>> -> memref<40x64xf32, #tpu.memory_space<vmem>>
        %dma_wait3A_221 = tpu.memref_slice %arg13[%mul3A_218] : memref<10000xi32, #tpu.memory_space<vmem>> -> memref<40xi32, #tpu.memory_space<vmem>>
        %dma_wait3A_222 = arith.constant 0 : i32
        %dma_wait3A_223 = arith.constant 0 : i32
        %dma_wait3A_224 = tpu.memref_slice %arg21[%dma_wait3A_222, %dma_wait3A_223] : memref<10000x64xf32, #tpu.memory_space<vmem_shared>> -> memref<10000x64xf32, #tpu.memory_space<vmem_shared>>
        %dma_wait3A_225 = tpu.memref_slice %arg20[%rem3A_202] : memref<6x!tpu.dma_semaphore, #tpu.memory_space<semaphore_mem>> -> memref<1x!tpu.dma_semaphore, #tpu.memory_space<semaphore_mem>>
        %dma_wait3A_226 = tpu.memref_squeeze %dma_wait3A_225 : memref<1x!tpu.dma_semaphore, #tpu.memory_space<semaphore_mem>> -> memref<!tpu.dma_semaphore, #tpu.memory_space<semaphore_mem>>
        tpu.wait_indirect_dma semaphore(%dma_wait3A_226 : memref<!tpu.dma_semaphore, #tpu.memory_space<semaphore_mem>>) src(%dma_wait3A_220 : memref<40x64xf32, #tpu.memory_space<vmem>>) dst(%dma_wait3A_224 : memref<10000x64xf32, #tpu.memory_space<vmem_shared>>)
      } else {
      }
      %lt3A_208 = arith.constant 250 : i32
      %lt3A_209 = arith.cmpi slt, %sub3A_200, %lt3A_208 : i32
      %convert_element_type3A_210 = arith.extui %lt3A_209 : i1 to i32
      %cond3A_211 = arith.constant 0 : i32
      %cond3A_212 = arith.cmpi ne, %convert_element_type3A_210, %cond3A_211 : i32
      scf.if %cond3A_212 {
        %mul3A_213 = arith.constant 40 : i32
        %mul3A_214 = arith.muli %sub3A_200, %mul3A_213 : i32
        %mul3A_215 = arith.constant 40 : i32
        %mul3A_216 = arith.muli %rem3A_202, %mul3A_215 : i32
        %dma_start3A_217 = arith.constant 0 : i32
        %dma_start3A_218 = tpu.memref_slice %arg15[%mul3A_216, %dma_start3A_217] : memref<240x64xf32, #tpu.memory_space<vmem>> -> memref<40x64xf32, #tpu.memory_space<vmem>>
        %dma_start3A_219 = tpu.memref_slice %arg12[%mul3A_214] : memref<10000xi32, #tpu.memory_space<vmem>> -> memref<40xi32, #tpu.memory_space<vmem>>
        %dma_start3A_220 = arith.constant 0 : i32
        %dma_start3A_221 = arith.constant 0 : i32
        %dma_start3A_222 = tpu.memref_slice %arg2[%dma_start3A_220, %dma_start3A_221] : memref<40000x64xf32, #tpu.memory_space<hbm>> -> memref<40000x64xf32, #tpu.memory_space<hbm>>
        %dma_start3A_223 = tpu.memref_slice %arg19[%rem3A_202] : memref<6x!tpu.dma_semaphore, #tpu.memory_space<semaphore_mem>> -> memref<1x!tpu.dma_semaphore, #tpu.memory_space<semaphore_mem>>
        %dma_start3A_224 = tpu.memref_squeeze %dma_start3A_223 : memref<1x!tpu.dma_semaphore, #tpu.memory_space<semaphore_mem>> -> memref<!tpu.dma_semaphore, #tpu.memory_space<semaphore_mem>>
        tpu.enqueue_indirect_dma source(%dma_start3A_222 : memref<40000x64xf32, #tpu.memory_space<hbm>>) target(%dma_start3A_218 : memref<40x64xf32, #tpu.memory_space<vmem>>) offsets(%dma_start3A_219 : memref<40xi32, #tpu.memory_space<vmem>>) semaphore(%dma_start3A_224 : memref<!tpu.dma_semaphore, #tpu.memory_space<semaphore_mem>>)
      } else {
      }
    }
    %scan3A_147 = arith.constant 250 : i32
    %scan3A_148 = arith.constant 0 : i32
    %scan3A_149 = arith.constant 244 : i32
    %scan3A_150 = arith.constant 6 : i32
    %scan3A_151 = arith.addi %scan3A_149, %scan3A_150 : i32
    %scan3A_152 = arith.constant 1 : i32
    scf.for %scan3A_173 = %scan3A_149 to %scan3A_151 step %scan3A_152  : i32 {
      %rem3A = arith.constant 6 : i32
      %rem3A_174 = arith.remsi %scan3A_173, %rem3A : i32
      %mul3A_175 = arith.constant 40 : i32
      %mul3A_176 = arith.muli %rem3A_174, %mul3A_175 : i32
      %mul3A_177 = arith.constant 40 : i32
      %mul3A_178 = arith.muli %scan3A_173, %mul3A_177 : i32
      %dma_wait3A = arith.constant 0 : i32
      %dma_wait3A_179 = tpu.memref_slice %arg15[%mul3A_176, %dma_wait3A] : memref<240x64xf32, #tpu.memory_space<vmem>> -> memref<40x64xf32, #tpu.memory_space<vmem>>
      %dma_wait3A_180 = tpu.memref_slice %arg13[%mul3A_178] : memref<10000xi32, #tpu.memory_space<vmem>> -> memref<40xi32, #tpu.memory_space<vmem>>
      %dma_wait3A_181 = arith.constant 0 : i32
      %dma_wait3A_182 = arith.constant 0 : i32
      %dma_wait3A_183 = tpu.memref_slice %arg21[%dma_wait3A_181, %dma_wait3A_182] : memref<10000x64xf32, #tpu.memory_space<vmem_shared>> -> memref<10000x64xf32, #tpu.memory_space<vmem_shared>>
      %dma_wait3A_184 = tpu.memref_slice %arg20[%rem3A_174] : memref<6x!tpu.dma_semaphore, #tpu.memory_space<semaphore_mem>> -> memref<1x!tpu.dma_semaphore, #tpu.memory_space<semaphore_mem>>
      %dma_wait3A_185 = tpu.memref_squeeze %dma_wait3A_184 : memref<1x!tpu.dma_semaphore, #tpu.memory_space<semaphore_mem>> -> memref<!tpu.dma_semaphore, #tpu.memory_space<semaphore_mem>>
      tpu.wait_indirect_dma semaphore(%dma_wait3A_185 : memref<!tpu.dma_semaphore, #tpu.memory_space<semaphore_mem>>) src(%dma_wait3A_179 : memref<40x64xf32, #tpu.memory_space<vmem>>) dst(%dma_wait3A_183 : memref<10000x64xf32, #tpu.memory_space<vmem_shared>>)
    }
    %scan3A_153 = arith.constant 6 : i32
    %barrier3A_154 = arith.constant 0 : index
    tpu.barrier barrier_id(%barrier3A_154)
    %add3A_155 = arith.constant 2 : i32
    %add3A_156 = arith.addi %add3A_155, %arg0 : i32
    %mul3A_157 = arith.constant 64 : i32
    %mul3A_158 = arith.muli %add3A_156, %mul3A_157 : i32
    %mul3A_159 = arith.constant 624 : i32
    %mul3A_160 = arith.muli %arg1, %mul3A_159 : i32
    %add3A_161 = arith.constant 0 : i32
    %add3A_162 = arith.addi %mul3A_160, %add3A_161 : i32
    "tpu.region"() ({
      %run_scoped3A = tpu.sem_alloc : memref<!tpu.dma_semaphore, #tpu.memory_space<semaphore_mem>>
      %dma_start3A_173 = arith.constant 0 : i32
      %dma_start3A_174 = tpu.memref_slice %arg21[%add3A_162, %dma_start3A_173] : memref<10000x64xf32, #tpu.memory_space<vmem_shared>> -> memref<312x64xf32, #tpu.memory_space<vmem_shared>>
      %dma_start3A_175 = arith.constant 0 : i32
      %dma_start3A_176 = tpu.memref_slice %arg21[%add3A_162, %dma_start3A_175] : memref<10000x64xf32, #tpu.memory_space<vmem_shared>> -> memref<312x64xf32, #tpu.memory_space<vmem_shared>>
      tpu.enqueue_dma source(%dma_start3A_176 : memref<312x64xf32, #tpu.memory_space<vmem_shared>>) target(%arg17 : memref<312x64xf32, #tpu.memory_space<vmem>>) target_semaphore(%run_scoped3A : memref<!tpu.dma_semaphore, #tpu.memory_space<semaphore_mem>>)
      %dma_wait3A = arith.constant 0 : i32
      %dma_wait3A_177 = tpu.memref_slice %arg21[%add3A_162, %dma_wait3A] : memref<10000x64xf32, #tpu.memory_space<vmem_shared>> -> memref<312x64xf32, #tpu.memory_space<vmem_shared>>
      %dma_wait3A_178 = arith.constant 0 : i32
      %dma_wait3A_179 = tpu.memref_slice %arg21[%add3A_162, %dma_wait3A_178] : memref<10000x64xf32, #tpu.memory_space<vmem_shared>> -> memref<312x64xf32, #tpu.memory_space<vmem_shared>>
      tpu.wait_dma2 semaphore(%run_scoped3A : memref<!tpu.dma_semaphore, #tpu.memory_space<semaphore_mem>>) src(%dma_wait3A_179 : memref<312x64xf32, #tpu.memory_space<vmem_shared>>) dst(%arg17 : memref<312x64xf32, #tpu.memory_space<vmem>>)
      tpu.yield
    }) : () -> ()
    "tpu.region"() ({
      %run_scoped3A = tpu.sem_alloc : memref<!tpu.dma_semaphore, #tpu.memory_space<semaphore_mem>>
      %dma_start3A_173 = tpu.memref_slice %arg10[%add3A_162, %mul3A_158] : memref<10000x256xf32, #tpu.memory_space<hbm>> -> memref<312x64xf32, #tpu.memory_space<hbm>>
      %dma_start3A_174 = tpu.memref_slice %arg10[%add3A_162, %mul3A_158] : memref<10000x256xf32, #tpu.memory_space<hbm>> -> memref<312x64xf32, #tpu.memory_space<hbm>>
      tpu.enqueue_dma source(%arg17 : memref<312x64xf32, #tpu.memory_space<vmem>>) target(%dma_start3A_174 : memref<312x64xf32, #tpu.memory_space<hbm>>) target_semaphore(%run_scoped3A : memref<!tpu.dma_semaphore, #tpu.memory_space<semaphore_mem>>)
      %dma_wait3A = tpu.memref_slice %arg10[%add3A_162, %mul3A_158] : memref<10000x256xf32, #tpu.memory_space<hbm>> -> memref<312x64xf32, #tpu.memory_space<hbm>>
      %dma_wait3A_175 = tpu.memref_slice %arg10[%add3A_162, %mul3A_158] : memref<10000x256xf32, #tpu.memory_space<hbm>> -> memref<312x64xf32, #tpu.memory_space<hbm>>
      tpu.wait_dma2 semaphore(%run_scoped3A : memref<!tpu.dma_semaphore, #tpu.memory_space<semaphore_mem>>) src(%arg17 : memref<312x64xf32, #tpu.memory_space<vmem>>) dst(%dma_wait3A_175 : memref<312x64xf32, #tpu.memory_space<hbm>>)
      tpu.yield
    }) : () -> ()
    %mul3A_163 = arith.constant 624 : i32
    %mul3A_164 = arith.muli %arg1, %mul3A_163 : i32
    %add3A_165 = arith.constant 312 : i32
    %add3A_166 = arith.addi %mul3A_164, %add3A_165 : i32
    "tpu.region"() ({
      %run_scoped3A = tpu.sem_alloc : memref<!tpu.dma_semaphore, #tpu.memory_space<semaphore_mem>>
      %dma_start3A_173 = arith.constant 0 : i32
      %dma_start3A_174 = tpu.memref_slice %arg21[%add3A_166, %dma_start3A_173] : memref<10000x64xf32, #tpu.memory_space<vmem_shared>> -> memref<312x64xf32, #tpu.memory_space<vmem_shared>>
      %dma_start3A_175 = arith.constant 0 : i32
      %dma_start3A_176 = tpu.memref_slice %arg21[%add3A_166, %dma_start3A_175] : memref<10000x64xf32, #tpu.memory_space<vmem_shared>> -> memref<312x64xf32, #tpu.memory_space<vmem_shared>>
      tpu.enqueue_dma source(%dma_start3A_176 : memref<312x64xf32, #tpu.memory_space<vmem_shared>>) target(%arg17 : memref<312x64xf32, #tpu.memory_space<vmem>>) target_semaphore(%run_scoped3A : memref<!tpu.dma_semaphore, #tpu.memory_space<semaphore_mem>>)
      %dma_wait3A = arith.constant 0 : i32
      %dma_wait3A_177 = tpu.memref_slice %arg21[%add3A_166, %dma_wait3A] : memref<10000x64xf32, #tpu.memory_space<vmem_shared>> -> memref<312x64xf32, #tpu.memory_space<vmem_shared>>
      %dma_wait3A_178 = arith.constant 0 : i32
      %dma_wait3A_179 = tpu.memref_slice %arg21[%add3A_166, %dma_wait3A_178] : memref<10000x64xf32, #tpu.memory_space<vmem_shared>> -> memref<312x64xf32, #tpu.memory_space<vmem_shared>>
      tpu.wait_dma2 semaphore(%run_scoped3A : memref<!tpu.dma_semaphore, #tpu.memory_space<semaphore_mem>>) src(%dma_wait3A_179 : memref<312x64xf32, #tpu.memory_space<vmem_shared>>) dst(%arg17 : memref<312x64xf32, #tpu.memory_space<vmem>>)
      tpu.yield
    }) : () -> ()
    "tpu.region"() ({
      %run_scoped3A = tpu.sem_alloc : memref<!tpu.dma_semaphore, #tpu.memory_space<semaphore_mem>>
      %dma_start3A_173 = tpu.memref_slice %arg10[%add3A_166, %mul3A_158] : memref<10000x256xf32, #tpu.memory_space<hbm>> -> memref<312x64xf32, #tpu.memory_space<hbm>>
      %dma_start3A_174 = tpu.memref_slice %arg10[%add3A_166, %mul3A_158] : memref<10000x256xf32, #tpu.memory_space<hbm>> -> memref<312x64xf32, #tpu.memory_space<hbm>>
      tpu.enqueue_dma source(%arg17 : memref<312x64xf32, #tpu.memory_space<vmem>>) target(%dma_start3A_174 : memref<312x64xf32, #tpu.memory_space<hbm>>) target_semaphore(%run_scoped3A : memref<!tpu.dma_semaphore, #tpu.memory_space<semaphore_mem>>)
      %dma_wait3A = tpu.memref_slice %arg10[%add3A_166, %mul3A_158] : memref<10000x256xf32, #tpu.memory_space<hbm>> -> memref<312x64xf32, #tpu.memory_space<hbm>>
      %dma_wait3A_175 = tpu.memref_slice %arg10[%add3A_166, %mul3A_158] : memref<10000x256xf32, #tpu.memory_space<hbm>> -> memref<312x64xf32, #tpu.memory_space<hbm>>
      tpu.wait_dma2 semaphore(%run_scoped3A : memref<!tpu.dma_semaphore, #tpu.memory_space<semaphore_mem>>) src(%arg17 : memref<312x64xf32, #tpu.memory_space<vmem>>) dst(%dma_wait3A_175 : memref<312x64xf32, #tpu.memory_space<hbm>>)
      tpu.yield
    }) : () -> ()
    %eq3A_167 = arith.constant 15 : i32
    %eq3A_168 = arith.cmpi eq, %arg1, %eq3A_167 : i32
    %convert_element_type3A_169 = arith.extui %eq3A_168 : i1 to i32
    %cond3A_170 = arith.constant 0 : i32
    %cond3A_171 = arith.cmpi ne, %convert_element_type3A_169, %cond3A_170 : i32
    scf.if %cond3A_171 {
      "tpu.region"() ({
        %run_scoped3A = tpu.sem_alloc : memref<!tpu.dma_semaphore, #tpu.memory_space<semaphore_mem>>
        %dma_start3A_173 = arith.constant 0 : i32
        %dma_start3A_174 = arith.constant 0 : i32
        %dma_start3A_175 = tpu.memref_slice %arg17[%dma_start3A_173, %dma_start3A_174] : memref<312x64xf32, #tpu.memory_space<vmem>> -> memref<16x64xf32, #tpu.memory_space<vmem>>
        %dma_start3A_176 = arith.constant 9984 : i32
        %dma_start3A_177 = arith.constant 0 : i32
        %dma_start3A_178 = tpu.memref_slice %arg21[%dma_start3A_176, %dma_start3A_177] : memref<10000x64xf32, #tpu.memory_space<vmem_shared>> -> memref<16x64xf32, #tpu.memory_space<vmem_shared>>
        %dma_start3A_179 = arith.constant 0 : i32
        %dma_start3A_180 = arith.constant 0 : i32
        %dma_start3A_181 = tpu.memref_slice %arg17[%dma_start3A_179, %dma_start3A_180] : memref<312x64xf32, #tpu.memory_space<vmem>> -> memref<16x64xf32, #tpu.memory_space<vmem>>
        %dma_start3A_182 = arith.constant 9984 : i32
        %dma_start3A_183 = arith.constant 0 : i32
        %dma_start3A_184 = tpu.memref_slice %arg21[%dma_start3A_182, %dma_start3A_183] : memref<10000x64xf32, #tpu.memory_space<vmem_shared>> -> memref<16x64xf32, #tpu.memory_space<vmem_shared>>
        tpu.enqueue_dma source(%dma_start3A_184 : memref<16x64xf32, #tpu.memory_space<vmem_shared>>) target(%dma_start3A_181 : memref<16x64xf32, #tpu.memory_space<vmem>>) target_semaphore(%run_scoped3A : memref<!tpu.dma_semaphore, #tpu.memory_space<semaphore_mem>>)
        %dma_wait3A = arith.constant 0 : i32
        %dma_wait3A_185 = arith.constant 0 : i32
        %dma_wait3A_186 = tpu.memref_slice %arg17[%dma_wait3A, %dma_wait3A_185] : memref<312x64xf32, #tpu.memory_space<vmem>> -> memref<16x64xf32, #tpu.memory_space<vmem>>
        %dma_wait3A_187 = arith.constant 9984 : i32
        %dma_wait3A_188 = arith.constant 0 : i32
        %dma_wait3A_189 = tpu.memref_slice %arg21[%dma_wait3A_187, %dma_wait3A_188] : memref<10000x64xf32, #tpu.memory_space<vmem_shared>> -> memref<16x64xf32, #tpu.memory_space<vmem_shared>>
        %dma_wait3A_190 = arith.constant 0 : i32
        %dma_wait3A_191 = arith.constant 0 : i32
        %dma_wait3A_192 = tpu.memref_slice %arg17[%dma_wait3A_190, %dma_wait3A_191] : memref<312x64xf32, #tpu.memory_space<vmem>> -> memref<16x64xf32, #tpu.memory_space<vmem>>
        %dma_wait3A_193 = arith.constant 9984 : i32
        %dma_wait3A_194 = arith.constant 0 : i32
        %dma_wait3A_195 = tpu.memref_slice %arg21[%dma_wait3A_193, %dma_wait3A_194] : memref<10000x64xf32, #tpu.memory_space<vmem_shared>> -> memref<16x64xf32, #tpu.memory_space<vmem_shared>>
        tpu.wait_dma2 semaphore(%run_scoped3A : memref<!tpu.dma_semaphore, #tpu.memory_space<semaphore_mem>>) src(%dma_wait3A_195 : memref<16x64xf32, #tpu.memory_space<vmem_shared>>) dst(%dma_wait3A_192 : memref<16x64xf32, #tpu.memory_space<vmem>>)
        tpu.yield
      }) : () -> ()
      "tpu.region"() ({
        %run_scoped3A = tpu.sem_alloc : memref<!tpu.dma_semaphore, #tpu.memory_space<semaphore_mem>>
        %dma_start3A_173 = arith.constant 0 : i32
        %dma_start3A_174 = arith.constant 0 : i32
        %dma_start3A_175 = tpu.memref_slice %arg17[%dma_start3A_173, %dma_start3A_174] : memref<312x64xf32, #tpu.memory_space<vmem>> -> memref<16x64xf32, #tpu.memory_space<vmem>>
        %dma_start3A_176 = arith.constant 9984 : i32
        %dma_start3A_177 = tpu.memref_slice %arg10[%dma_start3A_176, %mul3A_158] : memref<10000x256xf32, #tpu.memory_space<hbm>> -> memref<16x64xf32, #tpu.memory_space<hbm>>
        %dma_start3A_178 = arith.constant 9984 : i32
        %dma_start3A_179 = tpu.memref_slice %arg10[%dma_start3A_178, %mul3A_158] : memref<10000x256xf32, #tpu.memory_space<hbm>> -> memref<16x64xf32, #tpu.memory_space<hbm>>
        %dma_start3A_180 = arith.constant 0 : i32
        %dma_start3A_181 = arith.constant 0 : i32
        %dma_start3A_182 = tpu.memref_slice %arg17[%dma_start3A_180, %dma_start3A_181] : memref<312x64xf32, #tpu.memory_space<vmem>> -> memref<16x64xf32, #tpu.memory_space<vmem>>
        tpu.enqueue_dma source(%dma_start3A_182 : memref<16x64xf32, #tpu.memory_space<vmem>>) target(%dma_start3A_179 : memref<16x64xf32, #tpu.memory_space<hbm>>) target_semaphore(%run_scoped3A : memref<!tpu.dma_semaphore, #tpu.memory_space<semaphore_mem>>)
        %dma_wait3A = arith.constant 0 : i32
        %dma_wait3A_183 = arith.constant 0 : i32
        %dma_wait3A_184 = tpu.memref_slice %arg17[%dma_wait3A, %dma_wait3A_183] : memref<312x64xf32, #tpu.memory_space<vmem>> -> memref<16x64xf32, #tpu.memory_space<vmem>>
        %dma_wait3A_185 = arith.constant 9984 : i32
        %dma_wait3A_186 = tpu.memref_slice %arg10[%dma_wait3A_185, %mul3A_158] : memref<10000x256xf32, #tpu.memory_space<hbm>> -> memref<16x64xf32, #tpu.memory_space<hbm>>
        %dma_wait3A_187 = arith.constant 9984 : i32
        %dma_wait3A_188 = tpu.memref_slice %arg10[%dma_wait3A_187, %mul3A_158] : memref<10000x256xf32, #tpu.memory_space<hbm>> -> memref<16x64xf32, #tpu.memory_space<hbm>>
        %dma_wait3A_189 = arith.constant 0 : i32
        %dma_wait3A_190 = arith.constant 0 : i32
        %dma_wait3A_191 = tpu.memref_slice %arg17[%dma_wait3A_189, %dma_wait3A_190] : memref<312x64xf32, #tpu.memory_space<vmem>> -> memref<16x64xf32, #tpu.memory_space<vmem>>
        tpu.wait_dma2 semaphore(%run_scoped3A : memref<!tpu.dma_semaphore, #tpu.memory_space<semaphore_mem>>) src(%dma_wait3A_191 : memref<16x64xf32, #tpu.memory_space<vmem>>) dst(%dma_wait3A_188 : memref<16x64xf32, #tpu.memory_space<hbm>>)
        tpu.yield
      }) : () -> ()
    } else {
    }
    %barrier3A_172 = arith.constant 0 : index
    tpu.barrier barrier_id(%barrier3A_172)
    return
  }
}

module attributes {stable_mosaic.version = 14 : i64} {
  func.func @_tc1_body(%arg0: i32, %arg1: memref<1000x256xf32, #tpu.memory_space<vmem>>, %arg2: memref<1000x256xf32, #tpu.memory_space<vmem>>, %arg3: memref<1000x32xf32, #tpu.memory_space<vmem>>, %arg4: memref<544x512xf32, #tpu.memory_space<vmem>>, %arg5: memref<1x512xf32, #tpu.memory_space<vmem>>, %arg6: memref<512x128xf32, #tpu.memory_space<vmem>>, %arg7: memref<1x128xf32, #tpu.memory_space<vmem>>, %arg8: memref<1000x64xf32, #tpu.memory_space<vmem>>, %arg9: memref<1000x64xf32, #tpu.memory_space<vmem>>) attributes {dimension_semantics = [#tpu.dimension_semantics<arbitrary>], iteration_bounds = array<i64: 10>, scalar_prefetch = 0 : i64, scratch_operands = 0 : i64, tpu.core_type = #tpu.core_type<tc>, window_params = [{transform_indices = @transform_0, window_bounds = array<i64: 1000, 256>}, {transform_indices = @transform_1, window_bounds = array<i64: 1000, 256>}, {transform_indices = @transform_2, window_bounds = array<i64: 1000, 32>}, {pipeline_mode = #tpu.pipeline_mode<synchronous>, transform_indices = @transform_3, window_bounds = array<i64: 544, 512>}, {pipeline_mode = #tpu.pipeline_mode<synchronous>, transform_indices = @transform_4, window_bounds = array<i64: 1, 512>}, {pipeline_mode = #tpu.pipeline_mode<synchronous>, transform_indices = @transform_5, window_bounds = array<i64: 512, 128>}, {pipeline_mode = #tpu.pipeline_mode<synchronous>, transform_indices = @transform_6, window_bounds = array<i64: 1, 128>}, {transform_indices = @transform_7, window_bounds = array<i64: 1000, 64>}, {transform_indices = @transform_8, window_bounds = array<i64: 1000, 64>}]} {
    %get3A = arith.constant 0 : index
    %get3A_0 = arith.constant 0 : index
    %get3A_1 = vector.load %arg3[%get3A, %get3A_0] : memref<1000x32xf32, #tpu.memory_space<vmem>>, vector<1000x32xf32>
    %slice3A = vector.extract_strided_slice %get3A_1 {offsets = [0, 16], sizes = [1000, 1], strides = [1, 1]} : vector<1000x32xf32> to vector<1000x1xf32>
    %max3A = arith.constant 1.000000e+00 : f32
    %max3A_2 = vector.broadcast %max3A : f32 to vector<1000x1xf32>
    %max3A_3 = arith.maximumf %slice3A, %max3A_2 : vector<1000x1xf32>
    %div3A = arith.constant 1.000000e+00 : f32
    %div3A_4 = vector.broadcast %div3A : f32 to vector<1000x1xf32>
    %div3A_5 = arith.divf %div3A_4, %max3A_3 : vector<1000x1xf32>
    %get3A_6 = arith.constant 0 : index
    %get3A_7 = arith.constant 0 : index
    %get3A_8 = vector.load %arg2[%get3A_6, %get3A_7] : memref<1000x256xf32, #tpu.memory_space<vmem>>, vector<1000x256xf32>
    %mul3A = vector.broadcast %div3A_5 : vector<1000x1xf32> to vector<1000x256xf32>
    %mul3A_9 = arith.mulf %get3A_8, %mul3A : vector<1000x256xf32>
    %get3A_10 = arith.constant 0 : index
    %get3A_11 = arith.constant 0 : index
    %get3A_12 = vector.load %arg1[%get3A_10, %get3A_11] : memref<1000x256xf32, #tpu.memory_space<vmem>>, vector<1000x256xf32>
    %concatenate3A = tpu.concatenate %mul3A_9, %get3A_12, %get3A_1 in 1 : vector<1000x256xf32>, vector<1000x256xf32>, vector<1000x32xf32> -> vector<1000x544xf32>
    %get3A_13 = arith.constant 0 : index
    %get3A_14 = arith.constant 0 : index
    %get3A_15 = vector.load %arg4[%get3A_13, %get3A_14] : memref<544x512xf32, #tpu.memory_space<vmem>>, vector<544x512xf32>
    %dot_general3A = arith.constant dense<0.000000e+00> : vector<1000x512xf32>
    %dot_general3A_16 = tpu.matmul %concatenate3A, %get3A_15, %dot_general3A {dimension_numbers = #tpu.dot_dimension_numbers<[1], [0], [0], [1], [0, 0, 1, 1], [], []>, transpose_lhs_hint = false} : vector<1000x544xf32>, vector<544x512xf32>, vector<1000x512xf32> -> vector<1000x512xf32>
    %get3A_17 = arith.constant 0 : index
    %get3A_18 = arith.constant 0 : index
    %get3A_19 = vector.load %arg5[%get3A_17, %get3A_18] : memref<1x512xf32, #tpu.memory_space<vmem>>, vector<1x512xf32>
    %add3A = vector.broadcast %get3A_19 : vector<1x512xf32> to vector<1000x512xf32>
    %add3A_20 = arith.addf %dot_general3A_16, %add3A : vector<1000x512xf32>
    %max3A_21 = arith.constant 0.000000e+00 : f32
    %max3A_22 = vector.broadcast %max3A_21 : f32 to vector<1000x512xf32>
    %max3A_23 = arith.maximumf %add3A_20, %max3A_22 : vector<1000x512xf32>
    %get3A_24 = arith.constant 0 : index
    %get3A_25 = arith.constant 0 : index
    %get3A_26 = vector.load %arg6[%get3A_24, %get3A_25] : memref<512x128xf32, #tpu.memory_space<vmem>>, vector<512x128xf32>
    %dot_general3A_27 = arith.constant dense<0.000000e+00> : vector<1000x128xf32>
    %dot_general3A_28 = tpu.matmul %max3A_23, %get3A_26, %dot_general3A_27 {dimension_numbers = #tpu.dot_dimension_numbers<[1], [0], [0], [1], [0, 0, 1, 1], [], []>, transpose_lhs_hint = false} : vector<1000x512xf32>, vector<512x128xf32>, vector<1000x128xf32> -> vector<1000x128xf32>
    %get3A_29 = arith.constant 0 : index
    %get3A_30 = arith.constant 0 : index
    %get3A_31 = vector.load %arg7[%get3A_29, %get3A_30] : memref<1x128xf32, #tpu.memory_space<vmem>>, vector<1x128xf32>
    %add3A_32 = vector.broadcast %get3A_31 : vector<1x128xf32> to vector<1000x128xf32>
    %add3A_33 = arith.addf %dot_general3A_28, %add3A_32 : vector<1000x128xf32>
    %slice3A_34 = vector.extract_strided_slice %add3A_33 {offsets = [0, 0], sizes = [1000, 64], strides = [1, 1]} : vector<1000x128xf32> to vector<1000x64xf32>
    %swap3A = arith.constant 0 : index
    %swap3A_35 = arith.constant 0 : index
    %swap3A_36 = vector.load %arg8[%swap3A, %swap3A_35] : memref<1000x64xf32, #tpu.memory_space<vmem>>, vector<1000x64xf32>
    tpu.vector_store %arg8[%swap3A, %swap3A_35], %slice3A_34 {strides = array<i32>} : memref<1000x64xf32, #tpu.memory_space<vmem>>, vector<1000x64xf32>,
    %slice3A_37 = vector.extract_strided_slice %add3A_33 {offsets = [0, 64], sizes = [1000, 64], strides = [1, 1]} : vector<1000x128xf32> to vector<1000x64xf32>
    %swap3A_38 = arith.constant 0 : index
    %swap3A_39 = arith.constant 0 : index
    %swap3A_40 = vector.load %arg9[%swap3A_38, %swap3A_39] : memref<1000x64xf32, #tpu.memory_space<vmem>>, vector<1000x64xf32>
    tpu.vector_store %arg9[%swap3A_38, %swap3A_39], %slice3A_37 {strides = array<i32>} : memref<1000x64xf32, #tpu.memory_space<vmem>>, vector<1000x64xf32>,
    return
  }
  func.func @transform_0(%arg0: i32) -> (i32, i32) {
    %add3A = arith.constant 0 : i32
    %add3A_0 = arith.addi %arg0, %add3A : i32
    %c0_i32 = arith.constant 0 : i32
    %c0_i32_1 = arith.constant 0 : i32
    return %add3A_0, %c0_i32 : i32, i32
  }
  func.func @transform_1(%arg0: i32) -> (i32, i32) {
    %add3A = arith.constant 0 : i32
    %add3A_0 = arith.addi %arg0, %add3A : i32
    %c0_i32 = arith.constant 0 : i32
    %c0_i32_1 = arith.constant 0 : i32
    return %add3A_0, %c0_i32 : i32, i32
  }
  func.func @transform_2(%arg0: i32) -> (i32, i32) {
    %add3A = arith.constant 0 : i32
    %add3A_0 = arith.addi %arg0, %add3A : i32
    %c0_i32 = arith.constant 0 : i32
    %c0_i32_1 = arith.constant 0 : i32
    return %add3A_0, %c0_i32 : i32, i32
  }
  func.func @transform_3(%arg0: i32) -> (i32, i32) {
    %c0_i32 = arith.constant 0 : i32
    %c0_i32_0 = arith.constant 0 : i32
    %c0_i32_1 = arith.constant 0 : i32
    return %c0_i32, %c0_i32_0 : i32, i32
  }
  func.func @transform_4(%arg0: i32) -> (i32, i32) {
    %c0_i32 = arith.constant 0 : i32
    %c0_i32_0 = arith.constant 0 : i32
    %c0_i32_1 = arith.constant 0 : i32
    return %c0_i32, %c0_i32_0 : i32, i32
  }
  func.func @transform_5(%arg0: i32) -> (i32, i32) {
    %c0_i32 = arith.constant 0 : i32
    %c0_i32_0 = arith.constant 0 : i32
    %c0_i32_1 = arith.constant 0 : i32
    return %c0_i32, %c0_i32_0 : i32, i32
  }
  func.func @transform_6(%arg0: i32) -> (i32, i32) {
    %c0_i32 = arith.constant 0 : i32
    %c0_i32_0 = arith.constant 0 : i32
    %c0_i32_1 = arith.constant 0 : i32
    return %c0_i32, %c0_i32_0 : i32, i32
  }
  func.func @transform_7(%arg0: i32) -> (i32, i32) {
    %add3A = arith.constant 0 : i32
    %add3A_0 = arith.addi %arg0, %add3A : i32
    %c0_i32 = arith.constant 0 : i32
    %c0_i32_1 = arith.constant 0 : i32
    return %add3A_0, %c0_i32 : i32, i32
  }
  func.func @transform_8(%arg0: i32) -> (i32, i32) {
    %add3A = arith.constant 0 : i32
    %add3A_0 = arith.addi %arg0, %add3A : i32
    %c0_i32 = arith.constant 0 : i32
    %c0_i32_1 = arith.constant 0 : i32
    return %add3A_0, %c0_i32 : i32, i32
  }
}

module attributes {stable_mosaic.version = 14 : i64} {
  func.func @_tc2_body(%arg0: i32, %arg1: memref<1000x64xf32, #tpu.memory_space<vmem>>, %arg2: memref<1000x64xf32, #tpu.memory_space<vmem>>, %arg3: memref<1000x32xf32, #tpu.memory_space<vmem>>, %arg4: memref<1000x64xf32, #tpu.memory_space<vmem>>, %arg5: memref<1000x64xf32, #tpu.memory_space<vmem>>) attributes {dimension_semantics = [#tpu.dimension_semantics<arbitrary>], iteration_bounds = array<i64: 10>, scalar_prefetch = 0 : i64, scratch_operands = 0 : i64, tpu.core_type = #tpu.core_type<tc>, window_params = [{transform_indices = @transform_0, window_bounds = array<i64: 1000, 64>}, {transform_indices = @transform_1, window_bounds = array<i64: 1000, 64>}, {transform_indices = @transform_2, window_bounds = array<i64: 1000, 32>}, {transform_indices = @transform_3, window_bounds = array<i64: 1000, 64>}, {transform_indices = @transform_4, window_bounds = array<i64: 1000, 64>}]} {
    %get3A = arith.constant 0 : index
    %get3A_0 = arith.constant 16 : index
    %get3A_1 = vector.load %arg3[%get3A, %get3A_0] : memref<1000x32xf32, #tpu.memory_space<vmem>>, vector<1000x1xf32>
    %max3A = arith.constant 1.000000e+00 : f32
    %max3A_2 = vector.broadcast %max3A : f32 to vector<1000x1xf32>
    %max3A_3 = arith.maximumf %get3A_1, %max3A_2 : vector<1000x1xf32>
    %div3A = arith.constant 1.000000e+00 : f32
    %div3A_4 = vector.broadcast %div3A : f32 to vector<1000x1xf32>
    %div3A_5 = arith.divf %div3A_4, %max3A_3 : vector<1000x1xf32>
    %get3A_6 = arith.constant 0 : index
    %get3A_7 = arith.constant 0 : index
    %get3A_8 = vector.load %arg1[%get3A_6, %get3A_7] : memref<1000x64xf32, #tpu.memory_space<vmem>>, vector<1000x64xf32>
    %get3A_9 = arith.constant 0 : index
    %get3A_10 = arith.constant 0 : index
    %get3A_11 = vector.load %arg2[%get3A_9, %get3A_10] : memref<1000x64xf32, #tpu.memory_space<vmem>>, vector<1000x64xf32>
    %add3A = arith.addf %get3A_8, %get3A_11 : vector<1000x64xf32>
    %mul3A = vector.broadcast %div3A_5 : vector<1000x1xf32> to vector<1000x64xf32>
    %mul3A_12 = arith.mulf %add3A, %mul3A : vector<1000x64xf32>
    %get3A_13 = arith.constant 0 : index
    %get3A_14 = arith.constant 0 : index
    %get3A_15 = vector.load %arg4[%get3A_13, %get3A_14] : memref<1000x64xf32, #tpu.memory_space<vmem>>, vector<1000x64xf32>
    %add3A_16 = arith.addf %mul3A_12, %get3A_15 : vector<1000x64xf32>
    %swap3A = arith.constant 0 : index
    %swap3A_17 = arith.constant 0 : index
    %swap3A_18 = vector.load %arg5[%swap3A, %swap3A_17] : memref<1000x64xf32, #tpu.memory_space<vmem>>, vector<1000x64xf32>
    tpu.vector_store %arg5[%swap3A, %swap3A_17], %add3A_16 {strides = array<i32>} : memref<1000x64xf32, #tpu.memory_space<vmem>>, vector<1000x64xf32>,
    return
  }
  func.func @transform_0(%arg0: i32) -> (i32, i32) {
    %add3A = arith.constant 0 : i32
    %add3A_0 = arith.addi %arg0, %add3A : i32
    %c0_i32 = arith.constant 0 : i32
    %c0_i32_1 = arith.constant 0 : i32
    return %add3A_0, %c0_i32 : i32, i32
  }
  func.func @transform_1(%arg0: i32) -> (i32, i32) {
    %add3A = arith.constant 10 : i32
    %add3A_0 = arith.addi %arg0, %add3A : i32
    %c0_i32 = arith.constant 0 : i32
    %c0_i32_1 = arith.constant 0 : i32
    return %add3A_0, %c0_i32 : i32, i32
  }
  func.func @transform_2(%arg0: i32) -> (i32, i32) {
    %add3A = arith.constant 0 : i32
    %add3A_0 = arith.addi %arg0, %add3A : i32
    %c0_i32 = arith.constant 0 : i32
    %c0_i32_1 = arith.constant 0 : i32
    return %add3A_0, %c0_i32 : i32, i32
  }
  func.func @transform_3(%arg0: i32) -> (i32, i32) {
    %add3A = arith.constant 0 : i32
    %add3A_0 = arith.addi %arg0, %add3A : i32
    %c0_i32 = arith.constant 0 : i32
    %c0_i32_1 = arith.constant 0 : i32
    return %add3A_0, %c0_i32 : i32, i32
  }
  func.func @transform_4(%arg0: i32) -> (i32, i32) {
    %add3A = arith.constant 0 : i32
    %add3A_0 = arith.addi %arg0, %add3A : i32
    %c0_i32 = arith.constant 0 : i32
    %c0_i32_1 = arith.constant 0 : i32
    return %add3A_0, %c0_i32 : i32, i32
  }
}

</mosaic_0001>

<sc_bundles>
// kernel: kernel.6.cloned.1.call-start
scs
__scs_entry_jumppad:
0x0: {  	(pc) =	sbr.rel $0x88, $3  }
0x1: {  	(tag) =	ssettag $0x0;
	lr =	simm.s32 $0x1  }
0x2: {  	[smem:$0x3F96] =	sst lr;
	_ =	strace $0xD0000000  }
0x3: {  	_ = 	snop  }
0x4: {  	_ = 	snop  }
0x5: {  	_ = 	snop  }
0x6: {  	_ = 	snop  }
0x7: {  	_ = 	snop  }
__scs_overlays_trampoline_lowered:
0x8: {  	[smem:$0x3FA5] =	sst s0  }
0x9: {  	[smem:$0x3FA6] =	sst s1  }
0xa: {  	[smem:$0x3FA7] =	sst s2  }
0xb: {  	[smem:$0x3FA8] =	sst s3  }
0xc: {  	[smem:$0x3FA9] =	sst s4  }
0xd: {  	[smem:$0x3FAA] =	sst s5  }
0xe: {  	[smem:$0x3FAB] =	sst s6  }
0xf: {  	[smem:$0x3FAC] =	sst s7  }
0x10: {  	[smem:$0x3FAD] =	sst s8  }
0x11: {  	[smem:$0x3FAE] =	sst s9;
	s0 =	simm.s32 @!p0 $0x0  }
0x12: {  	s1 =	sld [smem:$0x3F94];
	s0 =	simm.s32 @p0 $0x1  }
0x13: {  	[smem:$0x3FAF] =	sst s0;
	s0 =	simm.s32 @!p1 $0x0  }
0x14: {  	s2 =	sld [smem:$0x3F93];
	s0 =	simm.s32 @p1 $0x1  }
0x15: {  	[smem:$0x3FB0] =	sst s0;
	s0 =	simm.s32 @!p2 $0x0  }
0x16: {  	s3 =	sld [smem:$0x3FDB];
	s0 =	simm.s32 @p2 $0x1  }
0x17: {  	s4 =	simm.s32 $0x1BF5;
	[smem:$0x3FB2] =	sst s0  }
0x18: {  	s0 =	sld [smem:$0x3F95];
	_ =	swait.ge [sflag:s4], $0x0  }
0x19: {  	s7 =	sld [smem:$0x3F96]  }
0x1a: {  	s8 =	sadd.s32 $0xFFFFE003, lr  }
0x1b: {  	s9 =	sadd.s32 $0xFFFFFEF7, lr;
	s5 =	simm.s32 $0xFFFFFFFF;
	p2 =	slt.u32 s8, $0xFFFFF086  }
0x1c: {  	p1 =	slt.u32 s9, $0xF7A;
	s5 =	simm.s32 @!p2 $0x0  }
0x1d: {  	s5 =	simm.s32 @p1 $0x1;
	p0 =	seq.s32 s7, s2  }
0x1e: {  	s7 =	smul.u32 @!p0 $0xF7A, s2;
	p2 =	seq.s32 @!p0 s5, $0x0  }
0x1f: {  	s9 =	smul.u32 $0xF7A, s1;
	s8 =	simm.s32 @!p0 $0x1BF5;
	p2 =	por !p2, p0  }
0x20: {  	[sflag:s8] =	ssyncset.s32 @!p0 $0xFFFFF086;
	s6 =	sadd.s32 @!p0 s3, s7;
	s7 =	simm.s32 @!p0 $0x108  }
0x21: {  	s3 =	sadd.s32 s3, s9;
	s6 =	sadd.s32 @!p0 $0x88, s6;
	s7 =	simm.s32 @p2 $0x1082  }
0x22: {  	[simem:s7], [sflag:s8] =	dma.local @!p0 [hbm:s6], $0xF7A  }
0x23: {  	s9 =	sor.u32 $0xD0000000, s2;
	s6 =	simm.s32 $0x108;
	_ =	swait.ge @!p0 [sflag:s8], $0x0  }
0x24: {  	s3 =	sadd.s32 $0x88, s3;
	s6 =	simm.s32 @!p1 $0x1082;
	[sflag:s4] =	ssyncset.s32 $0xFFFFF086  }
0x25: {  	[simem:s6], [sflag:s4] =	dma.local [hbm:s3], $0xF7A  }
0x26: {  	[smem:$0x3F96] =	sst s1;
	(tag) =	ssettag s2;
	_ =	strace s9  }
0x27: {  	s1 =	sld [smem:$0x3FA6]  }
0x28: {  	s2 =	sld [smem:$0x3FA7]  }
0x29: {  	s4 =	sld [smem:$0x3FA9]  }
0x2a: {  	p0 =	seq.s32 s5, $0x0;
	s5 =	sld [smem:$0x3FAA]  }
0x2b: {  	s6 =	sld [smem:$0x3FAB]  }
0x2c: {  	s7 =	sld [smem:$0x3FAC]  }
0x2d: {  	s3 =	simm.s32 $0x108;
	s8 =	sld [smem:$0x3FAD]  }
0x2e: {  	s3 =	simm.s32 @!p0 $0x1082;
	s9 =	sld [smem:$0x3FAE]  }
0x2f: {  	lr =	sadd.s32 s0, s3;
	s0 =	sld [smem:$0x3FA5]  }
0x30: {  	s3 =	sld [smem:$0x3FA8]  }
0x31: {  	[smem:$0x3FB1] =	sst s10  }
0x32: {  	s10 =	sld [smem:$0x3FAF];
	_ =	sdelay $0x3  }
0x33: {  	p0 =	seq.s32 s10, $0x1;
	s10 =	sld [smem:$0x3FB1];
	_ =	sdelay $0x3  }
0x34: {  	[smem:$0x3FB1] =	sst s10  }
0x35: {  	s10 =	sld [smem:$0x3FB0];
	_ =	sdelay $0x3  }
0x36: {  	p1 =	seq.s32 s10, $0x1;
	s10 =	sld [smem:$0x3FB1];
	_ =	sdelay $0x3  }
0x37: {  	[smem:$0x3FB1] =	sst s10  }
0x38: {  	s10 =	sld [smem:$0x3FB2]  }
0x39: {  	_ = 	snop;
	(pc) =	sbr.ind lr, $3  }
0x3a: {  	_ = 	snop  }
0x3b: {  	_ = 	snop  }
0x3c: {  	p2 =	seq.s32 s10, $0x1;
	s10 =	sld [smem:$0x3FB1]  }
0x3d: {  	_ =	shalt  }
0x3e: {  	_ =	shalt  }
0x3f: {  	_ =	shalt  }
0x40: {  	_ =	shalt  }
0x41: {  	_ =	shalt  }
0x42: {  	_ =	shalt  }
0x43: {  	_ =	shalt  }
0x44: {  	_ =	shalt  }
0x45: {  	_ =	shalt  }
0x46: {  	_ =	shalt  }
0x47: {  	_ =	shalt  }
0x48: {  	_ =	shalt  }
0x49: {  	_ =	shalt  }
0x4a: {  	_ =	shalt  }
0x4b: {  	_ =	shalt  }
0x4c: {  	_ =	shalt  }
0x4d: {  	_ =	shalt  }
0x4e: {  	_ =	shalt  }
0x4f: {  	_ =	shalt  }
0x50: {  	_ =	shalt  }
0x51: {  	_ =	shalt  }
0x52: {  	_ =	shalt  }
0x53: {  	_ =	shalt  }
0x54: {  	_ =	shalt  }
0x55: {  	_ =	shalt  }
0x56: {  	_ =	shalt  }
0x57: {  	_ =	shalt  }
0x58: {  	_ =	shalt  }
0x59: {  	_ =	shalt  }
0x5a: {  	_ =	shalt  }
0x5b: {  	_ =	shalt  }
0x5c: {  	_ =	shalt  }
0x5d: {  	_ =	shalt  }
0x5e: {  	_ =	shalt  }
0x5f: {  	_ =	shalt  }
0x60: {  	_ =	shalt  }
0x61: {  	_ =	shalt  }
0x62: {  	_ =	shalt  }
0x63: {  	_ =	shalt  }
0x64: {  	_ =	shalt  }
0x65: {  	_ =	shalt  }
0x66: {  	_ =	shalt  }
0x67: {  	_ =	shalt  }
0x68: {  	_ =	shalt  }
0x69: {  	_ =	shalt  }
0x6a: {  	_ =	shalt  }
0x6b: {  	_ =	shalt  }
0x6c: {  	_ =	shalt  }
0x6d: {  	_ =	shalt  }
0x6e: {  	_ =	shalt  }
0x6f: {  	_ =	shalt  }
0x70: {  	_ =	shalt  }
0x71: {  	_ =	shalt  }
0x72: {  	_ =	shalt  }
0x73: {  	_ =	shalt  }
0x74: {  	_ =	shalt  }
0x75: {  	_ =	shalt  }
0x76: {  	_ =	shalt  }
0x77: {  	_ =	shalt  }
0x78: {  	_ =	shalt  }
0x79: {  	_ =	shalt  }
0x7a: {  	_ =	shalt  }
0x7b: {  	_ =	shalt  }
0x7c: {  	_ =	shalt  }
0x7d: {  	_ =	shalt  }
0x7e: {  	_ =	shalt  }
0x7f: {  	_ =	shalt  }
0x80: {  	_ =	shalt  }
0x81: {  	_ =	shalt  }
0x82: {  	_ =	shalt  }
0x83: {  	_ =	shalt  }
0x84: {  	_ =	shalt  }
0x85: {  	_ =	shalt  }
0x86: {  	_ =	shalt  }
0x87: {  	_ =	shalt  }
.Lfunc_end0:
.L_simem_size_0:
called_computation_lowered:
.L_overlay_start_0:
0x88: {  	s2 =	sld [smem:$0x3FD9]  }
0x89: {  	s3 =	sld [smem:$0x3FFE];
	_ =	sdelay $0x1  }
0x8a: {  	s1 =	srdreg.scid  }
0x8b: {  	s0 =	sand.u32 $0x1, s1  }
0x8c: {  	s17 =	sshll.u32 s0, $0xA;
	s2 =	sadd.s32 s3, s2  }
0x8d: {  	s2 =	sadd.s32 s2, s17  }
0x8e: {  	[smem:$0x3FBD] =	sst s2  }
0x8f: {  	_ = 	snop  }
0x90: {  	s2 =	sld [smem:$0x3FD0];
	(tm) =	ssettm $0x1  }
0x91: {  	s18 =	sld [smem:$0x3FFB];
	_ =	sdelay $0x3  }
0x92: {  	_ =	strace s18  }
0x93: {  	s3 =	sld [smem:$0x3FFC];
	_ =	sdelay $0x3  }
0x94: {  	_ =	strace s3  }
0x95: {  	s3 =	sld [smem:$0x3FFD];
	_ =	sdelay $0x3  }
0x96: {  	_ =	strace s3  }
0x97: {  	_ =	strace $0x8FFFFFFF  }
0x98: {  	s19 =	sld [smem:$0x3FDB];
	_ =	sdelay $0x1  }
0x99: {  	s4 =	simm.s32 $_scs_section_size  }
0x9a: {  	s5 =	simm.s32 $_size__tile_overlayer_lowered;
	s6 =	simm.s32 $_tile_overlayer_lowered  }
0x9b: {  	s22 =	simm.s32 $0x1BFF;
	s21 =	sshll.u32 s6, $0x1;
	s3 =	sadd.s32 s4, s19  }
0x9c: {  	s7 =	simm.s32 $0x0;
	s20 =	sshll.u32 s5, $0x1;
	s5 =	sadd.s32 s21, s3  }
0x9d: {  	[timem:s7], [sflag:s22] =	dma.local [hbm:s5], s20  }
0x9e: {  	_ =	swait.ge [sflag:s22], s20  }
0x9f: {  	s4 =	ssub.s32 $0x0, s20;
	[sflag:s22] =	ssyncset.done $0x0  }
0xa0: {  	[sflag:s22] =	ssyncadd.s32 s4;
	_ =	sdelay $0x1  }
0xa1: {  	s23 =	simm.s32 $0x1B8B  }
0xa2: {  	_ =	swait.ge [sflag:s23], $0x1  }
0xa3: {  	[sflag:s23] =	ssyncset.done $0x0  }
0xa4: {  	s25 =	simm.s32 $0x1B8E;
	s24 =	sld [smem:$0x3FFE];
	[sflag:s23] =	ssyncadd.s32 $0xFFFFFFFF  }
0xa5: {  	s26 =	simm.s32 $execute0_lowered;
	[smem:$0x3FD2] =	sst s25  }
0xa6: {  	s5 =	sshll.u32 s26, $0x1;
	_ =	strace $0x80000046;
	[dreg:$0x1] =	wrdreg $0xFFFFFFFF  }
0xa7: {  	s28 =	simm.s32 $_size_execute0_lowered;
	s3 =	sadd.s32 s3, s5;
	[dreg:$0x0] =	wrdreg $0x0  }
0xa8: {  	s5 =	sshll.u32 s28, $0x1;
	[dreg:$0x2] =	wrdreg s3  }
0xa9: {  	[dreg:$0x3] =	wrdreg s5  }
0xaa: {  	[dreg:$0x4] =	wrdreg $0xC0  }
0xab: {  	_ =	task [dreg:s7], $0x5FFFF  }
0xac: {  	[dreg:$0x1] =	wrdreg $0xFFFFFFFF  }
0xad: {  	[dreg:$0x0] =	wrdreg $0x60  }
0xae: {  	[dreg:$0x2] =	wrdreg s24  }
0xaf: {  	[dreg:$0x3] =	wrdreg s2  }
0xb0: {  	[dreg:$0x4] =	wrdreg $0x1D6700  }
0xb1: {  	[dreg:$0x5] =	wrdreg $0x13A300  }
0xb2: {  	[dreg:$0x6] =	wrdreg $0x9  }
0xb3: {  	_ =	task.clear_ibuf [dreg:s7], $0x7FFFF;
	_ =	strace $0x90000046  }
0xb4: {  	s29 =	simm.s32 $0x9;
	_ =	strace $0x80000048  }
0xb5: {  	_ =	swait.ge [sflag:s29], $0x1  }
0xb6: {  	[sflag:s29] =	ssyncadd.s32 $0xFFFFFFFF  }
0xb7: {  	_ =	strace $0x90000048  }
0xb8: {  	_ =	sfence  }
0xb9: {  	s30 =	sld [smem:$0x0];
	_ =	sdelay $0x2  }
0xba: {  	s31 =	sshll.u32 s1, $0xD;
	s1 =	sshrl.u32 s1, $0x2  }
0xbb: {  	s3 =	sand.u32 $0x4000, s31;
	s1 =	sadd.s32 s1, s30  }
0xbc: {  	s0 =	sor.u32 s3, s0;
	s1 =	sshll.u32 s1, $0x11  }
0xbd: {  	s0 =	sor.u32 s1, s0  }
0xbe: {  	s0 =	sadd.s32 $0x8F2B, s0  }
0xbf: {  	[sflag:s0] =	ssyncadd.remote.s32 $0x1  }
0xc0: {  	_ =	sfence.sel $0xFFFF  }
0xc1: {  	[dreg:$0x0] =	wrdreg $0xFFFFFFFF;
	(pc) =	sbr.abs _section_cstart, $3  }
0xc2: {  	[dreg:$0x1] =	wrdreg $0xFFFFFFFF  }
0xc3: {  	_ =	task.clear_ibuf [dreg:s7], $0x2FFFF;
	_ =	strace $0x9FFFFFFF  }
0xc4: {  	(tm) =	ssettm $0x7FFFFFFF  }
0xc5: {  	_ =	shalt  }
tec
execute0_lowered:
.L_overlay_start_1:
0x0: {  	(tag) =	ssettag $0x1  }
0x1: {  	s3 =	srdreg.scid;
	s26 =	stileid.u32  }
0x2: {  	s0 =	rddreg [dreg:$0x0];
	s6 =	sand.u32 $0x1, s3;
	s3 =	smul.u32 $0x2710, s26  }
0x3: {  	s1 =	rddreg [dreg:$0x1];
	s9 =	smul.u32 $0x2700, s26  }
0x4: {  	s2 =	rddreg [dreg:$0x2];
	s12 =	smul.u32 $0x4E0, s26  }
0x5: {  	s4 =	rddreg [dreg:$0x3];
	s5 =	simm.s32 $0x0;
	s15 =	smul.u32 $0x9C00, s26  }
0x6: {  	s31 =	simm.s32 $0xB;
	[smem:$0x7FF] =	sst s5;
	s18 =	smul.u32 $0x270, s26  }
0x7: {  	s11 =	sadd.s32 $0x64C00, s0;
	s13 =	sadd.s32 $0x87400, s0;
	s19 =	smul.u32 $0x27000, s26  }
0x8: {  	s16 =	sadd.s32 $0x7D600, s0;
	p0 =	sne.s32 s26, $0xF;
	s7 =	smul.u32 $0x27100, s6  }
0x9: {  	_ =	strace $0x80000047;
	s14 =	ssub.s32 $0x2, s6;
	s23 =	sshll.u32 s6, $0x6  }
0xa: {  	s30 =	sor.u32 $0x2, s6;
	s10 =	sshrl.u32 s3, $0x3;
	s17 =	sshrl.u32 s14, $0x1  }
0xb: {  	s21 =	sshrl.u32 s15, $0x3;
	s22 =	sadd.s32 $0x138, s18;
	s8 =	sadd.s32 s3, s7  }
0xc: {  	s14 =	ssub.s32 s14, s17;
	s17 =	sadd.s32 s11, s21;
	s20 =	sshll.u32 s22, $0x3  }
0xd: {  	s21 =	sor.u32 s23, s19;
	s7 =	sshrl.u32 s7, $0x3;
	s8 =	sshrl.u32 s8, $0x3  }
0xe: {  	[dreg:$0x5] =	wrdreg s17;
	s17 =	sshll.u32 s22, $0x8;
	s21 =	sshrl.u32 s21, $0x3  }
0xf: {  	s22 =	smul.u32 $0x4E20, s6;
	s11 =	sadd.s32 s11, s20;
	s20 =	sshll.u32 s30, $0x6  }
0x10: {  	s7 =	sadd.s32 s16, s7;
	s6 =	sshll.u32 s6, $0x3;
	s18 =	sor.u32 s23, s17  }
0x11: {  	[dreg:$0x6] =	wrdreg s11;
	s24 =	sadd.s32 s13, s21;
	s21 =	sor.u32 s19, s20  }
0x12: {  	s23 =	sadd.s32 $0xD5400, s0;
	s19 =	sadd.s32 $0x7D400, s0;
	[dreg:$0x7] =	wrdreg s24  }
0x13: {  	s25 =	sshrl.u32 s18, $0x3;
	s28 =	sadd.s32 s12, s22;
	s22 =	smul.u32 $0x27100, s30  }
0x14: {  	s12 =	sshll.u32 s30, $0x3;
	s6 =	sadd.s32 s6, s23;
	[dreg:$0x14] =	wrdreg s19  }
0x15: {  	s30 =	sadd.s32 s8, s0;
	s11 =	sadd.s32 s13, s25;
	[dreg:$0xc] =	wrdreg s6  }
0x16: {  	s18 =	smul.u32 $0x4E20, s26;
	s26 =	simm.s32 $0x0;
	[dreg:$0x8] =	wrdreg s11  }
0x17: {  	s11 =	sadd.s32 s16, s28;
	s16 =	sshrl.u32 s21, $0x3;
	s24 =	sadd.s32 s3, s22  }
0x18: {  	s28 =	sshrl.u32 s9, $0x3;
	s21 =	sadd.s32 s15, s4;
	s15 =	simm.s32 $0xC  }
0x19: {  	[dreg:$0x9] =	wrdreg s11;
	s11 =	sor.u32 s20, s17;
	s16 =	sadd.s32 s13, s16  }
0x1a: {  	s25 =	sshrl.u32 s24, $0x3;
	s17 =	sshrl.u32 s17, $0x2;
	s24 =	sadd.s32 $0x27DA00, s0  }
0x1b: {  	s20 =	sadd.s32 $0x4E00, s7;
	s11 =	sshrl.u32 s11, $0x3;
	[dreg:$0xa] =	wrdreg s16  }
0x1c: {  	s6 =	sadd.s32 s1, s25;
	s1 =	sadd.s32 s1, s8;
	s16 =	sadd.s32 s9, s2  }
0x1d: {  	s22 =	sadd.s32 s17, s4;
	s25 =	sadd.s32 $0x5AC00, s0;
	[dreg:$0x16] =	wrdreg s20  }
0x1e: {  	s29 =	sadd.s32 s24, s18;
	s9 =	simm.s32 $0xD;
	[dreg:$0xe] =	wrdreg s6  }
0x1f: {  	s17 =	simm.s32 $0xA;
	s11 =	sadd.s32 s13, s11;
	[dreg:$0xf] =	wrdreg s1  }
0x20: {  	s13 =	sadd.s32 s28, s0;
	[dreg:$0x11] =	wrdreg s16;
	s1 =	sadd.s32 $0x5AE00, s30  }
0x21: {  	s28 =	smax.u32 s14, $0x1;
	s30 =	sadd.s32 $0x27000, s2;
	[dreg:$0xb] =	wrdreg s11  }
0x22: {  	s14 =	simm.s32 $0x28;
	s16 =	simm.s32 $0x9;
	[dreg:$0x13] =	wrdreg s1  }
0x23: {  	s11 =	sadd.s32 s12, s23;
	s12 =	sadd.s32 s10, s0;
	[dreg:$0x17] =	wrdreg s28  }
.Ltmp0:
0x24: {  	s8 =	sadd.s32 $0x78600, s13;
	[dreg:$0x18] =	wrdreg s30;
	(pc) =	sbr.rel .LBB2_1-.Ltmp0, $4  }
0x25: {  	s23 =	sadd.s32 $0xCA00, s0;
	s0 =	sadd.s32 $0x78400, s0;
	[dreg:$0xd] =	wrdreg s11  }
0x26: {  	s10 =	simm.s32 $0xC530;
	s13 =	simm.s32 $0x7;
	[dreg:$0x10] =	wrdreg s8  }
0x27: {  	s6 =	sadd.s32 $0x2A00, s12;
	[dreg:$0x15] =	wrdreg s0;
	s0 =	sadd.s32 $0x9C000, s4  }
0x28: {  	s11 =	simm.s32 $0x50;
	s12 =	simm.s32 $0x8;
	[dreg:$0x12] =	wrdreg s6  }
.LBB2_24:
0x29: {  	_ =	swait.ge [sflag:s31], $0xA00  }
0x2a: {  	[sflag:s31] =	ssyncset.done $0x0  }
0x2b: {  	[sflag:s31] =	ssyncadd.s32 $0xFFFFF600  }
0x2c: {  	_ =	swait.ge [sflag:s15], $0xA00  }
0x2d: {  	[sflag:s15] =	ssyncset.done $0x0  }
0x2e: {  	[sflag:s15] =	ssyncadd.s32 $0xFFFFF600  }
0x2f: {  	_ =	swait.ge [sflag:s13], $0xA00  }
0x30: {  	[sflag:s13] =	ssyncset.done $0x0  }
0x31: {  	[sflag:s13] =	ssyncadd.s32 $0xFFFFF600  }
0x32: {  	_ =	swait.ge [sflag:s12], $0xA00  }
0x33: {  	[sflag:s12] =	ssyncset.done $0x0  }
0x34: {  	[sflag:s12] =	ssyncadd.s32 $0xFFFFF600  }
0x35: {  	_ =	swait.ge [sflag:s16], $0xA00  }
0x36: {  	[sflag:s16] =	ssyncset.done $0x0  }
0x37: {  	[sflag:s16] =	ssyncadd.s32 $0xFFFFF600  }
0x38: {  	_ =	swait.ge [sflag:s17], $0xA00  }
0x39: {  	[sflag:s17] =	ssyncset.done $0x0  }
0x3a: {  	[sflag:s17] =	ssyncadd.s32 $0xFFFFF600  }
0x3b: {  	[bflag:$0x0] =	sbarrier.arrive $0xFFFF  }
0x3c: {  	[tilespmem:s10], [sflag:$0xD] =	stream.linear.gather [spmem:s21], $0x4E00, $0x38;
	[tilespmem:$0x1FD90] =	vst v63  }
0x3d: {  	_ =	swait.ge [sflag:s9], $0x4E00  }
0x3e: {  	s6 =	simm.s32 $0x40;
	[sflag:s9] =	ssyncset.done $0x0  }
0x3f: {  	s7 =	simm.s32 $0x100;
	s1 =	rddreg [dreg:$0xa];
	[sflag:s9] =	ssyncadd.s32 $0xFFFFB200  }
0x40: {  	[hbm4b:s1+s6] =	stream.strided.scatter [tilespmem:s10], [sflag:$0xD], $0x4E00, s7, s6, $0x38;
	[tilespmem:$0x1FD90] =	vst v63  }
0x41: {  	_ =	swait.ge [sflag:s9], $0x4E00  }
0x42: {  	[sflag:s9] =	ssyncset.done $0x0  }
0x43: {  	[sflag:s9] =	ssyncadd.s32 $0xFFFFB200  }
0x44: {  	[tilespmem:s10], [sflag:$0xD] =	stream.linear.gather [spmem:s22], $0x4E00, $0x38;
	[tilespmem:$0x1FD90] =	vst v63  }
0x45: {  	_ =	swait.ge [sflag:s9], $0x4E00  }
0x46: {  	[sflag:s9] =	ssyncset.done $0x0  }
0x47: {  	s28 =	rddreg [dreg:$0xb];
	[sflag:s9] =	ssyncadd.s32 $0xFFFFB200  }
0x48: {  	[hbm4b:s28+s6] =	stream.strided.scatter [tilespmem:s10], [sflag:$0xD], $0x4E00, s7, s6, $0x38;
	[tilespmem:$0x1FD90] =	vst v63  }
0x49: {  	_ =	swait.ge [sflag:s9], $0x4E00  }
0x4a: {  	[sflag:s9] =	ssyncset.done $0x0  }
0x4b: {  	s1 =	simm.s32 @!p0 $0xC530;
	s6 =	simm.s32 @!p0 $0xD;
	[sflag:s9] =	ssyncadd.s32 $0xFFFFB200  }
0x4c: {  	[tilespmem:s1], [sflag:$0xD] =	stream.linear.gather @!p0 [spmem:s0], $0x400, $0x38;
	[tilespmem:$0x1FD90] =	vst v63  }
0x4d: {  	_ =	swait.ge @!p0 [sflag:s6], $0x400  }
0x4e: {  	s8 =	simm.s32 @!p0 $0x100;
	[sflag:s6] =	ssyncset.done @!p0 $0x0  }
0x4f: {  	s7 =	simm.s32 @!p0 $0x40;
	s18 =	rddreg [dreg:$0xd];
	[sflag:s6] =	ssyncadd.s32 @!p0 $0xFFFFFC00  }
0x50: {  	[hbm4b:s18+s7] =	stream.strided.scatter @!p0 [tilespmem:s1], [sflag:$0xD], $0x400, s8, s7, $0x38;
	[tilespmem:$0x1FD90] =	vst v63  }
0x51: {  	_ =	swait.ge @!p0 [sflag:s6], $0x400  }
0x52: {  	s26 =	sadd.s32 $0x1, s26;
	s30 =	rddreg [dreg:$0x17]  }
0x53: {  	p1 =	sne.s32 s26, s30  }
.Ltmp1:
0x54: {  	_ = 	snop;
	(pc) =	sbr.rel @!p1 .LBB2_25-.Ltmp1, $3  }
0x55: {  	[sflag:s6] =	ssyncset.done @!p0 $0x0  }
0x56: {  	[sflag:s6] =	ssyncadd.s32 @!p0 $0xFFFFFC00  }
0x57: {  	[bflag:$0x0] =	sbarrier.arrive $0xFFFF;
	_ =	sdelay $0x1  }
.LBB2_1:
0x58: {  	s1 =	rddreg [dreg:$0x10];
	s6 =	simm.s32 $0x11330  }
0x59: {  	[tilespmem:s6], [sflag:$0xD] =	stream.linear.gather [hbm4b:s1+s5], $0x2700, $0x38;
	[tilespmem:$0x1FD90] =	vst v63  }
0x5a: {  	_ =	swait.ge [sflag:s9], $0x2700  }
0x5b: {  	[sflag:s9] =	ssyncset.done $0x0  }
0x5c: {  	s18 =	rddreg [dreg:$0x11];
	[sflag:s9] =	ssyncadd.s32 $0xFFFFD900  }
0x5d: {  	[spmem:s18] =	stream.linear.scatter [tilespmem:s6], [sflag:$0xD], $0x2700, $0x38;
	[tilespmem:$0x1FD90] =	vst v63  }
0x5e: {  	_ =	swait.ge [sflag:s9], $0x2700  }
0x5f: {  	s1 =	simm.s32 @!p0 $0x0;
	[sflag:s9] =	ssyncset.done $0x0  }
0x60: {  	s6 =	simm.s32 @!p0 $0x11330;
	s7 =	rddreg [dreg:$0x14];
	[sflag:s9] =	ssyncadd.s32 $0xFFFFD900  }
0x61: {  	[tilespmem:s6], [sflag:$0xD] =	stream.linear.gather @!p0 [hbm4b:s7+s1], $0x200, $0x38;
	[tilespmem:$0x1FD90] =	vst v63  }
0x62: {  	s1 =	simm.s32 @!p0 $0xD  }
0x63: {  	_ =	swait.ge @!p0 [sflag:s1], $0x200  }
0x64: {  	[sflag:s1] =	ssyncset.done @!p0 $0x0  }
0x65: {  	s7 =	rddreg [dreg:$0x18];
	[sflag:s1] =	ssyncadd.s32 @!p0 $0xFFFFFE00  }
0x66: {  	[spmem:s7] =	stream.linear.scatter @!p0 [tilespmem:s6], [sflag:$0xD], $0x200, $0x38;
	[tilespmem:$0x1FD90] =	vst v63  }
0x67: {  	_ =	swait.ge @!p0 [sflag:s1], $0x200  }
0x68: {  	[sflag:s1] =	ssyncset.done @!p0 $0x0  }
0x69: {  	s20 =	simm.s32 $0x2710;
	s19 =	rddreg [dreg:$0x12];
	[sflag:s1] =	ssyncadd.s32 @!p0 $0xFFFFFE00  }
0x6a: {  	[tilespmem:s20], [sflag:$0xD] =	stream.linear.gather [hbm4b:s19+s5], $0x2710, $0x38;
	[tilespmem:$0x1FD90] =	vst v63  }
0x6b: {  	_ =	swait.ge [sflag:s9], $0x2710  }
0x6c: {  	[sflag:s9] =	ssyncset.done $0x0  }
0x6d: {  	s30 =	simm.s32 $0x4E20;
	s28 =	rddreg [dreg:$0x13];
	[sflag:s9] =	ssyncadd.s32 $0xFFFFD8F0  }
0x6e: {  	[tilespmem:s30], [sflag:$0xD] =	stream.linear.gather [hbm4b:s28+s5], $0x2710, $0x38;
	[tilespmem:$0x1FD90] =	vst v63  }
0x6f: {  	_ =	swait.ge [sflag:s9], $0x2710  }
0x70: {  	s8 =	sadd.s32 $0x0, s25;
	s18 =	simm.s32 $0xB160;
	[sflag:s9] =	ssyncset.done $0x0  }
0x71: {  	s6 =	simm.s32 $0xB140;
	s7 =	simm.s32 $0x2;
	[sflag:s9] =	ssyncadd.s32 $0xFFFFD8F0  }
.LBB2_2:
0x72: {  	[tilespmem:s6], [sflag:$0xD] =	stream.linear.gather [hbm4b:s8+s5], $0x10, $0x38;
	[tilespmem:$0x1FD90] =	vst v63  }
0x73: {  	s1 =	smov.u32 s7;
	s6 =	smov.u32 s18;
	p1 =	sne.s32 s7, $0x13E  }
.Ltmp2:
0x74: {  	s7 =	sadd.s32 $0x2, s7;
	(pc) =	sbr.rel @p1 .LBB2_2-.Ltmp2, $2  }
0x75: {  	_ =	sdelay $0x2  }
0x76: {  	s18 =	sadd.s32 $0x20, s18;
	s8 =	sadd.s32 s1, s25  }
0x77: {  	[tilespmem:s6], [sflag:$0xD] =	stream.linear.gather [hbm4b:s8+s5], $0x10, $0x38;
	[tilespmem:$0x1FD90] =	vst v63  }
0x78: {  	_ =	swait.ge [sflag:s9], $0xA00  }
0x79: {  	[sflag:s9] =	ssyncset.done $0x0  }
0x7a: {  	s1 =	rddreg [dreg:$0x5];
	[sflag:s9] =	ssyncadd.s32 $0xFFFFF600  }
0x7b: {  	[tilespmem:s10], [sflag:$0xD] =	stream.linear.gather [hbm4b:s1+s5], $0x4E00, $0x38;
	[tilespmem:$0x1FD90] =	vst v63  }
0x7c: {  	_ =	swait.ge [sflag:s9], $0x4E00  }
0x7d: {  	[sflag:s9] =	ssyncset.done $0x0  }
0x7e: {  	[sflag:s9] =	ssyncadd.s32 $0xFFFFB200  }
0x7f: {  	[spmem:s21] =	stream.linear.scatter [tilespmem:s10], [sflag:$0xD], $0x4E00, $0x38;
	[tilespmem:$0x1FD90] =	vst v63  }
0x80: {  	_ =	swait.ge [sflag:s9], $0x4E00  }
0x81: {  	[sflag:s9] =	ssyncset.done $0x0  }
0x82: {  	s28 =	rddreg [dreg:$0x6];
	[sflag:s9] =	ssyncadd.s32 $0xFFFFB200  }
0x83: {  	[tilespmem:s10], [sflag:$0xD] =	stream.linear.gather [hbm4b:s28+s5], $0x4E00, $0x38;
	[tilespmem:$0x1FD90] =	vst v63  }
0x84: {  	_ =	swait.ge [sflag:s9], $0x4E00  }
0x85: {  	[sflag:s9] =	ssyncset.done $0x0  }
0x86: {  	[sflag:s9] =	ssyncadd.s32 $0xFFFFB200  }
0x87: {  	[spmem:s22] =	stream.linear.scatter [tilespmem:s10], [sflag:$0xD], $0x4E00, $0x38;
	[tilespmem:$0x1FD90] =	vst v63  }
0x88: {  	_ =	swait.ge [sflag:s9], $0x4E00  }
0x89: {  	s6 =	simm.s32 @!p0 $0xC530;
	[sflag:s9] =	ssyncset.done $0x0  }
0x8a: {  	s1 =	simm.s32 @!p0 $0x0;
	s7 =	rddreg [dreg:$0x15];
	[sflag:s9] =	ssyncadd.s32 $0xFFFFB200  }
0x8b: {  	[tilespmem:s6], [sflag:$0xD] =	stream.linear.gather @!p0 [hbm4b:s7+s1], $0x400, $0x38;
	[tilespmem:$0x1FD90] =	vst v63  }
0x8c: {  	s1 =	simm.s32 @!p0 $0xD  }
0x8d: {  	_ =	swait.ge @!p0 [sflag:s1], $0x400  }
0x8e: {  	[sflag:s1] =	ssyncset.done @!p0 $0x0  }
0x8f: {  	[sflag:s1] =	ssyncadd.s32 @!p0 $0xFFFFFC00  }
0x90: {  	[spmem:s0] =	stream.linear.scatter @!p0 [tilespmem:s6], [sflag:$0xD], $0x400, $0x38;
	[tilespmem:$0x1FD90] =	vst v63  }
0x91: {  	_ =	swait.ge @!p0 [sflag:s1], $0x400  }
0x92: {  	[sflag:s1] =	ssyncset.done @!p0 $0x0  }
0x93: {  	s7 =	simm.s32 $0x0;
	s30 =	rddreg [dreg:$0xf];
	[sflag:s1] =	ssyncadd.s32 @!p0 $0xFFFFFC00  }
0x94: {  	[tilespmem:s7], [sflag:$0xD] =	stream.linear.gather [hbm4b:s30+s7], $0x2710, $0x38;
	[tilespmem:$0x1FD90] =	vst v63  }
0x95: {  	_ =	swait.ge [sflag:s9], $0x2710  }
0x96: {  	[sflag:s9] =	ssyncset.done $0x0  }
0x97: {  	[sflag:s9] =	ssyncadd.s32 $0xFFFFD8F0  }
0x98: {  	s6 =	simm.s32 $0x0;
	s1 =	simm.s32 $0xB130;
	[bflag:$0x0] =	sbarrier.arrive $0xFFFF  }
.LBB2_4:
0x99: {  	p1 =	sne.s32 s6, $0x9E  }
.Ltmp3:
0x9a: {  	_ = 	snop;
	(pc) =	sbr.rel @p1 .LBB2_4-.Ltmp3, $4  }
0x9b: {  	_ = 	snop  }
0x9c: {  	s8 =	sadd.s32 s6, s29  }
0x9d: {  	[tilespmem:s1], [sflag:$0x1] =	stream.linear.gather [hbm4b:s8+s7], $0x10, $0x38;
	[tilespmem:$0x1FD90] =	vst v63  }
0x9e: {  	s6 =	sadd.s32 $0x2, s6;
	s1 =	sadd.s32 $0x20, s1  }
0x9f: {  	p1 =	por $0x1, $0x1  }
.LBB2_6:
0xa0: {  	s1 =	sand.u32 $0x1, s7;
	s18 =	smul.u32 $0x140, s7  }
0xa1: {  	p2 =	seq.s32 s7, $0x0;
	s6 =	sadd.s32 $0x1, s1;
	s8 =	smul.u32 $0x2800, s1  }
0xa2: {  	s1 =	sadd.s32 $0x7, s1;
	_ =	swait.ge [sflag:s6], $0x500;
	s30 =	sshra.s32 s18, $0x2  }
.Ltmp4:
0xa3: {  	[sflag:s6] =	ssyncset.done $0x0;
	s28 =	sshrl.u32 s8, $0x2;
	(pc) =	sbr.rel @p2 .LBB2_9-.Ltmp4, $4  }
0xa4: {  	s8 =	sadd.s32 $0x4E20, s30;
	[sflag:s6] =	ssyncadd.s32 $0xFFFFFB00;
	s6 =	sor.u32 $0xB130, s28  }
0xa5: {  	[spmem:s2] =	stream.indirect.scatter.add.f32 [tilespmem:s6], [sflag:s1], $0x20, s8, s11, $0xb8;
	[tilespmem:$0x1FD90] =	vst v63  }
0xa6: {  	s6 =	sadd.s32 $0x1, s7  }
0xa7: {  	s18 =	sand.u32 $0x1, s6  }
0xa8: {  	p2 =	seq.s32 s7, $0x7C  }
.Ltmp5:
0xa9: {  	_ = 	snop;
	(pc) =	sbr.rel @p2 .LBB2_12-.Ltmp5, $1  }
0xaa: {  	_ =	sdelay $0x3  }
0xab: {  	s1 =	sadd.s32 $0x7, s18  }
0xac: {  	_ =	swait.ge [sflag:s1], $0xA00  }
0xad: {  	[sflag:s1] =	ssyncset.done $0x0  }
0xae: {  	[sflag:s1] =	ssyncadd.s32 $0xFFFFF600  }
.LBB2_9:
0xaf: {  	s1 =	simm.s32 $0x1  }
0xb0: {  	s7 =	smul.u32 $0x50, s6;
	s1 =	simm.s32 @!p1 $0x0  }
0xb1: {  	s1 =	smul.u32 $0x2800, s1  }
0xb2: {  	s7 =	sadd.s32 s3, s7  }
0xb3: {  	s8 =	sshll.u32 s7, $0x1;
	s1 =	sshrl.u32 s1, $0x2  }
0xb4: {  	s7 =	sadd.s32 $0x1, s18;
	s18 =	sadd.s32 s24, s8;
	s30 =	sor.u32 $0xB130, s1  }
0xb5: {  	s28 =	simm.s32 $0x2;
	s1 =	sadd.s32 $0x0, s18;
	s8 =	sadd.s32 $0x20, s30  }
.LBB2_10:
0xb6: {  	[tilespmem:s30], [sflag:s7] =	stream.linear.gather [hbm4b:s1+s5], $0x10, $0x38;
	[tilespmem:$0x1FD90] =	vst v63  }
0xb7: {  	s1 =	smov.u32 s28;
	s30 =	smov.u32 s8;
	p2 =	sne.s32 s28, $0x9E  }
.Ltmp6:
0xb8: {  	s28 =	sadd.s32 $0x2, s28;
	(pc) =	sbr.rel @p2 .LBB2_10-.Ltmp6, $2  }
0xb9: {  	_ =	sdelay $0x2  }
0xba: {  	s8 =	sadd.s32 $0x20, s8;
	s1 =	sadd.s32 s1, s18  }
0xbb: {  	p2 =	sne.s32 s6, $0x7D  }
.Ltmp7:
0xbc: {  	_ = 	snop;
	(pc) =	sbr.rel @p2 .LBB2_6-.Ltmp7, $3  }
0xbd: {  	_ =	sdelay $0x1  }
0xbe: {  	[tilespmem:s30], [sflag:s7] =	stream.linear.gather [hbm4b:s1+s5], $0x10, $0x38;
	[tilespmem:$0x1FD90] =	vst v63  }
0xbf: {  	p1 =	por !p1, !p1;
	s7 =	smov.u32 s6  }
.LBB2_12:
0xc0: {  	_ =	swait.ge [sflag:s12], $0xA00  }
0xc1: {  	[sflag:s12] =	ssyncset.done $0x0  }
0xc2: {  	[sflag:s12] =	ssyncadd.s32 $0xFFFFF600  }
0xc3: {  	_ =	swait.ge [sflag:s13], $0xA00  }
0xc4: {  	[sflag:s13] =	ssyncset.done $0x0  }
0xc5: {  	s1 =	simm.s32 $0x7530;
	[sflag:s13] =	ssyncadd.s32 $0xFFFFF600  }
0xc6: {  	[tilespmem:s1], [sflag:$0x1] =	stream.indirect.gather [hbm4b:s23+s14], $0x40, s5, s14, $0xb8;
	[tilespmem:$0x1FD90] =	vst v63  }
0xc7: {  	s8 =	simm.s32 $0x7F30  }
0xc8: {  	[tilespmem:s8], [sflag:$0x2] =	stream.indirect.gather [hbm4b:s23+s14], $0x40, s14, s14, $0xb8;
	[tilespmem:$0x1FD90] =	vst v63  }
0xc9: {  	s18 =	simm.s32 $0x8930  }
0xca: {  	[tilespmem:s18], [sflag:$0x3] =	stream.indirect.gather [hbm4b:s23+s14], $0x40, s11, s14, $0xb8;
	[tilespmem:$0x1FD90] =	vst v63  }
.Ltmp8:
0xcb: {  	s19 =	simm.s32 $0x78;
	(pc) =	sbr.rel .LBB2_13-.Ltmp8, $4  }
0xcc: {  	s6 =	simm.s32 $0x9330;
	s20 =	simm.s32 $0xA0;
	s28 =	simm.s32 $0x9D30  }
0xcd: {  	[tilespmem:s6], [sflag:$0x4] =	stream.indirect.gather [hbm4b:s23+s14], $0x40, s19, s14, $0xb8;
	[tilespmem:$0x1FD90] =	vst v63  }
0xce: {  	s30 =	simm.s32 $0xC8;
	s7 =	simm.s32 $0x2710;
	s6 =	simm.s32 $0xFFFFFFFF  }
0xcf: {  	[tilespmem:s28], [sflag:$0x5] =	stream.indirect.gather [hbm4b:s23+s14], $0x40, s20, s14, $0xb8;
	[tilespmem:$0x1FD90] =	vst v63  }
.LBB2_14:
0xd0: {  	s1 =	sadd.s32 $0x7, s18  }
0xd1: {  	_ =	swait.ge [sflag:s1], $0xA00  }
0xd2: {  	[sflag:s1] =	ssyncset.done $0x0  }
0xd3: {  	[sflag:s1] =	ssyncadd.s32 $0xFFFFF600  }
.LBB2_16:
0xd4: {  	s1 =	smul.u32 $0x2800, s18;
	_ =	sdelay $0x1  }
0xd5: {  	s1 =	sshrl.u32 s1, $0x2  }
0xd6: {  	s8 =	sadd.s32 $0x1, s18;
	s1 =	sadd.s32 $0x7530, s1  }
0xd7: {  	[tilespmem:s1], [sflag:s8] =	stream.indirect.gather [hbm4b:s23+s14], $0x40, s30, s14, $0xb8;
	[tilespmem:$0x1FD90] =	vst v63  }
.LBB2_17:
0xd8: {  	p1 =	sne.s32 s6, $0xF9  }
.Ltmp9:
0xd9: {  	_ = 	snop;
	(pc) =	sbr.rel @!p1 .LBB2_18-.Ltmp9, $2  }
0xda: {  	_ =	sdelay $0x2  }
0xdb: {  	s30 =	sadd.s32 $0x28, s30;
	s7 =	sadd.s32 $0x28, s7  }
.LBB2_13:
0xdc: {  	s1 =	smov.u32 s6;
	s6 =	sadd.s32 $0x1, s6  }
0xdd: {  	s8 =	smul.u32 $0xAB, s6  }
0xde: {  	s18 =	sadd.s32 $0x6, s1  }
0xdf: {  	s20 =	sand.u32 $0xFF, s18;
	s8 =	sshrl.u32 s8, $0xA  }
0xe0: {  	s20 =	smul.u32 $0xAB, s20;
	s8 =	sand.u32 $0x3F, s8  }
0xe1: {  	s8 =	smul.u32 $0x6, s8;
	_ =	sdelay $0x1  }
0xe2: {  	s20 =	sshrl.u32 s20, $0xA;
	s8 =	ssub.s32 s6, s8  }
0xe3: {  	s20 =	smul.u32 $0x6, s20;
	s8 =	sand.u32 $0xFF, s8  }
0xe4: {  	p1 =	sgt.u32 s1, $0xF3;
	s28 =	smul.u32 $0x2800, s8;
	s19 =	sadd.s32 $0x1, s8  }
.Ltmp10:
0xe5: {  	_ =	swait.ge [sflag:s19], $0xA00;
	(pc) =	sbr.rel @!p1 .LBB2_14-.Ltmp10, $4  }
0xe6: {  	s8 =	sadd.s32 $0x7, s8;
	[sflag:s19] =	ssyncset.done $0x0;
	s28 =	sshrl.u32 s28, $0x2  }
0xe7: {  	[sflag:s19] =	ssyncadd.s32 $0xFFFFF600;
	s19 =	sadd.s32 $0x7530, s28;
	s28 =	ssub.s32 s18, s20  }
0xe8: {  	[spmem:s4] =	stream.indirect.scatter.add.f32 [tilespmem:s19], [sflag:s8], $0x40, s7, s14, $0xb8;
	[tilespmem:$0x1FD90] =	vst v63  }
0xe9: {  	s18 =	sand.u32 $0xFF, s28  }
0xea: {  	p1 =	sgt.u32 s6, $0xF4  }
.Ltmp11:
0xeb: {  	_ = 	snop;
	(pc) =	sbr.rel @p1 .LBB2_17-.Ltmp11, $4  }
.Ltmp12:
0xec: {  	_ = 	snop;
	(pc) =	sbr.rel @!p1 .LBB2_16-.Ltmp12, $4  }
0xed: {  	_ = 	snop  }
0xee: {  	_ = 	snop  }
0xef: {  	_ = 	snop  }
0xf0: {  	_ = 	snop  }
.LBB2_18:
0xf1: {  	_ =	swait.ge [sflag:s31], $0xA00  }
0xf2: {  	[sflag:s31] =	ssyncset.done $0x0  }
0xf3: {  	[sflag:s31] =	ssyncadd.s32 $0xFFFFF600  }
0xf4: {  	_ =	swait.ge [sflag:s15], $0xA00  }
0xf5: {  	[sflag:s15] =	ssyncset.done $0x0  }
0xf6: {  	[sflag:s15] =	ssyncadd.s32 $0xFFFFF600  }
0xf7: {  	_ =	swait.ge [sflag:s13], $0xA00  }
0xf8: {  	[sflag:s13] =	ssyncset.done $0x0  }
0xf9: {  	[sflag:s13] =	ssyncadd.s32 $0xFFFFF600  }
0xfa: {  	_ =	swait.ge [sflag:s12], $0xA00  }
0xfb: {  	[sflag:s12] =	ssyncset.done $0x0  }
0xfc: {  	[sflag:s12] =	ssyncadd.s32 $0xFFFFF600  }
0xfd: {  	_ =	swait.ge [sflag:s16], $0xA00  }
0xfe: {  	[sflag:s16] =	ssyncset.done $0x0  }
0xff: {  	[sflag:s16] =	ssyncadd.s32 $0xFFFFF600  }
0x100: {  	_ =	swait.ge [sflag:s17], $0xA00  }
0x101: {  	[sflag:s17] =	ssyncset.done $0x0  }
0x102: {  	[sflag:s17] =	ssyncadd.s32 $0xFFFFF600  }
0x103: {  	[bflag:$0x0] =	sbarrier.arrive $0xFFFF  }
0x104: {  	[tilespmem:s10], [sflag:$0xD] =	stream.linear.gather [spmem:s21], $0x4E00, $0x38;
	[tilespmem:$0x1FD90] =	vst v63  }
0x105: {  	_ =	swait.ge [sflag:s9], $0x4E00  }
0x106: {  	s6 =	simm.s32 $0x40;
	[sflag:s9] =	ssyncset.done $0x0  }
0x107: {  	s7 =	simm.s32 $0x100;
	s1 =	rddreg [dreg:$0x7];
	[sflag:s9] =	ssyncadd.s32 $0xFFFFB200  }
0x108: {  	[hbm4b:s1+s6] =	stream.strided.scatter [tilespmem:s10], [sflag:$0xD], $0x4E00, s7, s6, $0x38;
	[tilespmem:$0x1FD90] =	vst v63  }
0x109: {  	_ =	swait.ge [sflag:s9], $0x4E00  }
0x10a: {  	[sflag:s9] =	ssyncset.done $0x0  }
0x10b: {  	[sflag:s9] =	ssyncadd.s32 $0xFFFFB200  }
0x10c: {  	[tilespmem:s10], [sflag:$0xD] =	stream.linear.gather [spmem:s22], $0x4E00, $0x38;
	[tilespmem:$0x1FD90] =	vst v63  }
0x10d: {  	_ =	swait.ge [sflag:s9], $0x4E00  }
0x10e: {  	[sflag:s9] =	ssyncset.done $0x0  }
0x10f: {  	s19 =	rddreg [dreg:$0x8];
	[sflag:s9] =	ssyncadd.s32 $0xFFFFB200  }
0x110: {  	[hbm4b:s19+s6] =	stream.strided.scatter [tilespmem:s10], [sflag:$0xD], $0x4E00, s7, s6, $0x38;
	[tilespmem:$0x1FD90] =	vst v63  }
0x111: {  	_ =	swait.ge [sflag:s9], $0x4E00  }
0x112: {  	[sflag:s9] =	ssyncset.done $0x0  }
0x113: {  	s1 =	simm.s32 @!p0 $0xC530;
	s6 =	simm.s32 @!p0 $0xD;
	[sflag:s9] =	ssyncadd.s32 $0xFFFFB200  }
0x114: {  	[tilespmem:s1], [sflag:$0xD] =	stream.linear.gather @!p0 [spmem:s0], $0x400, $0x38;
	[tilespmem:$0x1FD90] =	vst v63  }
0x115: {  	_ =	swait.ge @!p0 [sflag:s6], $0x400  }
0x116: {  	s8 =	simm.s32 @!p0 $0x100;
	[sflag:s6] =	ssyncset.done @!p0 $0x0  }
0x117: {  	s7 =	simm.s32 @!p0 $0x40;
	s18 =	rddreg [dreg:$0xc];
	[sflag:s6] =	ssyncadd.s32 @!p0 $0xFFFFFC00  }
0x118: {  	[hbm4b:s18+s7] =	stream.strided.scatter @!p0 [tilespmem:s1], [sflag:$0xD], $0x400, s8, s7, $0x38;
	[tilespmem:$0x1FD90] =	vst v63  }
0x119: {  	_ =	swait.ge @!p0 [sflag:s6], $0x400  }
0x11a: {  	[sflag:s6] =	ssyncset.done @!p0 $0x0  }
0x11b: {  	s28 =	simm.s32 $0x11330;
	s20 =	rddreg [dreg:$0x11];
	[sflag:s6] =	ssyncadd.s32 @!p0 $0xFFFFFC00  }
0x11c: {  	[tilespmem:s28], [sflag:$0xD] =	stream.linear.gather [spmem:s20], $0x2700, $0x38;
	[tilespmem:$0x1FD90] =	vst v63  }
0x11d: {  	_ =	swait.ge [sflag:s9], $0x2700  }
0x11e: {  	[sflag:s9] =	ssyncset.done $0x0  }
0x11f: {  	s18 =	rddreg [dreg:$0x9];
	[sflag:s9] =	ssyncadd.s32 $0xFFFFD900  }
0x120: {  	[hbm4b:s18+s5] =	stream.linear.scatter [tilespmem:s28], [sflag:$0xD], $0x2700, $0x38;
	[tilespmem:$0x1FD90] =	vst v63  }
0x121: {  	_ =	swait.ge [sflag:s9], $0x2700  }
0x122: {  	[sflag:s9] =	ssyncset.done $0x0  }
0x123: {  	s7 =	simm.s32 @!p0 $0x11330;
	s8 =	rddreg [dreg:$0x18];
	[sflag:s9] =	ssyncadd.s32 $0xFFFFD900  }
0x124: {  	[tilespmem:s7], [sflag:$0xD] =	stream.linear.gather @!p0 [spmem:s8], $0x100, $0x38;
	[tilespmem:$0x1FD90] =	vst v63  }
0x125: {  	_ =	swait.ge @!p0 [sflag:s6], $0x100  }
0x126: {  	[sflag:s6] =	ssyncset.done @!p0 $0x0  }
0x127: {  	s8 =	simm.s32 @!p0 $0x0;
	s18 =	rddreg [dreg:$0x16];
	[sflag:s6] =	ssyncadd.s32 @!p0 $0xFFFFFF00  }
0x128: {  	[hbm4b:s18+s8] =	stream.linear.scatter @!p0 [tilespmem:s7], [sflag:$0xD], $0x100, $0x38;
	[tilespmem:$0x1FD90] =	vst v63  }
0x129: {  	_ =	swait.ge @!p0 [sflag:s6], $0x100  }
0x12a: {  	[sflag:s6] =	ssyncset.done @!p0 $0x0  }
0x12b: {  	[sflag:s6] =	ssyncadd.s32 @!p0 $0xFFFFFF00  }
0x12c: {  	[bflag:$0x0] =	sbarrier.arrive $0xFFFF  }
0x12d: {  	s19 =	rddreg [dreg:$0x5]  }
0x12e: {  	[tilespmem:s10], [sflag:$0xD] =	stream.linear.gather [hbm4b:s19+s5], $0x4E00, $0x38;
	[tilespmem:$0x1FD90] =	vst v63  }
0x12f: {  	_ =	swait.ge [sflag:s9], $0x4E00  }
0x130: {  	[sflag:s9] =	ssyncset.done $0x0  }
0x131: {  	[sflag:s9] =	ssyncadd.s32 $0xFFFFB200  }
0x132: {  	[spmem:s21] =	stream.linear.scatter [tilespmem:s10], [sflag:$0xD], $0x4E00, $0x38;
	[tilespmem:$0x1FD90] =	vst v63  }
0x133: {  	_ =	swait.ge [sflag:s9], $0x4E00  }
0x134: {  	[sflag:s9] =	ssyncset.done $0x0  }
0x135: {  	s20 =	rddreg [dreg:$0x6];
	[sflag:s9] =	ssyncadd.s32 $0xFFFFB200  }
0x136: {  	[tilespmem:s10], [sflag:$0xD] =	stream.linear.gather [hbm4b:s20+s5], $0x4E00, $0x38;
	[tilespmem:$0x1FD90] =	vst v63  }
0x137: {  	_ =	swait.ge [sflag:s9], $0x4E00  }
0x138: {  	[sflag:s9] =	ssyncset.done $0x0  }
0x139: {  	[sflag:s9] =	ssyncadd.s32 $0xFFFFB200  }
0x13a: {  	[spmem:s22] =	stream.linear.scatter [tilespmem:s10], [sflag:$0xD], $0x4E00, $0x38;
	[tilespmem:$0x1FD90] =	vst v63  }
0x13b: {  	_ =	swait.ge [sflag:s9], $0x4E00  }
0x13c: {  	[sflag:s9] =	ssyncset.done $0x0  }
0x13d: {  	s7 =	rddreg [dreg:$0x15];
	[sflag:s9] =	ssyncadd.s32 $0xFFFFB200  }
0x13e: {  	[tilespmem:s1], [sflag:$0xD] =	stream.linear.gather @!p0 [hbm4b:s7+s8], $0x400, $0x38;
	[tilespmem:$0x1FD90] =	vst v63  }
0x13f: {  	_ =	swait.ge @!p0 [sflag:s6], $0x400  }
0x140: {  	[sflag:s6] =	ssyncset.done @!p0 $0x0  }
0x141: {  	[sflag:s6] =	ssyncadd.s32 @!p0 $0xFFFFFC00  }
0x142: {  	[spmem:s0] =	stream.linear.scatter @!p0 [tilespmem:s1], [sflag:$0xD], $0x400, $0x38;
	[tilespmem:$0x1FD90] =	vst v63  }
0x143: {  	_ =	swait.ge @!p0 [sflag:s6], $0x400  }
0x144: {  	[sflag:s6] =	ssyncset.done @!p0 $0x0  }
0x145: {  	s28 =	rddreg [dreg:$0xe];
	[sflag:s6] =	ssyncadd.s32 @!p0 $0xFFFFFC00  }
0x146: {  	[tilespmem:s5], [sflag:$0xD] =	stream.linear.gather [hbm4b:s28+s5], $0x2710, $0x38;
	[tilespmem:$0x1FD90] =	vst v63  }
0x147: {  	_ =	swait.ge [sflag:s9], $0x2710  }
0x148: {  	[sflag:s9] =	ssyncset.done $0x0  }
0x149: {  	[sflag:s9] =	ssyncadd.s32 $0xFFFFD8F0  }
0x14a: {  	s6 =	simm.s32 $0x7530;
	[bflag:$0x0] =	sbarrier.arrive $0xFFFF  }
0x14b: {  	[tilespmem:s6], [sflag:$0x1] =	stream.indirect.gather [hbm4b:s23+s14], $0x40, s5, s14, $0xb8;
	[tilespmem:$0x1FD90] =	vst v63  }
0x14c: {  	s7 =	simm.s32 $0x7F30  }
0x14d: {  	[tilespmem:s7], [sflag:$0x2] =	stream.indirect.gather [hbm4b:s23+s14], $0x40, s14, s14, $0xb8;
	[tilespmem:$0x1FD90] =	vst v63  }
0x14e: {  	s8 =	simm.s32 $0x8930  }
0x14f: {  	[tilespmem:s8], [sflag:$0x3] =	stream.indirect.gather [hbm4b:s23+s14], $0x40, s11, s14, $0xb8;
	[tilespmem:$0x1FD90] =	vst v63  }
.Ltmp13:
0x150: {  	s30 =	simm.s32 $0xFFFFFFFF;
	(pc) =	sbr.rel .LBB2_19-.Ltmp13, $4  }
0x151: {  	s18 =	simm.s32 $0x78;
	s19 =	simm.s32 $0x9330;
	s20 =	simm.s32 $0xA0  }
0x152: {  	[tilespmem:s19], [sflag:$0x4] =	stream.indirect.gather [hbm4b:s23+s14], $0x40, s18, s14, $0xb8;
	[tilespmem:$0x1FD90] =	vst v63  }
0x153: {  	s28 =	simm.s32 $0x9D30;
	s6 =	simm.s32 $0xC8;
	s7 =	simm.s32 $0x2710  }
0x154: {  	[tilespmem:s28], [sflag:$0x5] =	stream.indirect.gather [hbm4b:s23+s14], $0x40, s20, s14, $0xb8;
	[tilespmem:$0x1FD90] =	vst v63  }
.LBB2_20:
0x155: {  	s1 =	sadd.s32 $0x7, s18  }
0x156: {  	_ =	swait.ge [sflag:s1], $0xA00  }
0x157: {  	[sflag:s1] =	ssyncset.done $0x0  }
0x158: {  	[sflag:s1] =	ssyncadd.s32 $0xFFFFF600  }
.LBB2_22:
0x159: {  	s1 =	smul.u32 $0x2800, s18;
	_ =	sdelay $0x1  }
0x15a: {  	s1 =	sshrl.u32 s1, $0x2  }
0x15b: {  	s8 =	sadd.s32 $0x1, s18;
	s1 =	sadd.s32 $0x7530, s1  }
0x15c: {  	[tilespmem:s1], [sflag:s8] =	stream.indirect.gather [hbm4b:s23+s14], $0x40, s6, s14, $0xb8;
	[tilespmem:$0x1FD90] =	vst v63  }
.LBB2_23:
0x15d: {  	p1 =	sne.s32 s30, $0xF9  }
.Ltmp14:
0x15e: {  	_ = 	snop;
	(pc) =	sbr.rel @!p1 .LBB2_24-.Ltmp14, $2  }
0x15f: {  	_ =	sdelay $0x2  }
0x160: {  	s6 =	sadd.s32 $0x28, s6;
	s7 =	sadd.s32 $0x28, s7  }
.LBB2_19:
0x161: {  	s1 =	smov.u32 s30;
	s30 =	sadd.s32 $0x1, s30  }
0x162: {  	s8 =	smul.u32 $0xAB, s30;
	_ =	sdelay $0x1  }
0x163: {  	s8 =	sshrl.u32 s8, $0xA  }
0x164: {  	s8 =	sand.u32 $0x3F, s8  }
0x165: {  	s8 =	smul.u32 $0x6, s8  }
0x166: {  	s18 =	sadd.s32 $0x6, s1  }
0x167: {  	s28 =	sand.u32 $0xFF, s18;
	s8 =	ssub.s32 s30, s8  }
0x168: {  	s28 =	smul.u32 $0xAB, s28;
	s8 =	sand.u32 $0xFF, s8  }
0x169: {  	p1 =	sgt.u32 s1, $0xF3;
	s19 =	smul.u32 $0x2800, s8;
	s20 =	sadd.s32 $0x1, s8  }
0x16a: {  	s28 =	sshrl.u32 s28, $0xA;
	s8 =	sadd.s32 $0x7, s8;
	_ =	swait.ge [sflag:s20], $0xA00  }
.Ltmp15:
0x16b: {  	[sflag:s20] =	ssyncset.done $0x0;
	s19 =	sshrl.u32 s19, $0x2;
	(pc) =	sbr.rel @!p1 .LBB2_20-.Ltmp15, $4  }
0x16c: {  	[sflag:s20] =	ssyncadd.s32 $0xFFFFF600;
	s19 =	sadd.s32 $0x7530, s19;
	s20 =	smul.u32 $0x6, s28  }
0x16d: {  	[spmem:s4] =	stream.indirect.scatter.add.f32 [tilespmem:s19], [sflag:s8], $0x40, s7, s14, $0xb8;
	[tilespmem:$0x1FD90] =	vst v63  }
0x16e: {  	s28 =	ssub.s32 s18, s20  }
0x16f: {  	s18 =	sand.u32 $0xFF, s28  }
0x170: {  	p1 =	sgt.u32 s30, $0xF4  }
.Ltmp16:
0x171: {  	_ = 	snop;
	(pc) =	sbr.rel @p1 .LBB2_23-.Ltmp16, $4  }
.Ltmp17:
0x172: {  	_ = 	snop;
	(pc) =	sbr.rel @!p1 .LBB2_22-.Ltmp17, $4  }
0x173: {  	_ = 	snop  }
0x174: {  	_ = 	snop  }
0x175: {  	_ = 	snop  }
0x176: {  	_ = 	snop  }
.LBB2_25:
0x177: {  	_ =	sfence.sel $0x180000  }
0x178: {  	[bflag:$0x0] =	sbarrier.arrive $0xFFFF  }
0x179: {  	_ =	strace $0x90000047  }
0x17a: {  	s0 =	stileid.u32;
	[bflag:$0x2] =	sbarrier.arrive $0xFFFF  }
0x17b: {  	p0 =	sne.s32 s0, $0x0;
	s0 =	rddreg [dreg:$0x4]  }
0x17c: {  	s0 =	sadd.s32 @!p0 $0x100000, s0  }
0x17d: {  	[sflag:s0] =	ssyncadd.tile.s32 @!p0 $0x1;
	_ =	shalt  }
.Lfunc_end2:
_tile_overlayer_lowered:
.L_overlay_start_2:
0x17e: {  	(tag) =	ssettag $0x2  }
0x17f: {  	s0 =	rddreg [dreg:$0x0];
	s2 =	stileid.u32  }
0x180: {  	s1 =	rddreg [dreg:$0x1];
	p0 =	sne.s32 s2, $0x0  }
0x181: {  	s3 =	rddreg [dreg:$0x2];
	[bflag:$0x3] =	sbarrier.arrive $0xFFFF;
	s2 =	simm.s32 @!p0 $0x1C0D  }
0x182: {  	[timem:s3], [sflag:s2] =	dma.local @!p0 [hbm:s0], s1  }
0x183: {  	s0 =	simm.s32 @!p0 $0xD  }
0x184: {  	_ =	swait.ge @!p0 [sflag:s0], s1  }
0x185: {  	s1 =	ssub.s32 @!p0 $0x0, s1;
	[sflag:s0] =	ssyncset.done @!p0 $0x0  }
0x186: {  	[sflag:s0] =	ssyncadd.s32 @!p0 s1  }
0x187: {  	[bflag:$0x3] =	sbarrier.arrive $0xFFFF  }
0x188: {  	_ =	shalt  }

// kernel: kernel.9.cloned.1.call-start
scs
__scs_entry_jumppad:
0x0: {  	(pc) =	sbr.rel $0x88, $3  }
0x1: {  	(tag) =	ssettag $0x0;
	lr =	simm.s32 $0x1  }
0x2: {  	[smem:$0x3F96] =	sst lr;
	_ =	strace $0xD0000000  }
0x3: {  	_ = 	snop  }
0x4: {  	_ = 	snop  }
0x5: {  	_ = 	snop  }
0x6: {  	_ = 	snop  }
0x7: {  	_ = 	snop  }
__scs_overlays_trampoline_lowered:
0x8: {  	[smem:$0x3FA5] =	sst s0  }
0x9: {  	[smem:$0x3FA6] =	sst s1  }
0xa: {  	[smem:$0x3FA7] =	sst s2  }
0xb: {  	[smem:$0x3FA8] =	sst s3  }
0xc: {  	[smem:$0x3FA9] =	sst s4  }
0xd: {  	[smem:$0x3FAA] =	sst s5  }
0xe: {  	[smem:$0x3FAB] =	sst s6  }
0xf: {  	[smem:$0x3FAC] =	sst s7  }
0x10: {  	[smem:$0x3FAD] =	sst s8  }
0x11: {  	[smem:$0x3FAE] =	sst s9;
	s0 =	simm.s32 @!p0 $0x0  }
0x12: {  	s1 =	sld [smem:$0x3F94];
	s0 =	simm.s32 @p0 $0x1  }
0x13: {  	[smem:$0x3FAF] =	sst s0;
	s0 =	simm.s32 @!p1 $0x0  }
0x14: {  	s2 =	sld [smem:$0x3F93];
	s0 =	simm.s32 @p1 $0x1  }
0x15: {  	[smem:$0x3FB0] =	sst s0;
	s0 =	simm.s32 @!p2 $0x0  }
0x16: {  	s3 =	sld [smem:$0x3FDB];
	s0 =	simm.s32 @p2 $0x1  }
0x17: {  	s4 =	simm.s32 $0x1BF5;
	[smem:$0x3FB2] =	sst s0  }
0x18: {  	s0 =	sld [smem:$0x3F95];
	_ =	swait.ge [sflag:s4], $0x0  }
0x19: {  	s7 =	sld [smem:$0x3F96]  }
0x1a: {  	s8 =	sadd.s32 $0xFFFFE003, lr  }
0x1b: {  	s9 =	sadd.s32 $0xFFFFFEF7, lr;
	s5 =	simm.s32 $0xFFFFFFFF;
	p2 =	slt.u32 s8, $0xFFFFF086  }
0x1c: {  	p1 =	slt.u32 s9, $0xF7A;
	s5 =	simm.s32 @!p2 $0x0  }
0x1d: {  	s5 =	simm.s32 @p1 $0x1;
	p0 =	seq.s32 s7, s2  }
0x1e: {  	s7 =	smul.u32 @!p0 $0xF7A, s2;
	p2 =	seq.s32 @!p0 s5, $0x0  }
0x1f: {  	s9 =	smul.u32 $0xF7A, s1;
	s8 =	simm.s32 @!p0 $0x1BF5;
	p2 =	por !p2, p0  }
0x20: {  	[sflag:s8] =	ssyncset.s32 @!p0 $0xFFFFF086;
	s6 =	sadd.s32 @!p0 s3, s7;
	s7 =	simm.s32 @!p0 $0x108  }
0x21: {  	s3 =	sadd.s32 s3, s9;
	s6 =	sadd.s32 @!p0 $0x88, s6;
	s7 =	simm.s32 @p2 $0x1082  }
0x22: {  	[simem:s7], [sflag:s8] =	dma.local @!p0 [hbm:s6], $0xF7A  }
0x23: {  	s9 =	sor.u32 $0xD0000000, s2;
	s6 =	simm.s32 $0x108;
	_ =	swait.ge @!p0 [sflag:s8], $0x0  }
0x24: {  	s3 =	sadd.s32 $0x88, s3;
	s6 =	simm.s32 @!p1 $0x1082;
	[sflag:s4] =	ssyncset.s32 $0xFFFFF086  }
0x25: {  	[simem:s6], [sflag:s4] =	dma.local [hbm:s3], $0xF7A  }
0x26: {  	[smem:$0x3F96] =	sst s1;
	(tag) =	ssettag s2;
	_ =	strace s9  }
0x27: {  	s1 =	sld [smem:$0x3FA6]  }
0x28: {  	s2 =	sld [smem:$0x3FA7]  }
0x29: {  	s4 =	sld [smem:$0x3FA9]  }
0x2a: {  	p0 =	seq.s32 s5, $0x0;
	s5 =	sld [smem:$0x3FAA]  }
0x2b: {  	s6 =	sld [smem:$0x3FAB]  }
0x2c: {  	s7 =	sld [smem:$0x3FAC]  }
0x2d: {  	s3 =	simm.s32 $0x108;
	s8 =	sld [smem:$0x3FAD]  }
0x2e: {  	s3 =	simm.s32 @!p0 $0x1082;
	s9 =	sld [smem:$0x3FAE]  }
0x2f: {  	lr =	sadd.s32 s0, s3;
	s0 =	sld [smem:$0x3FA5]  }
0x30: {  	s3 =	sld [smem:$0x3FA8]  }
0x31: {  	[smem:$0x3FB1] =	sst s10  }
0x32: {  	s10 =	sld [smem:$0x3FAF];
	_ =	sdelay $0x3  }
0x33: {  	p0 =	seq.s32 s10, $0x1;
	s10 =	sld [smem:$0x3FB1];
	_ =	sdelay $0x3  }
0x34: {  	[smem:$0x3FB1] =	sst s10  }
0x35: {  	s10 =	sld [smem:$0x3FB0];
	_ =	sdelay $0x3  }
0x36: {  	p1 =	seq.s32 s10, $0x1;
	s10 =	sld [smem:$0x3FB1];
	_ =	sdelay $0x3  }
0x37: {  	[smem:$0x3FB1] =	sst s10  }
0x38: {  	s10 =	sld [smem:$0x3FB2]  }
0x39: {  	_ = 	snop;
	(pc) =	sbr.ind lr, $3  }
0x3a: {  	_ = 	snop  }
0x3b: {  	_ = 	snop  }
0x3c: {  	p2 =	seq.s32 s10, $0x1;
	s10 =	sld [smem:$0x3FB1]  }
0x3d: {  	_ =	shalt  }
0x3e: {  	_ =	shalt  }
0x3f: {  	_ =	shalt  }
0x40: {  	_ =	shalt  }
0x41: {  	_ =	shalt  }
0x42: {  	_ =	shalt  }
0x43: {  	_ =	shalt  }
0x44: {  	_ =	shalt  }
0x45: {  	_ =	shalt  }
0x46: {  	_ =	shalt  }
0x47: {  	_ =	shalt  }
0x48: {  	_ =	shalt  }
0x49: {  	_ =	shalt  }
0x4a: {  	_ =	shalt  }
0x4b: {  	_ =	shalt  }
0x4c: {  	_ =	shalt  }
0x4d: {  	_ =	shalt  }
0x4e: {  	_ =	shalt  }
0x4f: {  	_ =	shalt  }
0x50: {  	_ =	shalt  }
0x51: {  	_ =	shalt  }
0x52: {  	_ =	shalt  }
0x53: {  	_ =	shalt  }
0x54: {  	_ =	shalt  }
0x55: {  	_ =	shalt  }
0x56: {  	_ =	shalt  }
0x57: {  	_ =	shalt  }
0x58: {  	_ =	shalt  }
0x59: {  	_ =	shalt  }
0x5a: {  	_ =	shalt  }
0x5b: {  	_ =	shalt  }
0x5c: {  	_ =	shalt  }
0x5d: {  	_ =	shalt  }
0x5e: {  	_ =	shalt  }
0x5f: {  	_ =	shalt  }
0x60: {  	_ =	shalt  }
0x61: {  	_ =	shalt  }
0x62: {  	_ =	shalt  }
0x63: {  	_ =	shalt  }
0x64: {  	_ =	shalt  }
0x65: {  	_ =	shalt  }
0x66: {  	_ =	shalt  }
0x67: {  	_ =	shalt  }
0x68: {  	_ =	shalt  }
0x69: {  	_ =	shalt  }
0x6a: {  	_ =	shalt  }
0x6b: {  	_ =	shalt  }
0x6c: {  	_ =	shalt  }
0x6d: {  	_ =	shalt  }
0x6e: {  	_ =	shalt  }
0x6f: {  	_ =	shalt  }
0x70: {  	_ =	shalt  }
0x71: {  	_ =	shalt  }
0x72: {  	_ =	shalt  }
0x73: {  	_ =	shalt  }
0x74: {  	_ =	shalt  }
0x75: {  	_ =	shalt  }
0x76: {  	_ =	shalt  }
0x77: {  	_ =	shalt  }
0x78: {  	_ =	shalt  }
0x79: {  	_ =	shalt  }
0x7a: {  	_ =	shalt  }
0x7b: {  	_ =	shalt  }
0x7c: {  	_ =	shalt  }
0x7d: {  	_ =	shalt  }
0x7e: {  	_ =	shalt  }
0x7f: {  	_ =	shalt  }
0x80: {  	_ =	shalt  }
0x81: {  	_ =	shalt  }
0x82: {  	_ =	shalt  }
0x83: {  	_ =	shalt  }
0x84: {  	_ =	shalt  }
0x85: {  	_ =	shalt  }
0x86: {  	_ =	shalt  }
0x87: {  	_ =	shalt  }
.Lfunc_end0:
.L_simem_size_0:
called_computation.1_lowered:
.L_overlay_start_0:
0x88: {  	s2 =	sld [smem:$0x3FD9]  }
0x89: {  	s3 =	sld [smem:$0x3FFE];
	_ =	sdelay $0x1  }
0x8a: {  	s1 =	srdreg.scid  }
0x8b: {  	s0 =	sand.u32 $0x1, s1  }
0x8c: {  	s17 =	sshll.u32 s0, $0xA;
	s2 =	sadd.s32 s3, s2  }
0x8d: {  	s2 =	sadd.s32 s2, s17  }
0x8e: {  	[smem:$0x3FBD] =	sst s2  }
0x8f: {  	_ = 	snop  }
0x90: {  	s2 =	sld [smem:$0x3FD0];
	(tm) =	ssettm $0x1  }
0x91: {  	s18 =	sld [smem:$0x3FFB];
	_ =	sdelay $0x3  }
0x92: {  	_ =	strace s18  }
0x93: {  	s3 =	sld [smem:$0x3FFC];
	_ =	sdelay $0x3  }
0x94: {  	_ =	strace s3  }
0x95: {  	s3 =	sld [smem:$0x3FFD];
	_ =	sdelay $0x3  }
0x96: {  	_ =	strace s3  }
0x97: {  	_ =	strace $0x8FFFFFFF  }
0x98: {  	s19 =	sld [smem:$0x3FDB];
	_ =	sdelay $0x1  }
0x99: {  	s4 =	simm.s32 $_scs_section_size  }
0x9a: {  	s5 =	simm.s32 $_size__tile_overlayer_lowered;
	s6 =	simm.s32 $_tile_overlayer_lowered  }
0x9b: {  	s22 =	simm.s32 $0x1BFF;
	s21 =	sshll.u32 s6, $0x1;
	s3 =	sadd.s32 s4, s19  }
0x9c: {  	s7 =	simm.s32 $0x0;
	s20 =	sshll.u32 s5, $0x1;
	s5 =	sadd.s32 s21, s3  }
0x9d: {  	[timem:s7], [sflag:s22] =	dma.local [hbm:s5], s20  }
0x9e: {  	_ =	swait.ge [sflag:s22], s20  }
0x9f: {  	s4 =	ssub.s32 $0x0, s20;
	[sflag:s22] =	ssyncset.done $0x0  }
0xa0: {  	[sflag:s22] =	ssyncadd.s32 s4;
	_ =	sdelay $0x1  }
0xa1: {  	s23 =	simm.s32 $0x1B8B  }
0xa2: {  	_ =	swait.ge [sflag:s23], $0x1  }
0xa3: {  	[sflag:s23] =	ssyncset.done $0x0  }
0xa4: {  	s25 =	simm.s32 $0x1B8E;
	s24 =	sld [smem:$0x3FFE];
	[sflag:s23] =	ssyncadd.s32 $0xFFFFFFFF  }
0xa5: {  	s26 =	simm.s32 $execute0_lowered;
	[smem:$0x3FD2] =	sst s25  }
0xa6: {  	s5 =	sshll.u32 s26, $0x1;
	_ =	strace $0x80000049;
	[dreg:$0x1] =	wrdreg $0xFFFFFFFF  }
0xa7: {  	s28 =	simm.s32 $_size_execute0_lowered;
	s3 =	sadd.s32 s3, s5;
	[dreg:$0x0] =	wrdreg $0x0  }
0xa8: {  	s5 =	sshll.u32 s28, $0x1;
	[dreg:$0x2] =	wrdreg s3  }
0xa9: {  	[dreg:$0x3] =	wrdreg s5  }
0xaa: {  	[dreg:$0x4] =	wrdreg $0xC0  }
0xab: {  	_ =	task [dreg:s7], $0x5FFFF  }
0xac: {  	[dreg:$0x1] =	wrdreg $0xFFFFFFFF  }
0xad: {  	[dreg:$0x0] =	wrdreg $0x60  }
0xae: {  	[dreg:$0x2] =	wrdreg s2  }
0xaf: {  	[dreg:$0x3] =	wrdreg s24  }
0xb0: {  	[dreg:$0x4] =	wrdreg $0xC5100  }
0xb1: {  	[dreg:$0x5] =	wrdreg $0x9  }
0xb2: {  	_ =	task.clear_ibuf [dreg:s7], $0x6FFFF;
	_ =	strace $0x90000049  }
0xb3: {  	s29 =	simm.s32 $0x9;
	_ =	strace $0x8000004B  }
0xb4: {  	_ =	swait.ge [sflag:s29], $0x1  }
0xb5: {  	[sflag:s29] =	ssyncadd.s32 $0xFFFFFFFF  }
0xb6: {  	_ =	strace $0x9000004B  }
0xb7: {  	_ =	sfence  }
0xb8: {  	s30 =	sld [smem:$0x0];
	_ =	sdelay $0x2  }
0xb9: {  	s31 =	sshll.u32 s1, $0xD;
	s1 =	sshrl.u32 s1, $0x2  }
0xba: {  	s3 =	sand.u32 $0x4000, s31;
	s1 =	sadd.s32 s1, s30  }
0xbb: {  	s0 =	sor.u32 s3, s0;
	s1 =	sshll.u32 s1, $0x11  }
0xbc: {  	s0 =	sor.u32 s1, s0  }
0xbd: {  	s0 =	sadd.s32 $0x8F2B, s0  }
0xbe: {  	[sflag:s0] =	ssyncadd.remote.s32 $0x1  }
0xbf: {  	_ =	sfence.sel $0xFFFF  }
0xc0: {  	[dreg:$0x0] =	wrdreg $0xFFFFFFFF;
	(pc) =	sbr.abs _section_cstart, $3  }
0xc1: {  	[dreg:$0x1] =	wrdreg $0xFFFFFFFF  }
0xc2: {  	_ =	task.clear_ibuf [dreg:s7], $0x2FFFF;
	_ =	strace $0x9FFFFFFF  }
0xc3: {  	(tm) =	ssettm $0x7FFFFFFF  }
tec
execute0_lowered:
.L_overlay_start_1:
0x0: {  	(tag) =	ssettag $0x1  }
0x1: {  	s0 =	srdreg.scid;
	s1 =	rddreg [dreg:$0x0]  }
0x2: {  	s2 =	rddreg [dreg:$0x1];
	s17 =	stileid.u32  }
0x3: {  	s3 =	rddreg [dreg:$0x2];
	s18 =	simm.s32 $0x11;
	s19 =	simm.s32 $0x28  }
0x4: {  	s20 =	simm.s32 $0xF;
	s21 =	simm.s32 $0x10;
	s22 =	simm.s32 $0x9  }
0x5: {  	s23 =	simm.s32 $0xA;
	s28 =	simm.s32 $0x0;
	s13 =	smul.u32 $0x270, s17  }
0x6: {  	s0 =	sand.u32 $0x1, s0;
	s6 =	smul.u32 $0x9C00, s17;
	s7 =	sadd.s32 $0x64C00, s2  }
0x7: {  	s15 =	sadd.s32 $0xCA00, s2;
	s10 =	sadd.s32 $0x9C000, s3;
	p0 =	sne.s32 s17, $0xF  }
0x8: {  	s4 =	sshll.u32 s0, $0x4;
	s24 =	ssub.s32 $0x2, s0;
	s31 =	smul.u32 $0x2710, s0  }
0x9: {  	s0 =	smul.u32 $0x9C400, s0;
	s5 =	sor.u32 s17, s4;
	s4 =	simm.s32 $0x0  }
0xa: {  	s8 =	sshrl.u32 s24, $0x1;
	s9 =	sshrl.u32 s6, $0x3;
	s14 =	sadd.s32 $0x138, s13  }
0xb: {  	s6 =	sadd.s32 s6, s3;
	s17 =	simm.s32 $0x7710;
	s5 =	smul.u32 $0x271, s5  }
0xc: {  	[smem:$0x7FF] =	sst s4;
	s16 =	ssub.s32 s24, s8;
	s25 =	sadd.s32 s7, s9  }
0xd: {  	s26 =	sshll.u32 s14, $0x3;
	s30 =	sshll.u32 s14, $0x6;
	s13 =	sadd.s32 s13, s31  }
0xe: {  	s0 =	sshrl.u32 s0, $0x3;
	s24 =	simm.s32 $0xB;
	_ =	strace $0x8000004A  }
0xf: {  	[dreg:$0x4] =	wrdreg s25;
	s29 =	sadd.s32 s7, s26;
	s8 =	sadd.s32 s30, s3  }
0x10: {  	s13 =	sshll.u32 s13, $0x3;
	s0 =	sadd.s32 s15, s0;
	s16 =	smax.u32 s16, $0x1  }
.Ltmp0:
0x11: {  	s25 =	simm.s32 $0xC;
	s26 =	simm.s32 $0xD;
	(pc) =	sbr.rel .LBB2_1-.Ltmp0, $4  }
0x12: {  	s12 =	sadd.s32 s5, s2;
	[dreg:$0x5] =	wrdreg s29;
	s2 =	sadd.s32 $0x78400, s2  }
0x13: {  	s13 =	sadd.s32 s15, s13;
	[dreg:$0x6] =	wrdreg s2;
	s2 =	sadd.s32 s31, s14  }
0x14: {  	s11 =	sadd.s32 $0x7A00, s12;
	s12 =	sadd.s32 $0x2A00, s12;
	s2 =	sshll.u32 s2, $0x3  }
0x15: {  	s14 =	sadd.s32 s15, s2;
	s15 =	sadd.s32 $0x13800, s0;
	s0 =	simm.s32 $0xE  }
.LBB2_7:
0x16: {  	_ =	swait.ge [sflag:s0], $0xA00  }
0x17: {  	[sflag:s0] =	ssyncset.done $0x0  }
0x18: {  	[sflag:s0] =	ssyncadd.s32 $0xFFFFF600  }
0x19: {  	_ =	swait.ge [sflag:s20], $0xA00  }
0x1a: {  	[sflag:s20] =	ssyncset.done $0x0  }
0x1b: {  	[sflag:s20] =	ssyncadd.s32 $0xFFFFF600  }
0x1c: {  	_ =	swait.ge [sflag:s21], $0xA00  }
0x1d: {  	[sflag:s21] =	ssyncset.done $0x0  }
0x1e: {  	[sflag:s21] =	ssyncadd.s32 $0xFFFFF600  }
0x1f: {  	_ =	swait.ge [sflag:s22], $0xA00  }
0x20: {  	[sflag:s22] =	ssyncset.done $0x0  }
0x21: {  	[sflag:s22] =	ssyncadd.s32 $0xFFFFF600  }
0x22: {  	_ =	swait.ge [sflag:s23], $0xA00  }
0x23: {  	[sflag:s23] =	ssyncset.done $0x0  }
0x24: {  	[sflag:s23] =	ssyncadd.s32 $0xFFFFF600  }
0x25: {  	_ =	swait.ge [sflag:s24], $0xA00  }
0x26: {  	[sflag:s24] =	ssyncset.done $0x0  }
0x27: {  	[sflag:s24] =	ssyncadd.s32 $0xFFFFF600  }
0x28: {  	_ =	swait.ge [sflag:s25], $0xA00  }
0x29: {  	[sflag:s25] =	ssyncset.done $0x0  }
0x2a: {  	[sflag:s25] =	ssyncadd.s32 $0xFFFFF600  }
0x2b: {  	_ =	swait.ge [sflag:s26], $0xA00  }
0x2c: {  	[sflag:s26] =	ssyncset.done $0x0  }
0x2d: {  	[sflag:s26] =	ssyncadd.s32 $0xFFFFF600  }
0x2e: {  	[bflag:$0x0] =	sbarrier.arrive $0xFFFF  }
0x2f: {  	[tilespmem:s17], [sflag:$0x11] =	stream.linear.gather [spmem:s6], $0x4E00, $0x38;
	[tilespmem:$0x16150] =	vst v63  }
0x30: {  	_ =	swait.ge [sflag:s18], $0x4E00  }
0x31: {  	[sflag:s18] =	ssyncset.done $0x0  }
0x32: {  	[sflag:s18] =	ssyncadd.s32 $0xFFFFB200  }
0x33: {  	[hbm4b:s13+s4] =	stream.linear.scatter [tilespmem:s17], [sflag:$0x11], $0x4E00, $0x38;
	[tilespmem:$0x16150] =	vst v63  }
0x34: {  	_ =	swait.ge [sflag:s18], $0x4E00  }
0x35: {  	[sflag:s18] =	ssyncset.done $0x0  }
0x36: {  	[sflag:s18] =	ssyncadd.s32 $0xFFFFB200  }
0x37: {  	[tilespmem:s17], [sflag:$0x11] =	stream.linear.gather [spmem:s8], $0x4E00, $0x38;
	[tilespmem:$0x16150] =	vst v63  }
0x38: {  	_ =	swait.ge [sflag:s18], $0x4E00  }
0x39: {  	[sflag:s18] =	ssyncset.done $0x0  }
0x3a: {  	[sflag:s18] =	ssyncadd.s32 $0xFFFFB200  }
0x3b: {  	[hbm4b:s14+s4] =	stream.linear.scatter [tilespmem:s17], [sflag:$0x11], $0x4E00, $0x38;
	[tilespmem:$0x16150] =	vst v63  }
0x3c: {  	_ =	swait.ge [sflag:s18], $0x4E00  }
0x3d: {  	[sflag:s18] =	ssyncset.done $0x0  }
0x3e: {  	s2 =	simm.s32 @!p0 $0x7710;
	s5 =	simm.s32 @!p0 $0x11;
	[sflag:s18] =	ssyncadd.s32 $0xFFFFB200  }
0x3f: {  	[tilespmem:s2], [sflag:$0x11] =	stream.linear.gather @!p0 [spmem:s10], $0x400, $0x38;
	[tilespmem:$0x16150] =	vst v63  }
0x40: {  	s28 =	sadd.s32 $0x1, s28;
	_ =	swait.ge @!p0 [sflag:s5], $0x400  }
0x41: {  	p1 =	sne.s32 s28, s16;
	[sflag:s5] =	ssyncset.done @!p0 $0x0  }
.Ltmp1:
0x42: {  	s7 =	simm.s32 @!p0 $0x0;
	[sflag:s5] =	ssyncadd.s32 @!p0 $0xFFFFFC00;
	(pc) =	sbr.rel @!p1 .LBB2_8-.Ltmp1, $4  }
0x43: {  	[hbm4b:s15+s7] =	stream.linear.scatter @!p0 [tilespmem:s2], [sflag:$0x11], $0x400, $0x38;
	[tilespmem:$0x16150] =	vst v63  }
0x44: {  	_ =	swait.ge @!p0 [sflag:s5], $0x400  }
0x45: {  	[sflag:s5] =	ssyncset.done @!p0 $0x0  }
0x46: {  	[sflag:s5] =	ssyncadd.s32 @!p0 $0xFFFFFC00  }
.LBB2_1:
0x47: {  	s2 =	rddreg [dreg:$0x4]  }
0x48: {  	[tilespmem:s17], [sflag:$0x11] =	stream.linear.gather [hbm4b:s2+s4], $0x4E00, $0x38;
	[tilespmem:$0x16150] =	vst v63  }
0x49: {  	_ =	swait.ge [sflag:s18], $0x4E00  }
0x4a: {  	[sflag:s18] =	ssyncset.done $0x0  }
0x4b: {  	[sflag:s18] =	ssyncadd.s32 $0xFFFFB200  }
0x4c: {  	[spmem:s6] =	stream.linear.scatter [tilespmem:s17], [sflag:$0x11], $0x4E00, $0x38;
	[tilespmem:$0x16150] =	vst v63  }
0x4d: {  	_ =	swait.ge [sflag:s18], $0x4E00  }
0x4e: {  	[sflag:s18] =	ssyncset.done $0x0  }
0x4f: {  	s7 =	rddreg [dreg:$0x5];
	[sflag:s18] =	ssyncadd.s32 $0xFFFFB200  }
0x50: {  	[tilespmem:s17], [sflag:$0x11] =	stream.linear.gather [hbm4b:s7+s4], $0x4E00, $0x38;
	[tilespmem:$0x16150] =	vst v63  }
0x51: {  	_ =	swait.ge [sflag:s18], $0x4E00  }
0x52: {  	[sflag:s18] =	ssyncset.done $0x0  }
0x53: {  	[sflag:s18] =	ssyncadd.s32 $0xFFFFB200  }
0x54: {  	[spmem:s8] =	stream.linear.scatter [tilespmem:s17], [sflag:$0x11], $0x4E00, $0x38;
	[tilespmem:$0x16150] =	vst v63  }
0x55: {  	_ =	swait.ge [sflag:s18], $0x4E00  }
0x56: {  	s29 =	simm.s32 @!p0 $0x7710;
	[sflag:s18] =	ssyncset.done $0x0  }
0x57: {  	s2 =	simm.s32 @!p0 $0x0;
	s5 =	rddreg [dreg:$0x6];
	[sflag:s18] =	ssyncadd.s32 $0xFFFFB200  }
0x58: {  	[tilespmem:s29], [sflag:$0x11] =	stream.linear.gather @!p0 [hbm4b:s5+s2], $0x400, $0x38;
	[tilespmem:$0x16150] =	vst v63  }
0x59: {  	s2 =	simm.s32 @!p0 $0x11  }
0x5a: {  	_ =	swait.ge @!p0 [sflag:s2], $0x400  }
0x5b: {  	[sflag:s2] =	ssyncset.done @!p0 $0x0  }
0x5c: {  	[sflag:s2] =	ssyncadd.s32 @!p0 $0xFFFFFC00  }
0x5d: {  	[spmem:s10] =	stream.linear.scatter @!p0 [tilespmem:s29], [sflag:$0x11], $0x400, $0x38;
	[tilespmem:$0x16150] =	vst v63  }
0x5e: {  	_ =	swait.ge @!p0 [sflag:s2], $0x400  }
0x5f: {  	[sflag:s2] =	ssyncset.done @!p0 $0x0  }
0x60: {  	[sflag:s2] =	ssyncadd.s32 @!p0 $0xFFFFFC00  }
0x61: {  	[tilespmem:s4], [sflag:$0x11] =	stream.linear.gather [hbm4b:s11+s4], $0x1388, $0x38;
	[tilespmem:$0x16150] =	vst v63  }
0x62: {  	_ =	swait.ge [sflag:s18], $0x1388  }
0x63: {  	[sflag:s18] =	ssyncset.done $0x0  }
0x64: {  	s29 =	simm.s32 $0x1388;
	[sflag:s18] =	ssyncadd.s32 $0xFFFFEC78  }
0x65: {  	[tilespmem:s29], [sflag:$0x11] =	stream.linear.gather [hbm4b:s12+s4], $0x1388, $0x38;
	[tilespmem:$0x16150] =	vst v63  }
0x66: {  	_ =	swait.ge [sflag:s18], $0x1388  }
0x67: {  	[sflag:s18] =	ssyncset.done $0x0  }
0x68: {  	[sflag:s18] =	ssyncadd.s32 $0xFFFFEC78  }
0x69: {  	s9 =	simm.s32 $0x2710;
	[bflag:$0x0] =	sbarrier.arrive $0xFFFF  }
0x6a: {  	[tilespmem:s9], [sflag:$0x1] =	stream.indirect.gather [hbm4b:s1+s19], $0x40, s4, s19, $0xb8;
	[tilespmem:$0x16150] =	vst v63  }
0x6b: {  	s5 =	simm.s32 $0x3110  }
0x6c: {  	[tilespmem:s5], [sflag:$0x2] =	stream.indirect.gather [hbm4b:s1+s19], $0x40, s19, s19, $0xb8;
	[tilespmem:$0x16150] =	vst v63  }
0x6d: {  	s7 =	simm.s32 $0x50;
	s9 =	simm.s32 $0x3B10  }
0x6e: {  	[tilespmem:s9], [sflag:$0x3] =	stream.indirect.gather [hbm4b:s1+s19], $0x40, s7, s19, $0xb8;
	[tilespmem:$0x16150] =	vst v63  }
0x6f: {  	s7 =	simm.s32 $0x78;
	s9 =	simm.s32 $0x4510  }
0x70: {  	[tilespmem:s9], [sflag:$0x4] =	stream.indirect.gather [hbm4b:s1+s19], $0x40, s7, s19, $0xb8;
	[tilespmem:$0x16150] =	vst v63  }
0x71: {  	s7 =	simm.s32 $0xA0;
	s9 =	simm.s32 $0x4F10  }
0x72: {  	[tilespmem:s9], [sflag:$0x5] =	stream.indirect.gather [hbm4b:s1+s19], $0x40, s7, s19, $0xb8;
	[tilespmem:$0x16150] =	vst v63  }
.Ltmp2:
0x73: {  	_ = 	snop;
	(pc) =	sbr.rel .LBB2_2-.Ltmp2, $4  }
0x74: {  	s31 =	simm.s32 $0xFFFFFFFF;
	s7 =	simm.s32 $0xC8;
	s9 =	simm.s32 $0x5910  }
0x75: {  	[tilespmem:s9], [sflag:$0x6] =	stream.indirect.gather [hbm4b:s1+s19], $0x40, s7, s19, $0xb8;
	[tilespmem:$0x16150] =	vst v63  }
0x76: {  	s30 =	simm.s32 $0x118;
	s7 =	simm.s32 $0xF0;
	s9 =	simm.s32 $0x6310  }
0x77: {  	[tilespmem:s9], [sflag:$0x7] =	stream.indirect.gather [hbm4b:s1+s19], $0x40, s7, s19, $0xb8;
	[tilespmem:$0x16150] =	vst v63  }
.LBB2_3:
0x78: {  	s5 =	sadd.s32 $0x9, s2  }
0x79: {  	_ =	swait.ge [sflag:s5], $0xA00  }
0x7a: {  	[sflag:s5] =	ssyncset.done $0x0  }
0x7b: {  	[sflag:s5] =	ssyncadd.s32 $0xFFFFF600  }
.LBB2_5:
0x7c: {  	s5 =	smul.u32 $0x2800, s2;
	_ =	sdelay $0x1  }
0x7d: {  	s5 =	sshrl.u32 s5, $0x2  }
0x7e: {  	s9 =	sadd.s32 $0x1, s2;
	s5 =	sadd.s32 $0x2710, s5  }
0x7f: {  	[tilespmem:s5], [sflag:s9] =	stream.indirect.gather [hbm4b:s1+s19], $0x40, s30, s19, $0xb8;
	[tilespmem:$0x16150] =	vst v63  }
.LBB2_6:
0x80: {  	p1 =	sne.s32 s31, $0x7C  }
.Ltmp3:
0x81: {  	_ = 	snop;
	(pc) =	sbr.rel @!p1 .LBB2_7-.Ltmp3, $2  }
0x82: {  	_ =	sdelay $0x2  }
0x83: {  	s30 =	sadd.s32 $0x28, s30;
	s29 =	sadd.s32 $0x28, s29  }
.LBB2_2:
0x84: {  	s2 =	smov.u32 s31;
	s31 =	sadd.s32 $0x1, s31  }
0x85: {  	s5 =	sand.u32 $0x7, s31  }
0x86: {  	p1 =	sgt.u32 s2, $0x74;
	s7 =	smul.u32 $0x2800, s5;
	s9 =	sadd.s32 $0x1, s5  }
.Ltmp4:
0x87: {  	_ =	swait.ge [sflag:s9], $0xA00;
	(pc) =	sbr.rel @!p1 .LBB2_3-.Ltmp4, $4  }
0x88: {  	s5 =	sadd.s32 $0x9, s5;
	s7 =	sshrl.u32 s7, $0x2;
	[sflag:s9] =	ssyncset.done $0x0  }
0x89: {  	s7 =	sadd.s32 $0x2710, s7;
	[sflag:s9] =	ssyncadd.s32 $0xFFFFF600;
	s9 =	sadd.s32 $0x8, s2  }
0x8a: {  	[spmem:s3] =	stream.indirect.scatter.add.f32 [tilespmem:s7], [sflag:s5], $0x40, s29, s19, $0xb8;
	[tilespmem:$0x16150] =	vst v63  }
0x8b: {  	s2 =	sand.u32 $0x7, s9  }
0x8c: {  	p1 =	sgt.u32 s31, $0x75  }
.Ltmp5:
0x8d: {  	_ = 	snop;
	(pc) =	sbr.rel @p1 .LBB2_6-.Ltmp5, $4  }
.Ltmp6:
0x8e: {  	_ = 	snop;
	(pc) =	sbr.rel @!p1 .LBB2_5-.Ltmp6, $4  }
0x8f: {  	_ = 	snop  }
0x90: {  	_ = 	snop  }
0x91: {  	_ = 	snop  }
0x92: {  	_ = 	snop  }
.LBB2_8:
0x93: {  	_ =	sfence.sel $0x180000  }
0x94: {  	[bflag:$0x0] =	sbarrier.arrive $0xFFFF  }
0x95: {  	_ =	strace $0x9000004A  }
0x96: {  	s0 =	stileid.u32;
	[bflag:$0x2] =	sbarrier.arrive $0xFFFF  }
0x97: {  	p0 =	sne.s32 s0, $0x0;
	s0 =	rddreg [dreg:$0x3]  }
0x98: {  	s0 =	sadd.s32 @!p0 $0x100000, s0  }
0x99: {  	[sflag:s0] =	ssyncadd.tile.s32 @!p0 $0x1;
	_ =	shalt  }
.Lfunc_end2:
_tile_overlayer_lowered:
.L_overlay_start_2:
0x9a: {  	(tag) =	ssettag $0x2  }
0x9b: {  	s0 =	rddreg [dreg:$0x0];
	s2 =	stileid.u32  }
0x9c: {  	s1 =	rddreg [dreg:$0x1];
	p0 =	sne.s32 s2, $0x0  }
0x9d: {  	s3 =	rddreg [dreg:$0x2];
	[bflag:$0x3] =	sbarrier.arrive $0xFFFF;
	s2 =	simm.s32 @!p0 $0x1C11  }
0x9e: {  	[timem:s3], [sflag:s2] =	dma.local @!p0 [hbm:s0], s1  }
0x9f: {  	s0 =	simm.s32 @!p0 $0x11  }
0xa0: {  	_ =	swait.ge @!p0 [sflag:s0], s1  }
0xa1: {  	s1 =	ssub.s32 @!p0 $0x0, s1;
	[sflag:s0] =	ssyncset.done @!p0 $0x0  }
0xa2: {  	[sflag:s0] =	ssyncadd.s32 @!p0 s1  }
0xa3: {  	[bflag:$0x3] =	sbarrier.arrive $0xFFFF  }
0xa4: {  	_ =	shalt  }

</sc_bundles>
